<compile_context>
chip_gen: v7x
topology: tpu7x:2x2x1
jax: 0.10.2.dev20260603
libtpu: 0.0.44.dev20260713+nightly
codegen_flags: <defaults>
</compile_context>

<pallas_src>
import functools

import jax
import jax.numpy as jnp
from jax import lax
from jax.experimental import pallas as pl
from jax.experimental.pallas import tpu as pltpu
from jax.experimental.pallas import tpu_sc as plsc

NUM_CORES = 2
NUM_SUBCORES = 16
LANES = 16
NUM_WORKERS = NUM_CORES * NUM_SUBCORES

BATCH = 16384
DIM = 32
CHUNK = BATCH // NUM_WORKERS
NGROUPS = CHUNK // LANES


def _body(user_hbm, item_hbm, ue_hbm, ie_hbm, ub_hbm, ib_hbm, off_hbm,
          out_hbm, uidx_v, iidx_v, blk_v, uc_v, bias_v, out_v, off_v, sem):
    wid = lax.axis_index("s") * NUM_CORES + lax.axis_index("c")
    base = wid * CHUNK

    pltpu.sync_copy(user_hbm.at[pl.ds(base, CHUNK)], uidx_v)
    pltpu.sync_copy(item_hbm.at[pl.ds(base, CHUNK)], iidx_v)
    pltpu.sync_copy(off_hbm, off_v.at[pl.ds(0, 1)])
    off = off_v[pl.ds(0, LANES)][0]

    ivec = lax.iota(jnp.int32, LANES)

    def fetch_blocks(table_hbm, r):
        copies = []
        for i in range(LANES):
            start = pl.multiple_of((r[i] // 128) * 128, 128)
            copies.append(pltpu.async_copy(
                table_hbm.at[:, pl.ds(start, 128)], blk_v.at[i], sem))
        return copies

    def fetch_bias(bias_hbm, idx_ref, g, half):
        return [pltpu.async_copy(
            bias_hbm.at[idx_ref.at[pl.ds(g * LANES, LANES)]],
            bias_v.at[pl.ds(half * LANES, LANES)], sem)]

    def group(g, carry):
        gbase = g * LANES
        ru = uidx_v[pl.ds(gbase, LANES)]
        ri = iidx_v[pl.ds(gbase, LANES)]
        lane_u = ru % 128
        lane_i = ri % 128

        copies = fetch_blocks(ue_hbm, ru)
        copies += fetch_bias(ub_hbm, uidx_v, g, 0)
        copies += fetch_bias(ib_hbm, iidx_v, g, 1)
        for c in copies:
            c.wait()
        for d in range(DIM):
            dvec = jnp.full((LANES,), d, jnp.int32)
            uc_v[d, pl.ds(0, LANES)] = plsc.load_gather(
                blk_v, (ivec, dvec, lane_u))
        ub = bias_v[pl.ds(0, LANES)]
        ib = bias_v[pl.ds(LANES, LANES)]

        copies = fetch_blocks(ie_hbm, ri)
        for c in copies:
            c.wait()
        acc = ub + ib + off
        for d in range(DIM):
            dvec = jnp.full((LANES,), d, jnp.int32)
            acc = acc + uc_v[d, pl.ds(0, LANES)] * plsc.load_gather(
                blk_v, (ivec, dvec, lane_i))

        out_v[pl.ds(gbase, LANES)] = 5.5 / (1.0 + jnp.exp(-acc))
        return carry

    lax.fori_loop(0, NGROUPS, group, 0)
    pltpu.sync_copy(out_v, out_hbm.at[pl.ds(base, CHUNK)])


@jax.jit
def kernel(user, item, user_emb, item_emb, user_bias, item_bias, offset):
    run = functools.partial(
        pl.kernel,
        out_type=jax.ShapeDtypeStruct((BATCH,), jnp.float32),
        mesh=plsc.VectorSubcoreMesh(core_axis_name="c", subcore_axis_name="s"),
        scratch_types=[
            pltpu.VMEM((CHUNK,), jnp.int32),
            pltpu.VMEM((CHUNK,), jnp.int32),
            pltpu.VMEM((LANES, DIM, 128), jnp.float32),
            pltpu.VMEM((DIM, LANES), jnp.float32),
            pltpu.VMEM((2 * LANES,), jnp.float32),
            pltpu.VMEM((CHUNK,), jnp.float32),
            pltpu.VMEM((LANES,), jnp.float32),
            pltpu.SemaphoreType.DMA,
        ],
        compiler_params=pltpu.CompilerParams(
            needs_layout_passes=False, use_tc_tiling_on_sc=True),
    )(_body)
    return run(user.astype(jnp.int32), item.astype(jnp.int32),
               user_emb.T, item_emb.T, user_bias, item_bias, offset)

# --- scband reference (transcript-rebuilt; emitter-appended) ---
"""Pipeline reference for scband-mfadvanced-20272245637421 (READ-ONLY COPY).

The authoritative reference and input builder live on the scoring server;
editing this copy changes nothing except your own understanding.
"""

import jax, jax.numpy as jnp
import numpy as np

NUM_USERS = 1000000
NUM_ITEMS = 1000000
EMB_DIM = 32
BATCH = 16384


def setup_inputs(seed: int = 0) -> dict:
    key = jax.random.key(seed)
    k_user, k_item, k_ue, k_ie = jax.random.split(key, 4)
    user = jax.random.randint(k_user, (BATCH,), 0, NUM_USERS, dtype=jnp.int64 if jax.config.jax_enable_x64 else jnp.int32)
    item = jax.random.randint(k_item, (BATCH,), 0, NUM_ITEMS, dtype=jnp.int64 if jax.config.jax_enable_x64 else jnp.int32)
    # init=True -> uniform(0.0, 0.05)
    user_emb = jax.random.uniform(k_ue, (NUM_USERS, EMB_DIM), dtype=jnp.float32, minval=0.0, maxval=0.05)
    item_emb = jax.random.uniform(k_ie, (NUM_ITEMS, EMB_DIM), dtype=jnp.float32, minval=0.0, maxval=0.05)
    user_bias = jnp.zeros((NUM_USERS,), dtype=jnp.float32)
    item_bias = jnp.zeros((NUM_ITEMS,), dtype=jnp.float32)
    offset = jnp.zeros((1,), dtype=jnp.float32)
    return {
        "user": user,
        "item": item,
        "user_emb": user_emb,
        "item_emb": item_emb,
        "user_bias": user_bias,
        "item_bias": item_bias,
        "offset": offset,
    }


def sigmoid_range(x, low, high):
    return jax.nn.sigmoid(x) * (high - low) + low


def reference(user, item, user_emb, item_emb, user_bias, item_bias, offset):
    ue = jnp.take(user_emb, user, axis=0)  # [B, D]
    ie = jnp.take(item_emb, item, axis=0)  # [B, D]
    element_product = (ue * ie).sum(axis=1)  # [B]
    ub = jnp.take(user_bias, user, axis=0)
    ib = jnp.take(item_bias, item, axis=0)
    element_product = element_product + ub + ib + offset
    return sigmoid_range(element_product, 0.0, 5.5)

if __name__ == "__main__":
    import jax
    _d = setup_inputs()
    print(jax.jit(kernel)(*tuple(_d.values())))

</pallas_src>

<mosaic_0001>
#map = affine_map<(d0, d1) -> (0)>
#map1 = affine_map<(d0, d1) -> (0, 0)>
module attributes {stable_mosaic.version = 14 : i64} {
  func.func @_body(%arg0: i32, %arg1: i32, %arg2: memref<16384xi32, #tpu.memory_space<hbm>>, %arg3: memref<16384xi32, #tpu.memory_space<hbm>>, %arg4: memref<32x1000000xf32, #tpu.memory_space<hbm>>, %arg5: memref<32x1000000xf32, #tpu.memory_space<hbm>>, %arg6: memref<1000000xf32, #tpu.memory_space<hbm>>, %arg7: memref<1000000xf32, #tpu.memory_space<hbm>>, %arg8: memref<1xf32, #tpu.memory_space<hbm>>, %arg9: memref<16384xf32, #tpu.memory_space<hbm>>, %arg10: memref<512xi32, #tpu.memory_space<vmem>>, %arg11: memref<512xi32, #tpu.memory_space<vmem>>, %arg12: memref<16x32x128xf32, #tpu.memory_space<vmem>>, %arg13: memref<32x16xf32, #tpu.memory_space<vmem>>, %arg14: memref<32xf32, #tpu.memory_space<vmem>>, %arg15: memref<512xf32, #tpu.memory_space<vmem>>, %arg16: memref<16xf32, #tpu.memory_space<vmem>>, %arg17: memref<!tpu.dma_semaphore, #tpu.memory_space<semaphore_mem>>) attributes {dimension_semantics = [#tpu.dimension_semantics<core_parallel>, #tpu.dimension_semantics<subcore_parallel>], iteration_bounds = array<i64: 2, 16>, scalar_prefetch = 0 : i64, scratch_operands = 8 : i64, tpu.core_type = #tpu.core_type<sc_vector_subcore>, window_params = [{transform_indices = #map}, {transform_indices = #map}, {transform_indices = #map1}, {transform_indices = #map1}, {transform_indices = #map}, {transform_indices = #map}, {transform_indices = #map}, {transform_indices = #map}]} {
    %mul3A = arith.constant 2 : i32
    %mul3A_0 = arith.muli %arg1, %mul3A : i32
    %add3A = arith.addi %mul3A_0, %arg0 : i32
    %mul3A_1 = arith.constant 512 : i32
    %mul3A_2 = arith.muli %add3A, %mul3A_1 : i32
    "tpu.region"() ({
      %run_scoped3A = tpu.sem_alloc : memref<!tpu.dma_semaphore, #tpu.memory_space<semaphore_mem>>
      %dma_start3A = tpu.memref_slice %arg2[%mul3A_2] : memref<16384xi32, #tpu.memory_space<hbm>> -> memref<512xi32, #tpu.memory_space<hbm>>
      %dma_start3A_9 = tpu.memref_slice %arg2[%mul3A_2] : memref<16384xi32, #tpu.memory_space<hbm>> -> memref<512xi32, #tpu.memory_space<hbm>>
      tpu.enqueue_dma source(%dma_start3A_9 : memref<512xi32, #tpu.memory_space<hbm>>) target(%arg10 : memref<512xi32, #tpu.memory_space<vmem>>) target_semaphore(%run_scoped3A : memref<!tpu.dma_semaphore, #tpu.memory_space<semaphore_mem>>)
      %dma_wait3A = tpu.memref_slice %arg2[%mul3A_2] : memref<16384xi32, #tpu.memory_space<hbm>> -> memref<512xi32, #tpu.memory_space<hbm>>
      %dma_wait3A_10 = tpu.memref_slice %arg2[%mul3A_2] : memref<16384xi32, #tpu.memory_space<hbm>> -> memref<512xi32, #tpu.memory_space<hbm>>
      tpu.wait_dma2 semaphore(%run_scoped3A : memref<!tpu.dma_semaphore, #tpu.memory_space<semaphore_mem>>) src(%dma_wait3A_10 : memref<512xi32, #tpu.memory_space<hbm>>) dst(%arg10 : memref<512xi32, #tpu.memory_space<vmem>>)
      tpu.yield
    }) : () -> ()
    "tpu.region"() ({
      %run_scoped3A = tpu.sem_alloc : memref<!tpu.dma_semaphore, #tpu.memory_space<semaphore_mem>>
      %dma_start3A = tpu.memref_slice %arg3[%mul3A_2] : memref<16384xi32, #tpu.memory_space<hbm>> -> memref<512xi32, #tpu.memory_space<hbm>>
      %dma_start3A_9 = tpu.memref_slice %arg3[%mul3A_2] : memref<16384xi32, #tpu.memory_space<hbm>> -> memref<512xi32, #tpu.memory_space<hbm>>
      tpu.enqueue_dma source(%dma_start3A_9 : memref<512xi32, #tpu.memory_space<hbm>>) target(%arg11 : memref<512xi32, #tpu.memory_space<vmem>>) target_semaphore(%run_scoped3A : memref<!tpu.dma_semaphore, #tpu.memory_space<semaphore_mem>>)
      %dma_wait3A = tpu.memref_slice %arg3[%mul3A_2] : memref<16384xi32, #tpu.memory_space<hbm>> -> memref<512xi32, #tpu.memory_space<hbm>>
      %dma_wait3A_10 = tpu.memref_slice %arg3[%mul3A_2] : memref<16384xi32, #tpu.memory_space<hbm>> -> memref<512xi32, #tpu.memory_space<hbm>>
      tpu.wait_dma2 semaphore(%run_scoped3A : memref<!tpu.dma_semaphore, #tpu.memory_space<semaphore_mem>>) src(%dma_wait3A_10 : memref<512xi32, #tpu.memory_space<hbm>>) dst(%arg11 : memref<512xi32, #tpu.memory_space<vmem>>)
      tpu.yield
    }) : () -> ()
    "tpu.region"() ({
      %run_scoped3A = tpu.sem_alloc : memref<!tpu.dma_semaphore, #tpu.memory_space<semaphore_mem>>
      %dma_start3A = arith.constant 0 : i32
      %dma_start3A_9 = tpu.memref_slice %arg16[%dma_start3A] : memref<16xf32, #tpu.memory_space<vmem>> -> memref<1xf32, #tpu.memory_space<vmem>>
      %dma_start3A_10 = arith.constant 0 : i32
      %dma_start3A_11 = tpu.memref_slice %arg16[%dma_start3A_10] : memref<16xf32, #tpu.memory_space<vmem>> -> memref<1xf32, #tpu.memory_space<vmem>>
      tpu.enqueue_dma source(%arg8 : memref<1xf32, #tpu.memory_space<hbm>>) target(%dma_start3A_11 : memref<1xf32, #tpu.memory_space<vmem>>) target_semaphore(%run_scoped3A : memref<!tpu.dma_semaphore, #tpu.memory_space<semaphore_mem>>)
      %dma_wait3A = arith.constant 0 : i32
      %dma_wait3A_12 = tpu.memref_slice %arg16[%dma_wait3A] : memref<16xf32, #tpu.memory_space<vmem>> -> memref<1xf32, #tpu.memory_space<vmem>>
      %dma_wait3A_13 = arith.constant 0 : i32
      %dma_wait3A_14 = tpu.memref_slice %arg16[%dma_wait3A_13] : memref<16xf32, #tpu.memory_space<vmem>> -> memref<1xf32, #tpu.memory_space<vmem>>
      tpu.wait_dma2 semaphore(%run_scoped3A : memref<!tpu.dma_semaphore, #tpu.memory_space<semaphore_mem>>) src(%arg8 : memref<1xf32, #tpu.memory_space<hbm>>) dst(%dma_wait3A_14 : memref<1xf32, #tpu.memory_space<vmem>>)
      tpu.yield
    }) : () -> ()
    %get3A = arith.constant 0 : index
    %get3A_3 = tpu.vector_load %arg16[%get3A] {strides = array<i32>} : memref<16xf32, #tpu.memory_space<vmem>>, vector<16xf32>,
    %slice3A = vector.extract_strided_slice %get3A_3 {offsets = [0], sizes = [1], strides = [1]} : vector<16xf32> to vector<1xf32>
    %squeeze3A = vector.extract %slice3A[0] : f32 from vector<1xf32>
    %iota3A = tpu.iota {dimensions = array<i32: 0>} : vector<16xi32>
    %scan3A = arith.constant 0 : i32
    %scan3A_4 = arith.constant 0 : i32
    %scan3A_5 = arith.constant 32 : i32
    %scan3A_6 = arith.addi %scan3A_4, %scan3A_5 : i32
    %scan3A_7 = arith.constant 1 : i32
    scf.for %scan3A_9 = %scan3A_4 to %scan3A_6 step %scan3A_7  : i32 {
      %mul3A_10 = arith.constant 16 : i32
      %mul3A_11 = arith.muli %scan3A_9, %mul3A_10 : i32
      %get3A_12 = arith.index_cast %mul3A_11 : i32 to index
      %get3A_13 = tpu.vector_load %arg10[%get3A_12] {strides = array<i32>} : memref<512xi32, #tpu.memory_space<vmem>>, vector<16xi32>,
      %get3A_14 = arith.index_cast %mul3A_11 : i32 to index
      %get3A_15 = tpu.vector_load %arg11[%get3A_14] {strides = array<i32>} : memref<512xi32, #tpu.memory_space<vmem>>, vector<16xi32>,
      %jit3A = arith.constant 128 : i32
      %eq3A = arith.constant 0 : i32
      %eq3A_16 = arith.cmpi eq, %jit3A, %eq3A : i32
      %jit3A_17 = arith.constant 1 : i32
      %select_n3A = arith.select %eq3A_16, %jit3A_17, %jit3A : i32
      %rem3A = vector.broadcast %select_n3A : i32 to vector<16xi32>
      %rem3A_18 = arith.remsi %get3A_13, %rem3A : vector<16xi32>
      %ne3A = arith.constant 0 : i32
      %ne3A_19 = vector.broadcast %ne3A : i32 to vector<16xi32>
      %ne3A_20 = arith.cmpi ne, %rem3A_18, %ne3A_19 : vector<16xi32>
      %lt3A = arith.constant 0 : i32
      %lt3A_21 = vector.broadcast %lt3A : i32 to vector<16xi32>
      %lt3A_22 = arith.cmpi slt, %rem3A_18, %lt3A_21 : vector<16xi32>
      %lt3A_23 = arith.constant 0 : i32
      %lt3A_24 = arith.cmpi slt, %select_n3A, %lt3A_23 : i32
      %ne3A_25 = vector.broadcast %lt3A_24 : i1 to vector<16xi1>
      %ne3A_26 = vector.broadcast %ne3A_25 : vector<16xi1> to vector<16xi1>
      %ne3A_27 = arith.xori %lt3A_22, %ne3A_26 : vector<16xi1>
      %and3A = arith.andi %ne3A_27, %ne3A_20 : vector<16xi1>
      %add3A_28 = vector.broadcast %select_n3A : i32 to vector<16xi32>
      %add3A_29 = arith.addi %rem3A_18, %add3A_28 : vector<16xi32>
      %select_n3A_30 = arith.select %and3A, %add3A_29, %rem3A_18 : vector<16xi1>, vector<16xi32>
      %jit3A_31 = arith.constant 128 : i32
      %eq3A_32 = arith.constant 0 : i32
      %eq3A_33 = arith.cmpi eq, %jit3A_31, %eq3A_32 : i32
      %jit3A_34 = arith.constant 1 : i32
      %select_n3A_35 = arith.select %eq3A_33, %jit3A_34, %jit3A_31 : i32
      %rem3A_36 = vector.broadcast %select_n3A_35 : i32 to vector<16xi32>
      %rem3A_37 = arith.remsi %get3A_15, %rem3A_36 : vector<16xi32>
      %ne3A_38 = arith.constant 0 : i32
      %ne3A_39 = vector.broadcast %ne3A_38 : i32 to vector<16xi32>
      %ne3A_40 = arith.cmpi ne, %rem3A_37, %ne3A_39 : vector<16xi32>
      %lt3A_41 = arith.constant 0 : i32
      %lt3A_42 = vector.broadcast %lt3A_41 : i32 to vector<16xi32>
      %lt3A_43 = arith.cmpi slt, %rem3A_37, %lt3A_42 : vector<16xi32>
      %lt3A_44 = arith.constant 0 : i32
      %lt3A_45 = arith.cmpi slt, %select_n3A_35, %lt3A_44 : i32
      %ne3A_46 = vector.broadcast %lt3A_45 : i1 to vector<16xi1>
      %ne3A_47 = vector.broadcast %ne3A_46 : vector<16xi1> to vector<16xi1>
      %ne3A_48 = arith.xori %lt3A_43, %ne3A_47 : vector<16xi1>
      %and3A_49 = arith.andi %ne3A_48, %ne3A_40 : vector<16xi1>
      %add3A_50 = vector.broadcast %select_n3A_35 : i32 to vector<16xi32>
      %add3A_51 = arith.addi %rem3A_37, %add3A_50 : vector<16xi32>
      %select_n3A_52 = arith.select %and3A_49, %add3A_51, %rem3A_37 : vector<16xi1>, vector<16xi32>
      %slice3A_53 = vector.extract_strided_slice %get3A_13 {offsets = [0], sizes = [1], strides = [1]} : vector<16xi32> to vector<1xi32>
      %squeeze3A_54 = vector.extract %slice3A_53[0] : i32 from vector<1xi32>
      %jit3A_55 = arith.constant 128 : i32
      %div3A = arith.divsi %squeeze3A_54, %jit3A_55 : i32
      %sign3A = arith.constant 0 : i32
      %sign3A_56 = arith.cmpi sgt, %squeeze3A_54, %sign3A : i32
      %sign3A_57 = arith.extui %sign3A_56 : i1 to i32
      %sign3A_58 = arith.constant 0 : i32
      %sign3A_59 = arith.cmpi slt, %squeeze3A_54, %sign3A_58 : i32
      %sign3A_60 = arith.extui %sign3A_59 : i1 to i32
      %sign3A_61 = arith.subi %sign3A_57, %sign3A_60 : i32
      %sign3A_62 = arith.constant 0 : i32
      %sign3A_63 = arith.cmpi sgt, %jit3A_55, %sign3A_62 : i32
      %sign3A_64 = arith.extui %sign3A_63 : i1 to i32
      %sign3A_65 = arith.constant 0 : i32
      %sign3A_66 = arith.cmpi slt, %jit3A_55, %sign3A_65 : i32
      %sign3A_67 = arith.extui %sign3A_66 : i1 to i32
      %sign3A_68 = arith.subi %sign3A_64, %sign3A_67 : i32
      %ne3A_69 = arith.cmpi ne, %sign3A_61, %sign3A_68 : i32
      %rem3A_70 = arith.remsi %squeeze3A_54, %jit3A_55 : i32
      %ne3A_71 = arith.constant 0 : i32
      %ne3A_72 = arith.cmpi ne, %rem3A_70, %ne3A_71 : i32
      %and3A_73 = arith.andi %ne3A_69, %ne3A_72 : i1
      %sub3A = arith.constant 1 : i32
      %sub3A_74 = arith.subi %div3A, %sub3A : i32
      %select_n3A_75 = arith.select %and3A_73, %sub3A_74, %div3A : i32
      %mul3A_76 = arith.constant 128 : i32
      %mul3A_77 = arith.muli %select_n3A_75, %mul3A_76 : i32
      %multiple_of3A = tpu.assume_multiple %mul3A_77, 128 : i32
      %dma_start3A = arith.constant 0 : i32
      %dma_start3A_78 = arith.constant 0 : i32
      %dma_start3A_79 = arith.constant 0 : i32
      %dma_start3A_80 = tpu.memref_slice %arg12[%dma_start3A, %dma_start3A_78, %dma_start3A_79] : memref<16x32x128xf32, #tpu.memory_space<vmem>> -> memref<1x32x128xf32, #tpu.memory_space<vmem>>
      %dma_start3A_81 = tpu.memref_squeeze %dma_start3A_80 : memref<1x32x128xf32, #tpu.memory_space<vmem>> -> memref<32x128xf32, #tpu.memory_space<vmem>>
      %dma_start3A_82 = arith.constant 0 : i32
      %dma_start3A_83 = tpu.memref_slice %arg4[%dma_start3A_82, %multiple_of3A] : memref<32x1000000xf32, #tpu.memory_space<hbm>> -> memref<32x128xf32, #tpu.memory_space<hbm>>
      %dma_start3A_84 = arith.constant 0 : i32
      %dma_start3A_85 = arith.constant 0 : i32
      %dma_start3A_86 = tpu.memref_slice %arg12[%dma_start3A, %dma_start3A_84, %dma_start3A_85] : memref<16x32x128xf32, #tpu.memory_space<vmem>> -> memref<1x32x128xf32, #tpu.memory_space<vmem>>
      %dma_start3A_87 = tpu.memref_squeeze %dma_start3A_86 : memref<1x32x128xf32, #tpu.memory_space<vmem>> -> memref<32x128xf32, #tpu.memory_space<vmem>>
      %dma_start3A_88 = arith.constant 0 : i32
      %dma_start3A_89 = tpu.memref_slice %arg4[%dma_start3A_88, %multiple_of3A] : memref<32x1000000xf32, #tpu.memory_space<hbm>> -> memref<32x128xf32, #tpu.memory_space<hbm>>
      tpu.enqueue_dma source(%dma_start3A_89 : memref<32x128xf32, #tpu.memory_space<hbm>>) target(%dma_start3A_87 : memref<32x128xf32, #tpu.memory_space<vmem>>) target_semaphore(%arg17 : memref<!tpu.dma_semaphore, #tpu.memory_space<semaphore_mem>>)
      %slice3A_90 = vector.extract_strided_slice %get3A_13 {offsets = [1], sizes = [1], strides = [1]} : vector<16xi32> to vector<1xi32>
      %squeeze3A_91 = vector.extract %slice3A_90[0] : i32 from vector<1xi32>
      %jit3A_92 = arith.constant 128 : i32
      %div3A_93 = arith.divsi %squeeze3A_91, %jit3A_92 : i32
      %sign3A_94 = arith.constant 0 : i32
      %sign3A_95 = arith.cmpi sgt, %squeeze3A_91, %sign3A_94 : i32
      %sign3A_96 = arith.extui %sign3A_95 : i1 to i32
      %sign3A_97 = arith.constant 0 : i32
      %sign3A_98 = arith.cmpi slt, %squeeze3A_91, %sign3A_97 : i32
      %sign3A_99 = arith.extui %sign3A_98 : i1 to i32
      %sign3A_100 = arith.subi %sign3A_96, %sign3A_99 : i32
      %sign3A_101 = arith.constant 0 : i32
      %sign3A_102 = arith.cmpi sgt, %jit3A_92, %sign3A_101 : i32
      %sign3A_103 = arith.extui %sign3A_102 : i1 to i32
      %sign3A_104 = arith.constant 0 : i32
      %sign3A_105 = arith.cmpi slt, %jit3A_92, %sign3A_104 : i32
      %sign3A_106 = arith.extui %sign3A_105 : i1 to i32
      %sign3A_107 = arith.subi %sign3A_103, %sign3A_106 : i32
      %ne3A_108 = arith.cmpi ne, %sign3A_100, %sign3A_107 : i32
      %rem3A_109 = arith.remsi %squeeze3A_91, %jit3A_92 : i32
      %ne3A_110 = arith.constant 0 : i32
      %ne3A_111 = arith.cmpi ne, %rem3A_109, %ne3A_110 : i32
      %and3A_112 = arith.andi %ne3A_108, %ne3A_111 : i1
      %sub3A_113 = arith.constant 1 : i32
      %sub3A_114 = arith.subi %div3A_93, %sub3A_113 : i32
      %select_n3A_115 = arith.select %and3A_112, %sub3A_114, %div3A_93 : i32
      %mul3A_116 = arith.constant 128 : i32
      %mul3A_117 = arith.muli %select_n3A_115, %mul3A_116 : i32
      %multiple_of3A_118 = tpu.assume_multiple %mul3A_117, 128 : i32
      %dma_start3A_119 = arith.constant 1 : i32
      %dma_start3A_120 = arith.constant 0 : i32
      %dma_start3A_121 = arith.constant 0 : i32
      %dma_start3A_122 = tpu.memref_slice %arg12[%dma_start3A_119, %dma_start3A_120, %dma_start3A_121] : memref<16x32x128xf32, #tpu.memory_space<vmem>> -> memref<1x32x128xf32, #tpu.memory_space<vmem>>
      %dma_start3A_123 = tpu.memref_squeeze %dma_start3A_122 : memref<1x32x128xf32, #tpu.memory_space<vmem>> -> memref<32x128xf32, #tpu.memory_space<vmem>>
      %dma_start3A_124 = arith.constant 0 : i32
      %dma_start3A_125 = tpu.memref_slice %arg4[%dma_start3A_124, %multiple_of3A_118] : memref<32x1000000xf32, #tpu.memory_space<hbm>> -> memref<32x128xf32, #tpu.memory_space<hbm>>
      %dma_start3A_126 = arith.constant 0 : i32
      %dma_start3A_127 = arith.constant 0 : i32
      %dma_start3A_128 = tpu.memref_slice %arg12[%dma_start3A_119, %dma_start3A_126, %dma_start3A_127] : memref<16x32x128xf32, #tpu.memory_space<vmem>> -> memref<1x32x128xf32, #tpu.memory_space<vmem>>
      %dma_start3A_129 = tpu.memref_squeeze %dma_start3A_128 : memref<1x32x128xf32, #tpu.memory_space<vmem>> -> memref<32x128xf32, #tpu.memory_space<vmem>>
      %dma_start3A_130 = arith.constant 0 : i32
      %dma_start3A_131 = tpu.memref_slice %arg4[%dma_start3A_130, %multiple_of3A_118] : memref<32x1000000xf32, #tpu.memory_space<hbm>> -> memref<32x128xf32, #tpu.memory_space<hbm>>
      tpu.enqueue_dma source(%dma_start3A_131 : memref<32x128xf32, #tpu.memory_space<hbm>>) target(%dma_start3A_129 : memref<32x128xf32, #tpu.memory_space<vmem>>) target_semaphore(%arg17 : memref<!tpu.dma_semaphore, #tpu.memory_space<semaphore_mem>>)
      %slice3A_132 = vector.extract_strided_slice %get3A_13 {offsets = [2], sizes = [1], strides = [1]} : vector<16xi32> to vector<1xi32>
      %squeeze3A_133 = vector.extract %slice3A_132[0] : i32 from vector<1xi32>
      %jit3A_134 = arith.constant 128 : i32
      %div3A_135 = arith.divsi %squeeze3A_133, %jit3A_134 : i32
      %sign3A_136 = arith.constant 0 : i32
      %sign3A_137 = arith.cmpi sgt, %squeeze3A_133, %sign3A_136 : i32
      %sign3A_138 = arith.extui %sign3A_137 : i1 to i32
      %sign3A_139 = arith.constant 0 : i32
      %sign3A_140 = arith.cmpi slt, %squeeze3A_133, %sign3A_139 : i32
      %sign3A_141 = arith.extui %sign3A_140 : i1 to i32
      %sign3A_142 = arith.subi %sign3A_138, %sign3A_141 : i32
      %sign3A_143 = arith.constant 0 : i32
      %sign3A_144 = arith.cmpi sgt, %jit3A_134, %sign3A_143 : i32
      %sign3A_145 = arith.extui %sign3A_144 : i1 to i32
      %sign3A_146 = arith.constant 0 : i32
      %sign3A_147 = arith.cmpi slt, %jit3A_134, %sign3A_146 : i32
      %sign3A_148 = arith.extui %sign3A_147 : i1 to i32
      %sign3A_149 = arith.subi %sign3A_145, %sign3A_148 : i32
      %ne3A_150 = arith.cmpi ne, %sign3A_142, %sign3A_149 : i32
      %rem3A_151 = arith.remsi %squeeze3A_133, %jit3A_134 : i32
      %ne3A_152 = arith.constant 0 : i32
      %ne3A_153 = arith.cmpi ne, %rem3A_151, %ne3A_152 : i32
      %and3A_154 = arith.andi %ne3A_150, %ne3A_153 : i1
      %sub3A_155 = arith.constant 1 : i32
      %sub3A_156 = arith.subi %div3A_135, %sub3A_155 : i32
      %select_n3A_157 = arith.select %and3A_154, %sub3A_156, %div3A_135 : i32
      %mul3A_158 = arith.constant 128 : i32
      %mul3A_159 = arith.muli %select_n3A_157, %mul3A_158 : i32
      %multiple_of3A_160 = tpu.assume_multiple %mul3A_159, 128 : i32
      %dma_start3A_161 = arith.constant 2 : i32
      %dma_start3A_162 = arith.constant 0 : i32
      %dma_start3A_163 = arith.constant 0 : i32
      %dma_start3A_164 = tpu.memref_slice %arg12[%dma_start3A_161, %dma_start3A_162, %dma_start3A_163] : memref<16x32x128xf32, #tpu.memory_space<vmem>> -> memref<1x32x128xf32, #tpu.memory_space<vmem>>
      %dma_start3A_165 = tpu.memref_squeeze %dma_start3A_164 : memref<1x32x128xf32, #tpu.memory_space<vmem>> -> memref<32x128xf32, #tpu.memory_space<vmem>>
      %dma_start3A_166 = arith.constant 0 : i32
      %dma_start3A_167 = tpu.memref_slice %arg4[%dma_start3A_166, %multiple_of3A_160] : memref<32x1000000xf32, #tpu.memory_space<hbm>> -> memref<32x128xf32, #tpu.memory_space<hbm>>
      %dma_start3A_168 = arith.constant 0 : i32
      %dma_start3A_169 = arith.constant 0 : i32
      %dma_start3A_170 = tpu.memref_slice %arg12[%dma_start3A_161, %dma_start3A_168, %dma_start3A_169] : memref<16x32x128xf32, #tpu.memory_space<vmem>> -> memref<1x32x128xf32, #tpu.memory_space<vmem>>
      %dma_start3A_171 = tpu.memref_squeeze %dma_start3A_170 : memref<1x32x128xf32, #tpu.memory_space<vmem>> -> memref<32x128xf32, #tpu.memory_space<vmem>>
      %dma_start3A_172 = arith.constant 0 : i32
      %dma_start3A_173 = tpu.memref_slice %arg4[%dma_start3A_172, %multiple_of3A_160] : memref<32x1000000xf32, #tpu.memory_space<hbm>> -> memref<32x128xf32, #tpu.memory_space<hbm>>
      tpu.enqueue_dma source(%dma_start3A_173 : memref<32x128xf32, #tpu.memory_space<hbm>>) target(%dma_start3A_171 : memref<32x128xf32, #tpu.memory_space<vmem>>) target_semaphore(%arg17 : memref<!tpu.dma_semaphore, #tpu.memory_space<semaphore_mem>>)
      %slice3A_174 = vector.extract_strided_slice %get3A_13 {offsets = [3], sizes = [1], strides = [1]} : vector<16xi32> to vector<1xi32>
      %squeeze3A_175 = vector.extract %slice3A_174[0] : i32 from vector<1xi32>
      %jit3A_176 = arith.constant 128 : i32
      %div3A_177 = arith.divsi %squeeze3A_175, %jit3A_176 : i32
      %sign3A_178 = arith.constant 0 : i32
      %sign3A_179 = arith.cmpi sgt, %squeeze3A_175, %sign3A_178 : i32
      %sign3A_180 = arith.extui %sign3A_179 : i1 to i32
      %sign3A_181 = arith.constant 0 : i32
      %sign3A_182 = arith.cmpi slt, %squeeze3A_175, %sign3A_181 : i32
      %sign3A_183 = arith.extui %sign3A_182 : i1 to i32
      %sign3A_184 = arith.subi %sign3A_180, %sign3A_183 : i32
      %sign3A_185 = arith.constant 0 : i32
      %sign3A_186 = arith.cmpi sgt, %jit3A_176, %sign3A_185 : i32
      %sign3A_187 = arith.extui %sign3A_186 : i1 to i32
      %sign3A_188 = arith.constant 0 : i32
      %sign3A_189 = arith.cmpi slt, %jit3A_176, %sign3A_188 : i32
      %sign3A_190 = arith.extui %sign3A_189 : i1 to i32
      %sign3A_191 = arith.subi %sign3A_187, %sign3A_190 : i32
      %ne3A_192 = arith.cmpi ne, %sign3A_184, %sign3A_191 : i32
      %rem3A_193 = arith.remsi %squeeze3A_175, %jit3A_176 : i32
      %ne3A_194 = arith.constant 0 : i32
      %ne3A_195 = arith.cmpi ne, %rem3A_193, %ne3A_194 : i32
      %and3A_196 = arith.andi %ne3A_192, %ne3A_195 : i1
      %sub3A_197 = arith.constant 1 : i32
      %sub3A_198 = arith.subi %div3A_177, %sub3A_197 : i32
      %select_n3A_199 = arith.select %and3A_196, %sub3A_198, %div3A_177 : i32
      %mul3A_200 = arith.constant 128 : i32
      %mul3A_201 = arith.muli %select_n3A_199, %mul3A_200 : i32
      %multiple_of3A_202 = tpu.assume_multiple %mul3A_201, 128 : i32
      %dma_start3A_203 = arith.constant 3 : i32
      %dma_start3A_204 = arith.constant 0 : i32
      %dma_start3A_205 = arith.constant 0 : i32
      %dma_start3A_206 = tpu.memref_slice %arg12[%dma_start3A_203, %dma_start3A_204, %dma_start3A_205] : memref<16x32x128xf32, #tpu.memory_space<vmem>> -> memref<1x32x128xf32, #tpu.memory_space<vmem>>
      %dma_start3A_207 = tpu.memref_squeeze %dma_start3A_206 : memref<1x32x128xf32, #tpu.memory_space<vmem>> -> memref<32x128xf32, #tpu.memory_space<vmem>>
      %dma_start3A_208 = arith.constant 0 : i32
      %dma_start3A_209 = tpu.memref_slice %arg4[%dma_start3A_208, %multiple_of3A_202] : memref<32x1000000xf32, #tpu.memory_space<hbm>> -> memref<32x128xf32, #tpu.memory_space<hbm>>
      %dma_start3A_210 = arith.constant 0 : i32
      %dma_start3A_211 = arith.constant 0 : i32
      %dma_start3A_212 = tpu.memref_slice %arg12[%dma_start3A_203, %dma_start3A_210, %dma_start3A_211] : memref<16x32x128xf32, #tpu.memory_space<vmem>> -> memref<1x32x128xf32, #tpu.memory_space<vmem>>
      %dma_start3A_213 = tpu.memref_squeeze %dma_start3A_212 : memref<1x32x128xf32, #tpu.memory_space<vmem>> -> memref<32x128xf32, #tpu.memory_space<vmem>>
      %dma_start3A_214 = arith.constant 0 : i32
      %dma_start3A_215 = tpu.memref_slice %arg4[%dma_start3A_214, %multiple_of3A_202] : memref<32x1000000xf32, #tpu.memory_space<hbm>> -> memref<32x128xf32, #tpu.memory_space<hbm>>
      tpu.enqueue_dma source(%dma_start3A_215 : memref<32x128xf32, #tpu.memory_space<hbm>>) target(%dma_start3A_213 : memref<32x128xf32, #tpu.memory_space<vmem>>) target_semaphore(%arg17 : memref<!tpu.dma_semaphore, #tpu.memory_space<semaphore_mem>>)
      %slice3A_216 = vector.extract_strided_slice %get3A_13 {offsets = [4], sizes = [1], strides = [1]} : vector<16xi32> to vector<1xi32>
      %squeeze3A_217 = vector.extract %slice3A_216[0] : i32 from vector<1xi32>
      %jit3A_218 = arith.constant 128 : i32
      %div3A_219 = arith.divsi %squeeze3A_217, %jit3A_218 : i32
      %sign3A_220 = arith.constant 0 : i32
      %sign3A_221 = arith.cmpi sgt, %squeeze3A_217, %sign3A_220 : i32
      %sign3A_222 = arith.extui %sign3A_221 : i1 to i32
      %sign3A_223 = arith.constant 0 : i32
      %sign3A_224 = arith.cmpi slt, %squeeze3A_217, %sign3A_223 : i32
      %sign3A_225 = arith.extui %sign3A_224 : i1 to i32
      %sign3A_226 = arith.subi %sign3A_222, %sign3A_225 : i32
      %sign3A_227 = arith.constant 0 : i32
      %sign3A_228 = arith.cmpi sgt, %jit3A_218, %sign3A_227 : i32
      %sign3A_229 = arith.extui %sign3A_228 : i1 to i32
      %sign3A_230 = arith.constant 0 : i32
      %sign3A_231 = arith.cmpi slt, %jit3A_218, %sign3A_230 : i32
      %sign3A_232 = arith.extui %sign3A_231 : i1 to i32
      %sign3A_233 = arith.subi %sign3A_229, %sign3A_232 : i32
      %ne3A_234 = arith.cmpi ne, %sign3A_226, %sign3A_233 : i32
      %rem3A_235 = arith.remsi %squeeze3A_217, %jit3A_218 : i32
      %ne3A_236 = arith.constant 0 : i32
      %ne3A_237 = arith.cmpi ne, %rem3A_235, %ne3A_236 : i32
      %and3A_238 = arith.andi %ne3A_234, %ne3A_237 : i1
      %sub3A_239 = arith.constant 1 : i32
      %sub3A_240 = arith.subi %div3A_219, %sub3A_239 : i32
      %select_n3A_241 = arith.select %and3A_238, %sub3A_240, %div3A_219 : i32
      %mul3A_242 = arith.constant 128 : i32
      %mul3A_243 = arith.muli %select_n3A_241, %mul3A_242 : i32
      %multiple_of3A_244 = tpu.assume_multiple %mul3A_243, 128 : i32
      %dma_start3A_245 = arith.constant 4 : i32
      %dma_start3A_246 = arith.constant 0 : i32
      %dma_start3A_247 = arith.constant 0 : i32
      %dma_start3A_248 = tpu.memref_slice %arg12[%dma_start3A_245, %dma_start3A_246, %dma_start3A_247] : memref<16x32x128xf32, #tpu.memory_space<vmem>> -> memref<1x32x128xf32, #tpu.memory_space<vmem>>
      %dma_start3A_249 = tpu.memref_squeeze %dma_start3A_248 : memref<1x32x128xf32, #tpu.memory_space<vmem>> -> memref<32x128xf32, #tpu.memory_space<vmem>>
      %dma_start3A_250 = arith.constant 0 : i32
      %dma_start3A_251 = tpu.memref_slice %arg4[%dma_start3A_250, %multiple_of3A_244] : memref<32x1000000xf32, #tpu.memory_space<hbm>> -> memref<32x128xf32, #tpu.memory_space<hbm>>
      %dma_start3A_252 = arith.constant 0 : i32
      %dma_start3A_253 = arith.constant 0 : i32
      %dma_start3A_254 = tpu.memref_slice %arg12[%dma_start3A_245, %dma_start3A_252, %dma_start3A_253] : memref<16x32x128xf32, #tpu.memory_space<vmem>> -> memref<1x32x128xf32, #tpu.memory_space<vmem>>
      %dma_start3A_255 = tpu.memref_squeeze %dma_start3A_254 : memref<1x32x128xf32, #tpu.memory_space<vmem>> -> memref<32x128xf32, #tpu.memory_space<vmem>>
      %dma_start3A_256 = arith.constant 0 : i32
      %dma_start3A_257 = tpu.memref_slice %arg4[%dma_start3A_256, %multiple_of3A_244] : memref<32x1000000xf32, #tpu.memory_space<hbm>> -> memref<32x128xf32, #tpu.memory_space<hbm>>
      tpu.enqueue_dma source(%dma_start3A_257 : memref<32x128xf32, #tpu.memory_space<hbm>>) target(%dma_start3A_255 : memref<32x128xf32, #tpu.memory_space<vmem>>) target_semaphore(%arg17 : memref<!tpu.dma_semaphore, #tpu.memory_space<semaphore_mem>>)
      %slice3A_258 = vector.extract_strided_slice %get3A_13 {offsets = [5], sizes = [1], strides = [1]} : vector<16xi32> to vector<1xi32>
      %squeeze3A_259 = vector.extract %slice3A_258[0] : i32 from vector<1xi32>
      %jit3A_260 = arith.constant 128 : i32
      %div3A_261 = arith.divsi %squeeze3A_259, %jit3A_260 : i32
      %sign3A_262 = arith.constant 0 : i32
      %sign3A_263 = arith.cmpi sgt, %squeeze3A_259, %sign3A_262 : i32
      %sign3A_264 = arith.extui %sign3A_263 : i1 to i32
      %sign3A_265 = arith.constant 0 : i32
      %sign3A_266 = arith.cmpi slt, %squeeze3A_259, %sign3A_265 : i32
      %sign3A_267 = arith.extui %sign3A_266 : i1 to i32
      %sign3A_268 = arith.subi %sign3A_264, %sign3A_267 : i32
      %sign3A_269 = arith.constant 0 : i32
      %sign3A_270 = arith.cmpi sgt, %jit3A_260, %sign3A_269 : i32
      %sign3A_271 = arith.extui %sign3A_270 : i1 to i32
      %sign3A_272 = arith.constant 0 : i32
      %sign3A_273 = arith.cmpi slt, %jit3A_260, %sign3A_272 : i32
      %sign3A_274 = arith.extui %sign3A_273 : i1 to i32
      %sign3A_275 = arith.subi %sign3A_271, %sign3A_274 : i32
      %ne3A_276 = arith.cmpi ne, %sign3A_268, %sign3A_275 : i32
      %rem3A_277 = arith.remsi %squeeze3A_259, %jit3A_260 : i32
      %ne3A_278 = arith.constant 0 : i32
      %ne3A_279 = arith.cmpi ne, %rem3A_277, %ne3A_278 : i32
      %and3A_280 = arith.andi %ne3A_276, %ne3A_279 : i1
      %sub3A_281 = arith.constant 1 : i32
      %sub3A_282 = arith.subi %div3A_261, %sub3A_281 : i32
      %select_n3A_283 = arith.select %and3A_280, %sub3A_282, %div3A_261 : i32
      %mul3A_284 = arith.constant 128 : i32
      %mul3A_285 = arith.muli %select_n3A_283, %mul3A_284 : i32
      %multiple_of3A_286 = tpu.assume_multiple %mul3A_285, 128 : i32
      %dma_start3A_287 = arith.constant 5 : i32
      %dma_start3A_288 = arith.constant 0 : i32
      %dma_start3A_289 = arith.constant 0 : i32
      %dma_start3A_290 = tpu.memref_slice %arg12[%dma_start3A_287, %dma_start3A_288, %dma_start3A_289] : memref<16x32x128xf32, #tpu.memory_space<vmem>> -> memref<1x32x128xf32, #tpu.memory_space<vmem>>
      %dma_start3A_291 = tpu.memref_squeeze %dma_start3A_290 : memref<1x32x128xf32, #tpu.memory_space<vmem>> -> memref<32x128xf32, #tpu.memory_space<vmem>>
      %dma_start3A_292 = arith.constant 0 : i32
      %dma_start3A_293 = tpu.memref_slice %arg4[%dma_start3A_292, %multiple_of3A_286] : memref<32x1000000xf32, #tpu.memory_space<hbm>> -> memref<32x128xf32, #tpu.memory_space<hbm>>
      %dma_start3A_294 = arith.constant 0 : i32
      %dma_start3A_295 = arith.constant 0 : i32
      %dma_start3A_296 = tpu.memref_slice %arg12[%dma_start3A_287, %dma_start3A_294, %dma_start3A_295] : memref<16x32x128xf32, #tpu.memory_space<vmem>> -> memref<1x32x128xf32, #tpu.memory_space<vmem>>
      %dma_start3A_297 = tpu.memref_squeeze %dma_start3A_296 : memref<1x32x128xf32, #tpu.memory_space<vmem>> -> memref<32x128xf32, #tpu.memory_space<vmem>>
      %dma_start3A_298 = arith.constant 0 : i32
      %dma_start3A_299 = tpu.memref_slice %arg4[%dma_start3A_298, %multiple_of3A_286] : memref<32x1000000xf32, #tpu.memory_space<hbm>> -> memref<32x128xf32, #tpu.memory_space<hbm>>
      tpu.enqueue_dma source(%dma_start3A_299 : memref<32x128xf32, #tpu.memory_space<hbm>>) target(%dma_start3A_297 : memref<32x128xf32, #tpu.memory_space<vmem>>) target_semaphore(%arg17 : memref<!tpu.dma_semaphore, #tpu.memory_space<semaphore_mem>>)
      %slice3A_300 = vector.extract_strided_slice %get3A_13 {offsets = [6], sizes = [1], strides = [1]} : vector<16xi32> to vector<1xi32>
      %squeeze3A_301 = vector.extract %slice3A_300[0] : i32 from vector<1xi32>
      %jit3A_302 = arith.constant 128 : i32
      %div3A_303 = arith.divsi %squeeze3A_301, %jit3A_302 : i32
      %sign3A_304 = arith.constant 0 : i32
      %sign3A_305 = arith.cmpi sgt, %squeeze3A_301, %sign3A_304 : i32
      %sign3A_306 = arith.extui %sign3A_305 : i1 to i32
      %sign3A_307 = arith.constant 0 : i32
      %sign3A_308 = arith.cmpi slt, %squeeze3A_301, %sign3A_307 : i32
      %sign3A_309 = arith.extui %sign3A_308 : i1 to i32
      %sign3A_310 = arith.subi %sign3A_306, %sign3A_309 : i32
      %sign3A_311 = arith.constant 0 : i32
      %sign3A_312 = arith.cmpi sgt, %jit3A_302, %sign3A_311 : i32
      %sign3A_313 = arith.extui %sign3A_312 : i1 to i32
      %sign3A_314 = arith.constant 0 : i32
      %sign3A_315 = arith.cmpi slt, %jit3A_302, %sign3A_314 : i32
      %sign3A_316 = arith.extui %sign3A_315 : i1 to i32
      %sign3A_317 = arith.subi %sign3A_313, %sign3A_316 : i32
      %ne3A_318 = arith.cmpi ne, %sign3A_310, %sign3A_317 : i32
      %rem3A_319 = arith.remsi %squeeze3A_301, %jit3A_302 : i32
      %ne3A_320 = arith.constant 0 : i32
      %ne3A_321 = arith.cmpi ne, %rem3A_319, %ne3A_320 : i32
      %and3A_322 = arith.andi %ne3A_318, %ne3A_321 : i1
      %sub3A_323 = arith.constant 1 : i32
      %sub3A_324 = arith.subi %div3A_303, %sub3A_323 : i32
      %select_n3A_325 = arith.select %and3A_322, %sub3A_324, %div3A_303 : i32
      %mul3A_326 = arith.constant 128 : i32
      %mul3A_327 = arith.muli %select_n3A_325, %mul3A_326 : i32
      %multiple_of3A_328 = tpu.assume_multiple %mul3A_327, 128 : i32
      %dma_start3A_329 = arith.constant 6 : i32
      %dma_start3A_330 = arith.constant 0 : i32
      %dma_start3A_331 = arith.constant 0 : i32
      %dma_start3A_332 = tpu.memref_slice %arg12[%dma_start3A_329, %dma_start3A_330, %dma_start3A_331] : memref<16x32x128xf32, #tpu.memory_space<vmem>> -> memref<1x32x128xf32, #tpu.memory_space<vmem>>
      %dma_start3A_333 = tpu.memref_squeeze %dma_start3A_332 : memref<1x32x128xf32, #tpu.memory_space<vmem>> -> memref<32x128xf32, #tpu.memory_space<vmem>>
      %dma_start3A_334 = arith.constant 0 : i32
      %dma_start3A_335 = tpu.memref_slice %arg4[%dma_start3A_334, %multiple_of3A_328] : memref<32x1000000xf32, #tpu.memory_space<hbm>> -> memref<32x128xf32, #tpu.memory_space<hbm>>
      %dma_start3A_336 = arith.constant 0 : i32
      %dma_start3A_337 = arith.constant 0 : i32
      %dma_start3A_338 = tpu.memref_slice %arg12[%dma_start3A_329, %dma_start3A_336, %dma_start3A_337] : memref<16x32x128xf32, #tpu.memory_space<vmem>> -> memref<1x32x128xf32, #tpu.memory_space<vmem>>
      %dma_start3A_339 = tpu.memref_squeeze %dma_start3A_338 : memref<1x32x128xf32, #tpu.memory_space<vmem>> -> memref<32x128xf32, #tpu.memory_space<vmem>>
      %dma_start3A_340 = arith.constant 0 : i32
      %dma_start3A_341 = tpu.memref_slice %arg4[%dma_start3A_340, %multiple_of3A_328] : memref<32x1000000xf32, #tpu.memory_space<hbm>> -> memref<32x128xf32, #tpu.memory_space<hbm>>
      tpu.enqueue_dma source(%dma_start3A_341 : memref<32x128xf32, #tpu.memory_space<hbm>>) target(%dma_start3A_339 : memref<32x128xf32, #tpu.memory_space<vmem>>) target_semaphore(%arg17 : memref<!tpu.dma_semaphore, #tpu.memory_space<semaphore_mem>>)
      %slice3A_342 = vector.extract_strided_slice %get3A_13 {offsets = [7], sizes = [1], strides = [1]} : vector<16xi32> to vector<1xi32>
      %squeeze3A_343 = vector.extract %slice3A_342[0] : i32 from vector<1xi32>
      %jit3A_344 = arith.constant 128 : i32
      %div3A_345 = arith.divsi %squeeze3A_343, %jit3A_344 : i32
      %sign3A_346 = arith.constant 0 : i32
      %sign3A_347 = arith.cmpi sgt, %squeeze3A_343, %sign3A_346 : i32
      %sign3A_348 = arith.extui %sign3A_347 : i1 to i32
      %sign3A_349 = arith.constant 0 : i32
      %sign3A_350 = arith.cmpi slt, %squeeze3A_343, %sign3A_349 : i32
      %sign3A_351 = arith.extui %sign3A_350 : i1 to i32
      %sign3A_352 = arith.subi %sign3A_348, %sign3A_351 : i32
      %sign3A_353 = arith.constant 0 : i32
      %sign3A_354 = arith.cmpi sgt, %jit3A_344, %sign3A_353 : i32
      %sign3A_355 = arith.extui %sign3A_354 : i1 to i32
      %sign3A_356 = arith.constant 0 : i32
      %sign3A_357 = arith.cmpi slt, %jit3A_344, %sign3A_356 : i32
      %sign3A_358 = arith.extui %sign3A_357 : i1 to i32
      %sign3A_359 = arith.subi %sign3A_355, %sign3A_358 : i32
      %ne3A_360 = arith.cmpi ne, %sign3A_352, %sign3A_359 : i32
      %rem3A_361 = arith.remsi %squeeze3A_343, %jit3A_344 : i32
      %ne3A_362 = arith.constant 0 : i32
      %ne3A_363 = arith.cmpi ne, %rem3A_361, %ne3A_362 : i32
      %and3A_364 = arith.andi %ne3A_360, %ne3A_363 : i1
      %sub3A_365 = arith.constant 1 : i32
      %sub3A_366 = arith.subi %div3A_345, %sub3A_365 : i32
      %select_n3A_367 = arith.select %and3A_364, %sub3A_366, %div3A_345 : i32
      %mul3A_368 = arith.constant 128 : i32
      %mul3A_369 = arith.muli %select_n3A_367, %mul3A_368 : i32
      %multiple_of3A_370 = tpu.assume_multiple %mul3A_369, 128 : i32
      %dma_start3A_371 = arith.constant 7 : i32
      %dma_start3A_372 = arith.constant 0 : i32
      %dma_start3A_373 = arith.constant 0 : i32
      %dma_start3A_374 = tpu.memref_slice %arg12[%dma_start3A_371, %dma_start3A_372, %dma_start3A_373] : memref<16x32x128xf32, #tpu.memory_space<vmem>> -> memref<1x32x128xf32, #tpu.memory_space<vmem>>
      %dma_start3A_375 = tpu.memref_squeeze %dma_start3A_374 : memref<1x32x128xf32, #tpu.memory_space<vmem>> -> memref<32x128xf32, #tpu.memory_space<vmem>>
      %dma_start3A_376 = arith.constant 0 : i32
      %dma_start3A_377 = tpu.memref_slice %arg4[%dma_start3A_376, %multiple_of3A_370] : memref<32x1000000xf32, #tpu.memory_space<hbm>> -> memref<32x128xf32, #tpu.memory_space<hbm>>
      %dma_start3A_378 = arith.constant 0 : i32
      %dma_start3A_379 = arith.constant 0 : i32
      %dma_start3A_380 = tpu.memref_slice %arg12[%dma_start3A_371, %dma_start3A_378, %dma_start3A_379] : memref<16x32x128xf32, #tpu.memory_space<vmem>> -> memref<1x32x128xf32, #tpu.memory_space<vmem>>
      %dma_start3A_381 = tpu.memref_squeeze %dma_start3A_380 : memref<1x32x128xf32, #tpu.memory_space<vmem>> -> memref<32x128xf32, #tpu.memory_space<vmem>>
      %dma_start3A_382 = arith.constant 0 : i32
      %dma_start3A_383 = tpu.memref_slice %arg4[%dma_start3A_382, %multiple_of3A_370] : memref<32x1000000xf32, #tpu.memory_space<hbm>> -> memref<32x128xf32, #tpu.memory_space<hbm>>
      tpu.enqueue_dma source(%dma_start3A_383 : memref<32x128xf32, #tpu.memory_space<hbm>>) target(%dma_start3A_381 : memref<32x128xf32, #tpu.memory_space<vmem>>) target_semaphore(%arg17 : memref<!tpu.dma_semaphore, #tpu.memory_space<semaphore_mem>>)
      %slice3A_384 = vector.extract_strided_slice %get3A_13 {offsets = [8], sizes = [1], strides = [1]} : vector<16xi32> to vector<1xi32>
      %squeeze3A_385 = vector.extract %slice3A_384[0] : i32 from vector<1xi32>
      %jit3A_386 = arith.constant 128 : i32
      %div3A_387 = arith.divsi %squeeze3A_385, %jit3A_386 : i32
      %sign3A_388 = arith.constant 0 : i32
      %sign3A_389 = arith.cmpi sgt, %squeeze3A_385, %sign3A_388 : i32
      %sign3A_390 = arith.extui %sign3A_389 : i1 to i32
      %sign3A_391 = arith.constant 0 : i32
      %sign3A_392 = arith.cmpi slt, %squeeze3A_385, %sign3A_391 : i32
      %sign3A_393 = arith.extui %sign3A_392 : i1 to i32
      %sign3A_394 = arith.subi %sign3A_390, %sign3A_393 : i32
      %sign3A_395 = arith.constant 0 : i32
      %sign3A_396 = arith.cmpi sgt, %jit3A_386, %sign3A_395 : i32
      %sign3A_397 = arith.extui %sign3A_396 : i1 to i32
      %sign3A_398 = arith.constant 0 : i32
      %sign3A_399 = arith.cmpi slt, %jit3A_386, %sign3A_398 : i32
      %sign3A_400 = arith.extui %sign3A_399 : i1 to i32
      %sign3A_401 = arith.subi %sign3A_397, %sign3A_400 : i32
      %ne3A_402 = arith.cmpi ne, %sign3A_394, %sign3A_401 : i32
      %rem3A_403 = arith.remsi %squeeze3A_385, %jit3A_386 : i32
      %ne3A_404 = arith.constant 0 : i32
      %ne3A_405 = arith.cmpi ne, %rem3A_403, %ne3A_404 : i32
      %and3A_406 = arith.andi %ne3A_402, %ne3A_405 : i1
      %sub3A_407 = arith.constant 1 : i32
      %sub3A_408 = arith.subi %div3A_387, %sub3A_407 : i32
      %select_n3A_409 = arith.select %and3A_406, %sub3A_408, %div3A_387 : i32
      %mul3A_410 = arith.constant 128 : i32
      %mul3A_411 = arith.muli %select_n3A_409, %mul3A_410 : i32
      %multiple_of3A_412 = tpu.assume_multiple %mul3A_411, 128 : i32
      %dma_start3A_413 = arith.constant 8 : i32
      %dma_start3A_414 = arith.constant 0 : i32
      %dma_start3A_415 = arith.constant 0 : i32
      %dma_start3A_416 = tpu.memref_slice %arg12[%dma_start3A_413, %dma_start3A_414, %dma_start3A_415] : memref<16x32x128xf32, #tpu.memory_space<vmem>> -> memref<1x32x128xf32, #tpu.memory_space<vmem>>
      %dma_start3A_417 = tpu.memref_squeeze %dma_start3A_416 : memref<1x32x128xf32, #tpu.memory_space<vmem>> -> memref<32x128xf32, #tpu.memory_space<vmem>>
      %dma_start3A_418 = arith.constant 0 : i32
      %dma_start3A_419 = tpu.memref_slice %arg4[%dma_start3A_418, %multiple_of3A_412] : memref<32x1000000xf32, #tpu.memory_space<hbm>> -> memref<32x128xf32, #tpu.memory_space<hbm>>
      %dma_start3A_420 = arith.constant 0 : i32
      %dma_start3A_421 = arith.constant 0 : i32
      %dma_start3A_422 = tpu.memref_slice %arg12[%dma_start3A_413, %dma_start3A_420, %dma_start3A_421] : memref<16x32x128xf32, #tpu.memory_space<vmem>> -> memref<1x32x128xf32, #tpu.memory_space<vmem>>
      %dma_start3A_423 = tpu.memref_squeeze %dma_start3A_422 : memref<1x32x128xf32, #tpu.memory_space<vmem>> -> memref<32x128xf32, #tpu.memory_space<vmem>>
      %dma_start3A_424 = arith.constant 0 : i32
      %dma_start3A_425 = tpu.memref_slice %arg4[%dma_start3A_424, %multiple_of3A_412] : memref<32x1000000xf32, #tpu.memory_space<hbm>> -> memref<32x128xf32, #tpu.memory_space<hbm>>
      tpu.enqueue_dma source(%dma_start3A_425 : memref<32x128xf32, #tpu.memory_space<hbm>>) target(%dma_start3A_423 : memref<32x128xf32, #tpu.memory_space<vmem>>) target_semaphore(%arg17 : memref<!tpu.dma_semaphore, #tpu.memory_space<semaphore_mem>>)
      %slice3A_426 = vector.extract_strided_slice %get3A_13 {offsets = [9], sizes = [1], strides = [1]} : vector<16xi32> to vector<1xi32>
      %squeeze3A_427 = vector.extract %slice3A_426[0] : i32 from vector<1xi32>
      %jit3A_428 = arith.constant 128 : i32
      %div3A_429 = arith.divsi %squeeze3A_427, %jit3A_428 : i32
      %sign3A_430 = arith.constant 0 : i32
      %sign3A_431 = arith.cmpi sgt, %squeeze3A_427, %sign3A_430 : i32
      %sign3A_432 = arith.extui %sign3A_431 : i1 to i32
      %sign3A_433 = arith.constant 0 : i32
      %sign3A_434 = arith.cmpi slt, %squeeze3A_427, %sign3A_433 : i32
      %sign3A_435 = arith.extui %sign3A_434 : i1 to i32
      %sign3A_436 = arith.subi %sign3A_432, %sign3A_435 : i32
      %sign3A_437 = arith.constant 0 : i32
      %sign3A_438 = arith.cmpi sgt, %jit3A_428, %sign3A_437 : i32
      %sign3A_439 = arith.extui %sign3A_438 : i1 to i32
      %sign3A_440 = arith.constant 0 : i32
      %sign3A_441 = arith.cmpi slt, %jit3A_428, %sign3A_440 : i32
      %sign3A_442 = arith.extui %sign3A_441 : i1 to i32
      %sign3A_443 = arith.subi %sign3A_439, %sign3A_442 : i32
      %ne3A_444 = arith.cmpi ne, %sign3A_436, %sign3A_443 : i32
      %rem3A_445 = arith.remsi %squeeze3A_427, %jit3A_428 : i32
      %ne3A_446 = arith.constant 0 : i32
      %ne3A_447 = arith.cmpi ne, %rem3A_445, %ne3A_446 : i32
      %and3A_448 = arith.andi %ne3A_444, %ne3A_447 : i1
      %sub3A_449 = arith.constant 1 : i32
      %sub3A_450 = arith.subi %div3A_429, %sub3A_449 : i32
      %select_n3A_451 = arith.select %and3A_448, %sub3A_450, %div3A_429 : i32
      %mul3A_452 = arith.constant 128 : i32
      %mul3A_453 = arith.muli %select_n3A_451, %mul3A_452 : i32
      %multiple_of3A_454 = tpu.assume_multiple %mul3A_453, 128 : i32
      %dma_start3A_455 = arith.constant 9 : i32
      %dma_start3A_456 = arith.constant 0 : i32
      %dma_start3A_457 = arith.constant 0 : i32
      %dma_start3A_458 = tpu.memref_slice %arg12[%dma_start3A_455, %dma_start3A_456, %dma_start3A_457] : memref<16x32x128xf32, #tpu.memory_space<vmem>> -> memref<1x32x128xf32, #tpu.memory_space<vmem>>
      %dma_start3A_459 = tpu.memref_squeeze %dma_start3A_458 : memref<1x32x128xf32, #tpu.memory_space<vmem>> -> memref<32x128xf32, #tpu.memory_space<vmem>>
      %dma_start3A_460 = arith.constant 0 : i32
      %dma_start3A_461 = tpu.memref_slice %arg4[%dma_start3A_460, %multiple_of3A_454] : memref<32x1000000xf32, #tpu.memory_space<hbm>> -> memref<32x128xf32, #tpu.memory_space<hbm>>
      %dma_start3A_462 = arith.constant 0 : i32
      %dma_start3A_463 = arith.constant 0 : i32
      %dma_start3A_464 = tpu.memref_slice %arg12[%dma_start3A_455, %dma_start3A_462, %dma_start3A_463] : memref<16x32x128xf32, #tpu.memory_space<vmem>> -> memref<1x32x128xf32, #tpu.memory_space<vmem>>
      %dma_start3A_465 = tpu.memref_squeeze %dma_start3A_464 : memref<1x32x128xf32, #tpu.memory_space<vmem>> -> memref<32x128xf32, #tpu.memory_space<vmem>>
      %dma_start3A_466 = arith.constant 0 : i32
      %dma_start3A_467 = tpu.memref_slice %arg4[%dma_start3A_466, %multiple_of3A_454] : memref<32x1000000xf32, #tpu.memory_space<hbm>> -> memref<32x128xf32, #tpu.memory_space<hbm>>
      tpu.enqueue_dma source(%dma_start3A_467 : memref<32x128xf32, #tpu.memory_space<hbm>>) target(%dma_start3A_465 : memref<32x128xf32, #tpu.memory_space<vmem>>) target_semaphore(%arg17 : memref<!tpu.dma_semaphore, #tpu.memory_space<semaphore_mem>>)
      %slice3A_468 = vector.extract_strided_slice %get3A_13 {offsets = [10], sizes = [1], strides = [1]} : vector<16xi32> to vector<1xi32>
      %squeeze3A_469 = vector.extract %slice3A_468[0] : i32 from vector<1xi32>
      %jit3A_470 = arith.constant 128 : i32
      %div3A_471 = arith.divsi %squeeze3A_469, %jit3A_470 : i32
      %sign3A_472 = arith.constant 0 : i32
      %sign3A_473 = arith.cmpi sgt, %squeeze3A_469, %sign3A_472 : i32
      %sign3A_474 = arith.extui %sign3A_473 : i1 to i32
      %sign3A_475 = arith.constant 0 : i32
      %sign3A_476 = arith.cmpi slt, %squeeze3A_469, %sign3A_475 : i32
      %sign3A_477 = arith.extui %sign3A_476 : i1 to i32
      %sign3A_478 = arith.subi %sign3A_474, %sign3A_477 : i32
      %sign3A_479 = arith.constant 0 : i32
      %sign3A_480 = arith.cmpi sgt, %jit3A_470, %sign3A_479 : i32
      %sign3A_481 = arith.extui %sign3A_480 : i1 to i32
      %sign3A_482 = arith.constant 0 : i32
      %sign3A_483 = arith.cmpi slt, %jit3A_470, %sign3A_482 : i32
      %sign3A_484 = arith.extui %sign3A_483 : i1 to i32
      %sign3A_485 = arith.subi %sign3A_481, %sign3A_484 : i32
      %ne3A_486 = arith.cmpi ne, %sign3A_478, %sign3A_485 : i32
      %rem3A_487 = arith.remsi %squeeze3A_469, %jit3A_470 : i32
      %ne3A_488 = arith.constant 0 : i32
      %ne3A_489 = arith.cmpi ne, %rem3A_487, %ne3A_488 : i32
      %and3A_490 = arith.andi %ne3A_486, %ne3A_489 : i1
      %sub3A_491 = arith.constant 1 : i32
      %sub3A_492 = arith.subi %div3A_471, %sub3A_491 : i32
      %select_n3A_493 = arith.select %and3A_490, %sub3A_492, %div3A_471 : i32
      %mul3A_494 = arith.constant 128 : i32
      %mul3A_495 = arith.muli %select_n3A_493, %mul3A_494 : i32
      %multiple_of3A_496 = tpu.assume_multiple %mul3A_495, 128 : i32
      %dma_start3A_497 = arith.constant 10 : i32
      %dma_start3A_498 = arith.constant 0 : i32
      %dma_start3A_499 = arith.constant 0 : i32
      %dma_start3A_500 = tpu.memref_slice %arg12[%dma_start3A_497, %dma_start3A_498, %dma_start3A_499] : memref<16x32x128xf32, #tpu.memory_space<vmem>> -> memref<1x32x128xf32, #tpu.memory_space<vmem>>
      %dma_start3A_501 = tpu.memref_squeeze %dma_start3A_500 : memref<1x32x128xf32, #tpu.memory_space<vmem>> -> memref<32x128xf32, #tpu.memory_space<vmem>>
      %dma_start3A_502 = arith.constant 0 : i32
      %dma_start3A_503 = tpu.memref_slice %arg4[%dma_start3A_502, %multiple_of3A_496] : memref<32x1000000xf32, #tpu.memory_space<hbm>> -> memref<32x128xf32, #tpu.memory_space<hbm>>
      %dma_start3A_504 = arith.constant 0 : i32
      %dma_start3A_505 = arith.constant 0 : i32
      %dma_start3A_506 = tpu.memref_slice %arg12[%dma_start3A_497, %dma_start3A_504, %dma_start3A_505] : memref<16x32x128xf32, #tpu.memory_space<vmem>> -> memref<1x32x128xf32, #tpu.memory_space<vmem>>
      %dma_start3A_507 = tpu.memref_squeeze %dma_start3A_506 : memref<1x32x128xf32, #tpu.memory_space<vmem>> -> memref<32x128xf32, #tpu.memory_space<vmem>>
      %dma_start3A_508 = arith.constant 0 : i32
      %dma_start3A_509 = tpu.memref_slice %arg4[%dma_start3A_508, %multiple_of3A_496] : memref<32x1000000xf32, #tpu.memory_space<hbm>> -> memref<32x128xf32, #tpu.memory_space<hbm>>
      tpu.enqueue_dma source(%dma_start3A_509 : memref<32x128xf32, #tpu.memory_space<hbm>>) target(%dma_start3A_507 : memref<32x128xf32, #tpu.memory_space<vmem>>) target_semaphore(%arg17 : memref<!tpu.dma_semaphore, #tpu.memory_space<semaphore_mem>>)
      %slice3A_510 = vector.extract_strided_slice %get3A_13 {offsets = [11], sizes = [1], strides = [1]} : vector<16xi32> to vector<1xi32>
      %squeeze3A_511 = vector.extract %slice3A_510[0] : i32 from vector<1xi32>
      %jit3A_512 = arith.constant 128 : i32
      %div3A_513 = arith.divsi %squeeze3A_511, %jit3A_512 : i32
      %sign3A_514 = arith.constant 0 : i32
      %sign3A_515 = arith.cmpi sgt, %squeeze3A_511, %sign3A_514 : i32
      %sign3A_516 = arith.extui %sign3A_515 : i1 to i32
      %sign3A_517 = arith.constant 0 : i32
      %sign3A_518 = arith.cmpi slt, %squeeze3A_511, %sign3A_517 : i32
      %sign3A_519 = arith.extui %sign3A_518 : i1 to i32
      %sign3A_520 = arith.subi %sign3A_516, %sign3A_519 : i32
      %sign3A_521 = arith.constant 0 : i32
      %sign3A_522 = arith.cmpi sgt, %jit3A_512, %sign3A_521 : i32
      %sign3A_523 = arith.extui %sign3A_522 : i1 to i32
      %sign3A_524 = arith.constant 0 : i32
      %sign3A_525 = arith.cmpi slt, %jit3A_512, %sign3A_524 : i32
      %sign3A_526 = arith.extui %sign3A_525 : i1 to i32
      %sign3A_527 = arith.subi %sign3A_523, %sign3A_526 : i32
      %ne3A_528 = arith.cmpi ne, %sign3A_520, %sign3A_527 : i32
      %rem3A_529 = arith.remsi %squeeze3A_511, %jit3A_512 : i32
      %ne3A_530 = arith.constant 0 : i32
      %ne3A_531 = arith.cmpi ne, %rem3A_529, %ne3A_530 : i32
      %and3A_532 = arith.andi %ne3A_528, %ne3A_531 : i1
      %sub3A_533 = arith.constant 1 : i32
      %sub3A_534 = arith.subi %div3A_513, %sub3A_533 : i32
      %select_n3A_535 = arith.select %and3A_532, %sub3A_534, %div3A_513 : i32
      %mul3A_536 = arith.constant 128 : i32
      %mul3A_537 = arith.muli %select_n3A_535, %mul3A_536 : i32
      %multiple_of3A_538 = tpu.assume_multiple %mul3A_537, 128 : i32
      %dma_start3A_539 = arith.constant 11 : i32
      %dma_start3A_540 = arith.constant 0 : i32
      %dma_start3A_541 = arith.constant 0 : i32
      %dma_start3A_542 = tpu.memref_slice %arg12[%dma_start3A_539, %dma_start3A_540, %dma_start3A_541] : memref<16x32x128xf32, #tpu.memory_space<vmem>> -> memref<1x32x128xf32, #tpu.memory_space<vmem>>
      %dma_start3A_543 = tpu.memref_squeeze %dma_start3A_542 : memref<1x32x128xf32, #tpu.memory_space<vmem>> -> memref<32x128xf32, #tpu.memory_space<vmem>>
      %dma_start3A_544 = arith.constant 0 : i32
      %dma_start3A_545 = tpu.memref_slice %arg4[%dma_start3A_544, %multiple_of3A_538] : memref<32x1000000xf32, #tpu.memory_space<hbm>> -> memref<32x128xf32, #tpu.memory_space<hbm>>
      %dma_start3A_546 = arith.constant 0 : i32
      %dma_start3A_547 = arith.constant 0 : i32
      %dma_start3A_548 = tpu.memref_slice %arg12[%dma_start3A_539, %dma_start3A_546, %dma_start3A_547] : memref<16x32x128xf32, #tpu.memory_space<vmem>> -> memref<1x32x128xf32, #tpu.memory_space<vmem>>
      %dma_start3A_549 = tpu.memref_squeeze %dma_start3A_548 : memref<1x32x128xf32, #tpu.memory_space<vmem>> -> memref<32x128xf32, #tpu.memory_space<vmem>>
      %dma_start3A_550 = arith.constant 0 : i32
      %dma_start3A_551 = tpu.memref_slice %arg4[%dma_start3A_550, %multiple_of3A_538] : memref<32x1000000xf32, #tpu.memory_space<hbm>> -> memref<32x128xf32, #tpu.memory_space<hbm>>
      tpu.enqueue_dma source(%dma_start3A_551 : memref<32x128xf32, #tpu.memory_space<hbm>>) target(%dma_start3A_549 : memref<32x128xf32, #tpu.memory_space<vmem>>) target_semaphore(%arg17 : memref<!tpu.dma_semaphore, #tpu.memory_space<semaphore_mem>>)
      %slice3A_552 = vector.extract_strided_slice %get3A_13 {offsets = [12], sizes = [1], strides = [1]} : vector<16xi32> to vector<1xi32>
      %squeeze3A_553 = vector.extract %slice3A_552[0] : i32 from vector<1xi32>
      %jit3A_554 = arith.constant 128 : i32
      %div3A_555 = arith.divsi %squeeze3A_553, %jit3A_554 : i32
      %sign3A_556 = arith.constant 0 : i32
      %sign3A_557 = arith.cmpi sgt, %squeeze3A_553, %sign3A_556 : i32
      %sign3A_558 = arith.extui %sign3A_557 : i1 to i32
      %sign3A_559 = arith.constant 0 : i32
      %sign3A_560 = arith.cmpi slt, %squeeze3A_553, %sign3A_559 : i32
      %sign3A_561 = arith.extui %sign3A_560 : i1 to i32
      %sign3A_562 = arith.subi %sign3A_558, %sign3A_561 : i32
      %sign3A_563 = arith.constant 0 : i32
      %sign3A_564 = arith.cmpi sgt, %jit3A_554, %sign3A_563 : i32
      %sign3A_565 = arith.extui %sign3A_564 : i1 to i32
      %sign3A_566 = arith.constant 0 : i32
      %sign3A_567 = arith.cmpi slt, %jit3A_554, %sign3A_566 : i32
      %sign3A_568 = arith.extui %sign3A_567 : i1 to i32
      %sign3A_569 = arith.subi %sign3A_565, %sign3A_568 : i32
      %ne3A_570 = arith.cmpi ne, %sign3A_562, %sign3A_569 : i32
      %rem3A_571 = arith.remsi %squeeze3A_553, %jit3A_554 : i32
      %ne3A_572 = arith.constant 0 : i32
      %ne3A_573 = arith.cmpi ne, %rem3A_571, %ne3A_572 : i32
      %and3A_574 = arith.andi %ne3A_570, %ne3A_573 : i1
      %sub3A_575 = arith.constant 1 : i32
      %sub3A_576 = arith.subi %div3A_555, %sub3A_575 : i32
      %select_n3A_577 = arith.select %and3A_574, %sub3A_576, %div3A_555 : i32
      %mul3A_578 = arith.constant 128 : i32
      %mul3A_579 = arith.muli %select_n3A_577, %mul3A_578 : i32
      %multiple_of3A_580 = tpu.assume_multiple %mul3A_579, 128 : i32
      %dma_start3A_581 = arith.constant 12 : i32
      %dma_start3A_582 = arith.constant 0 : i32
      %dma_start3A_583 = arith.constant 0 : i32
      %dma_start3A_584 = tpu.memref_slice %arg12[%dma_start3A_581, %dma_start3A_582, %dma_start3A_583] : memref<16x32x128xf32, #tpu.memory_space<vmem>> -> memref<1x32x128xf32, #tpu.memory_space<vmem>>
      %dma_start3A_585 = tpu.memref_squeeze %dma_start3A_584 : memref<1x32x128xf32, #tpu.memory_space<vmem>> -> memref<32x128xf32, #tpu.memory_space<vmem>>
      %dma_start3A_586 = arith.constant 0 : i32
      %dma_start3A_587 = tpu.memref_slice %arg4[%dma_start3A_586, %multiple_of3A_580] : memref<32x1000000xf32, #tpu.memory_space<hbm>> -> memref<32x128xf32, #tpu.memory_space<hbm>>
      %dma_start3A_588 = arith.constant 0 : i32
      %dma_start3A_589 = arith.constant 0 : i32
      %dma_start3A_590 = tpu.memref_slice %arg12[%dma_start3A_581, %dma_start3A_588, %dma_start3A_589] : memref<16x32x128xf32, #tpu.memory_space<vmem>> -> memref<1x32x128xf32, #tpu.memory_space<vmem>>
      %dma_start3A_591 = tpu.memref_squeeze %dma_start3A_590 : memref<1x32x128xf32, #tpu.memory_space<vmem>> -> memref<32x128xf32, #tpu.memory_space<vmem>>
      %dma_start3A_592 = arith.constant 0 : i32
      %dma_start3A_593 = tpu.memref_slice %arg4[%dma_start3A_592, %multiple_of3A_580] : memref<32x1000000xf32, #tpu.memory_space<hbm>> -> memref<32x128xf32, #tpu.memory_space<hbm>>
      tpu.enqueue_dma source(%dma_start3A_593 : memref<32x128xf32, #tpu.memory_space<hbm>>) target(%dma_start3A_591 : memref<32x128xf32, #tpu.memory_space<vmem>>) target_semaphore(%arg17 : memref<!tpu.dma_semaphore, #tpu.memory_space<semaphore_mem>>)
      %slice3A_594 = vector.extract_strided_slice %get3A_13 {offsets = [13], sizes = [1], strides = [1]} : vector<16xi32> to vector<1xi32>
      %squeeze3A_595 = vector.extract %slice3A_594[0] : i32 from vector<1xi32>
      %jit3A_596 = arith.constant 128 : i32
      %div3A_597 = arith.divsi %squeeze3A_595, %jit3A_596 : i32
      %sign3A_598 = arith.constant 0 : i32
      %sign3A_599 = arith.cmpi sgt, %squeeze3A_595, %sign3A_598 : i32
      %sign3A_600 = arith.extui %sign3A_599 : i1 to i32
      %sign3A_601 = arith.constant 0 : i32
      %sign3A_602 = arith.cmpi slt, %squeeze3A_595, %sign3A_601 : i32
      %sign3A_603 = arith.extui %sign3A_602 : i1 to i32
      %sign3A_604 = arith.subi %sign3A_600, %sign3A_603 : i32
      %sign3A_605 = arith.constant 0 : i32
      %sign3A_606 = arith.cmpi sgt, %jit3A_596, %sign3A_605 : i32
      %sign3A_607 = arith.extui %sign3A_606 : i1 to i32
      %sign3A_608 = arith.constant 0 : i32
      %sign3A_609 = arith.cmpi slt, %jit3A_596, %sign3A_608 : i32
      %sign3A_610 = arith.extui %sign3A_609 : i1 to i32
      %sign3A_611 = arith.subi %sign3A_607, %sign3A_610 : i32
      %ne3A_612 = arith.cmpi ne, %sign3A_604, %sign3A_611 : i32
      %rem3A_613 = arith.remsi %squeeze3A_595, %jit3A_596 : i32
      %ne3A_614 = arith.constant 0 : i32
      %ne3A_615 = arith.cmpi ne, %rem3A_613, %ne3A_614 : i32
      %and3A_616 = arith.andi %ne3A_612, %ne3A_615 : i1
      %sub3A_617 = arith.constant 1 : i32
      %sub3A_618 = arith.subi %div3A_597, %sub3A_617 : i32
      %select_n3A_619 = arith.select %and3A_616, %sub3A_618, %div3A_597 : i32
      %mul3A_620 = arith.constant 128 : i32
      %mul3A_621 = arith.muli %select_n3A_619, %mul3A_620 : i32
      %multiple_of3A_622 = tpu.assume_multiple %mul3A_621, 128 : i32
      %dma_start3A_623 = arith.constant 13 : i32
      %dma_start3A_624 = arith.constant 0 : i32
      %dma_start3A_625 = arith.constant 0 : i32
      %dma_start3A_626 = tpu.memref_slice %arg12[%dma_start3A_623, %dma_start3A_624, %dma_start3A_625] : memref<16x32x128xf32, #tpu.memory_space<vmem>> -> memref<1x32x128xf32, #tpu.memory_space<vmem>>
      %dma_start3A_627 = tpu.memref_squeeze %dma_start3A_626 : memref<1x32x128xf32, #tpu.memory_space<vmem>> -> memref<32x128xf32, #tpu.memory_space<vmem>>
      %dma_start3A_628 = arith.constant 0 : i32
      %dma_start3A_629 = tpu.memref_slice %arg4[%dma_start3A_628, %multiple_of3A_622] : memref<32x1000000xf32, #tpu.memory_space<hbm>> -> memref<32x128xf32, #tpu.memory_space<hbm>>
      %dma_start3A_630 = arith.constant 0 : i32
      %dma_start3A_631 = arith.constant 0 : i32
      %dma_start3A_632 = tpu.memref_slice %arg12[%dma_start3A_623, %dma_start3A_630, %dma_start3A_631] : memref<16x32x128xf32, #tpu.memory_space<vmem>> -> memref<1x32x128xf32, #tpu.memory_space<vmem>>
      %dma_start3A_633 = tpu.memref_squeeze %dma_start3A_632 : memref<1x32x128xf32, #tpu.memory_space<vmem>> -> memref<32x128xf32, #tpu.memory_space<vmem>>
      %dma_start3A_634 = arith.constant 0 : i32
      %dma_start3A_635 = tpu.memref_slice %arg4[%dma_start3A_634, %multiple_of3A_622] : memref<32x1000000xf32, #tpu.memory_space<hbm>> -> memref<32x128xf32, #tpu.memory_space<hbm>>
      tpu.enqueue_dma source(%dma_start3A_635 : memref<32x128xf32, #tpu.memory_space<hbm>>) target(%dma_start3A_633 : memref<32x128xf32, #tpu.memory_space<vmem>>) target_semaphore(%arg17 : memref<!tpu.dma_semaphore, #tpu.memory_space<semaphore_mem>>)
      %slice3A_636 = vector.extract_strided_slice %get3A_13 {offsets = [14], sizes = [1], strides = [1]} : vector<16xi32> to vector<1xi32>
      %squeeze3A_637 = vector.extract %slice3A_636[0] : i32 from vector<1xi32>
      %jit3A_638 = arith.constant 128 : i32
      %div3A_639 = arith.divsi %squeeze3A_637, %jit3A_638 : i32
      %sign3A_640 = arith.constant 0 : i32
      %sign3A_641 = arith.cmpi sgt, %squeeze3A_637, %sign3A_640 : i32
      %sign3A_642 = arith.extui %sign3A_641 : i1 to i32
      %sign3A_643 = arith.constant 0 : i32
      %sign3A_644 = arith.cmpi slt, %squeeze3A_637, %sign3A_643 : i32
      %sign3A_645 = arith.extui %sign3A_644 : i1 to i32
      %sign3A_646 = arith.subi %sign3A_642, %sign3A_645 : i32
      %sign3A_647 = arith.constant 0 : i32
      %sign3A_648 = arith.cmpi sgt, %jit3A_638, %sign3A_647 : i32
      %sign3A_649 = arith.extui %sign3A_648 : i1 to i32
      %sign3A_650 = arith.constant 0 : i32
      %sign3A_651 = arith.cmpi slt, %jit3A_638, %sign3A_650 : i32
      %sign3A_652 = arith.extui %sign3A_651 : i1 to i32
      %sign3A_653 = arith.subi %sign3A_649, %sign3A_652 : i32
      %ne3A_654 = arith.cmpi ne, %sign3A_646, %sign3A_653 : i32
      %rem3A_655 = arith.remsi %squeeze3A_637, %jit3A_638 : i32
      %ne3A_656 = arith.constant 0 : i32
      %ne3A_657 = arith.cmpi ne, %rem3A_655, %ne3A_656 : i32
      %and3A_658 = arith.andi %ne3A_654, %ne3A_657 : i1
      %sub3A_659 = arith.constant 1 : i32
      %sub3A_660 = arith.subi %div3A_639, %sub3A_659 : i32
      %select_n3A_661 = arith.select %and3A_658, %sub3A_660, %div3A_639 : i32
      %mul3A_662 = arith.constant 128 : i32
      %mul3A_663 = arith.muli %select_n3A_661, %mul3A_662 : i32
      %multiple_of3A_664 = tpu.assume_multiple %mul3A_663, 128 : i32
      %dma_start3A_665 = arith.constant 14 : i32
      %dma_start3A_666 = arith.constant 0 : i32
      %dma_start3A_667 = arith.constant 0 : i32
      %dma_start3A_668 = tpu.memref_slice %arg12[%dma_start3A_665, %dma_start3A_666, %dma_start3A_667] : memref<16x32x128xf32, #tpu.memory_space<vmem>> -> memref<1x32x128xf32, #tpu.memory_space<vmem>>
      %dma_start3A_669 = tpu.memref_squeeze %dma_start3A_668 : memref<1x32x128xf32, #tpu.memory_space<vmem>> -> memref<32x128xf32, #tpu.memory_space<vmem>>
      %dma_start3A_670 = arith.constant 0 : i32
      %dma_start3A_671 = tpu.memref_slice %arg4[%dma_start3A_670, %multiple_of3A_664] : memref<32x1000000xf32, #tpu.memory_space<hbm>> -> memref<32x128xf32, #tpu.memory_space<hbm>>
      %dma_start3A_672 = arith.constant 0 : i32
      %dma_start3A_673 = arith.constant 0 : i32
      %dma_start3A_674 = tpu.memref_slice %arg12[%dma_start3A_665, %dma_start3A_672, %dma_start3A_673] : memref<16x32x128xf32, #tpu.memory_space<vmem>> -> memref<1x32x128xf32, #tpu.memory_space<vmem>>
      %dma_start3A_675 = tpu.memref_squeeze %dma_start3A_674 : memref<1x32x128xf32, #tpu.memory_space<vmem>> -> memref<32x128xf32, #tpu.memory_space<vmem>>
      %dma_start3A_676 = arith.constant 0 : i32
      %dma_start3A_677 = tpu.memref_slice %arg4[%dma_start3A_676, %multiple_of3A_664] : memref<32x1000000xf32, #tpu.memory_space<hbm>> -> memref<32x128xf32, #tpu.memory_space<hbm>>
      tpu.enqueue_dma source(%dma_start3A_677 : memref<32x128xf32, #tpu.memory_space<hbm>>) target(%dma_start3A_675 : memref<32x128xf32, #tpu.memory_space<vmem>>) target_semaphore(%arg17 : memref<!tpu.dma_semaphore, #tpu.memory_space<semaphore_mem>>)
      %slice3A_678 = vector.extract_strided_slice %get3A_13 {offsets = [15], sizes = [1], strides = [1]} : vector<16xi32> to vector<1xi32>
      %squeeze3A_679 = vector.extract %slice3A_678[0] : i32 from vector<1xi32>
      %jit3A_680 = arith.constant 128 : i32
      %div3A_681 = arith.divsi %squeeze3A_679, %jit3A_680 : i32
      %sign3A_682 = arith.constant 0 : i32
      %sign3A_683 = arith.cmpi sgt, %squeeze3A_679, %sign3A_682 : i32
      %sign3A_684 = arith.extui %sign3A_683 : i1 to i32
      %sign3A_685 = arith.constant 0 : i32
      %sign3A_686 = arith.cmpi slt, %squeeze3A_679, %sign3A_685 : i32
      %sign3A_687 = arith.extui %sign3A_686 : i1 to i32
      %sign3A_688 = arith.subi %sign3A_684, %sign3A_687 : i32
      %sign3A_689 = arith.constant 0 : i32
      %sign3A_690 = arith.cmpi sgt, %jit3A_680, %sign3A_689 : i32
      %sign3A_691 = arith.extui %sign3A_690 : i1 to i32
      %sign3A_692 = arith.constant 0 : i32
      %sign3A_693 = arith.cmpi slt, %jit3A_680, %sign3A_692 : i32
      %sign3A_694 = arith.extui %sign3A_693 : i1 to i32
      %sign3A_695 = arith.subi %sign3A_691, %sign3A_694 : i32
      %ne3A_696 = arith.cmpi ne, %sign3A_688, %sign3A_695 : i32
      %rem3A_697 = arith.remsi %squeeze3A_679, %jit3A_680 : i32
      %ne3A_698 = arith.constant 0 : i32
      %ne3A_699 = arith.cmpi ne, %rem3A_697, %ne3A_698 : i32
      %and3A_700 = arith.andi %ne3A_696, %ne3A_699 : i1
      %sub3A_701 = arith.constant 1 : i32
      %sub3A_702 = arith.subi %div3A_681, %sub3A_701 : i32
      %select_n3A_703 = arith.select %and3A_700, %sub3A_702, %div3A_681 : i32
      %mul3A_704 = arith.constant 128 : i32
      %mul3A_705 = arith.muli %select_n3A_703, %mul3A_704 : i32
      %multiple_of3A_706 = tpu.assume_multiple %mul3A_705, 128 : i32
      %dma_start3A_707 = arith.constant 15 : i32
      %dma_start3A_708 = arith.constant 0 : i32
      %dma_start3A_709 = arith.constant 0 : i32
      %dma_start3A_710 = tpu.memref_slice %arg12[%dma_start3A_707, %dma_start3A_708, %dma_start3A_709] : memref<16x32x128xf32, #tpu.memory_space<vmem>> -> memref<1x32x128xf32, #tpu.memory_space<vmem>>
      %dma_start3A_711 = tpu.memref_squeeze %dma_start3A_710 : memref<1x32x128xf32, #tpu.memory_space<vmem>> -> memref<32x128xf32, #tpu.memory_space<vmem>>
      %dma_start3A_712 = arith.constant 0 : i32
      %dma_start3A_713 = tpu.memref_slice %arg4[%dma_start3A_712, %multiple_of3A_706] : memref<32x1000000xf32, #tpu.memory_space<hbm>> -> memref<32x128xf32, #tpu.memory_space<hbm>>
      %dma_start3A_714 = arith.constant 0 : i32
      %dma_start3A_715 = arith.constant 0 : i32
      %dma_start3A_716 = tpu.memref_slice %arg12[%dma_start3A_707, %dma_start3A_714, %dma_start3A_715] : memref<16x32x128xf32, #tpu.memory_space<vmem>> -> memref<1x32x128xf32, #tpu.memory_space<vmem>>
      %dma_start3A_717 = tpu.memref_squeeze %dma_start3A_716 : memref<1x32x128xf32, #tpu.memory_space<vmem>> -> memref<32x128xf32, #tpu.memory_space<vmem>>
      %dma_start3A_718 = arith.constant 0 : i32
      %dma_start3A_719 = tpu.memref_slice %arg4[%dma_start3A_718, %multiple_of3A_706] : memref<32x1000000xf32, #tpu.memory_space<hbm>> -> memref<32x128xf32, #tpu.memory_space<hbm>>
      tpu.enqueue_dma source(%dma_start3A_719 : memref<32x128xf32, #tpu.memory_space<hbm>>) target(%dma_start3A_717 : memref<32x128xf32, #tpu.memory_space<vmem>>) target_semaphore(%arg17 : memref<!tpu.dma_semaphore, #tpu.memory_space<semaphore_mem>>)
      %mul3A_720 = arith.constant 16 : i32
      %mul3A_721 = arith.muli %scan3A_9, %mul3A_720 : i32
      %dma_start3A_722 = arith.constant 0 : i32
      %dma_start3A_723 = tpu.memref_slice %arg14[%dma_start3A_722] : memref<32xf32, #tpu.memory_space<vmem>> -> memref<16xf32, #tpu.memory_space<vmem>>
      %dma_start3A_724 = tpu.memref_slice %arg10[%mul3A_721] : memref<512xi32, #tpu.memory_space<vmem>> -> memref<16xi32, #tpu.memory_space<vmem>>
      %dma_start3A_725 = arith.constant 0 : i32
      %dma_start3A_726 = tpu.memref_slice %arg6[%dma_start3A_725] : memref<1000000xf32, #tpu.memory_space<hbm>> -> memref<1000000xf32, #tpu.memory_space<hbm>>
      tpu.enqueue_indirect_dma source(%dma_start3A_726 : memref<1000000xf32, #tpu.memory_space<hbm>>) target(%dma_start3A_723 : memref<16xf32, #tpu.memory_space<vmem>>) offsets(%dma_start3A_724 : memref<16xi32, #tpu.memory_space<vmem>>) semaphore(%arg17 : memref<!tpu.dma_semaphore, #tpu.memory_space<semaphore_mem>>)
      %mul3A_727 = arith.constant 16 : i32
      %mul3A_728 = arith.muli %scan3A_9, %mul3A_727 : i32
      %dma_start3A_729 = arith.constant 16 : i32
      %dma_start3A_730 = tpu.memref_slice %arg14[%dma_start3A_729] : memref<32xf32, #tpu.memory_space<vmem>> -> memref<16xf32, #tpu.memory_space<vmem>>
      %dma_start3A_731 = tpu.memref_slice %arg11[%mul3A_728] : memref<512xi32, #tpu.memory_space<vmem>> -> memref<16xi32, #tpu.memory_space<vmem>>
      %dma_start3A_732 = arith.constant 0 : i32
      %dma_start3A_733 = tpu.memref_slice %arg7[%dma_start3A_732] : memref<1000000xf32, #tpu.memory_space<hbm>> -> memref<1000000xf32, #tpu.memory_space<hbm>>
      tpu.enqueue_indirect_dma source(%dma_start3A_733 : memref<1000000xf32, #tpu.memory_space<hbm>>) target(%dma_start3A_730 : memref<16xf32, #tpu.memory_space<vmem>>) offsets(%dma_start3A_731 : memref<16xi32, #tpu.memory_space<vmem>>) semaphore(%arg17 : memref<!tpu.dma_semaphore, #tpu.memory_space<semaphore_mem>>)
      %dma_wait3A = arith.constant 0 : i32
      %dma_wait3A_734 = arith.constant 0 : i32
      %dma_wait3A_735 = arith.constant 0 : i32
      %dma_wait3A_736 = tpu.memref_slice %arg12[%dma_wait3A, %dma_wait3A_734, %dma_wait3A_735] : memref<16x32x128xf32, #tpu.memory_space<vmem>> -> memref<1x32x128xf32, #tpu.memory_space<vmem>>
      %dma_wait3A_737 = tpu.memref_squeeze %dma_wait3A_736 : memref<1x32x128xf32, #tpu.memory_space<vmem>> -> memref<32x128xf32, #tpu.memory_space<vmem>>
      %dma_wait3A_738 = arith.constant 0 : i32
      %dma_wait3A_739 = tpu.memref_slice %arg4[%dma_wait3A_738, %multiple_of3A] : memref<32x1000000xf32, #tpu.memory_space<hbm>> -> memref<32x128xf32, #tpu.memory_space<hbm>>
      %dma_wait3A_740 = arith.constant 0 : i32
      %dma_wait3A_741 = arith.constant 0 : i32
      %dma_wait3A_742 = tpu.memref_slice %arg12[%dma_wait3A, %dma_wait3A_740, %dma_wait3A_741] : memref<16x32x128xf32, #tpu.memory_space<vmem>> -> memref<1x32x128xf32, #tpu.memory_space<vmem>>
      %dma_wait3A_743 = tpu.memref_squeeze %dma_wait3A_742 : memref<1x32x128xf32, #tpu.memory_space<vmem>> -> memref<32x128xf32, #tpu.memory_space<vmem>>
      %dma_wait3A_744 = arith.constant 0 : i32
      %dma_wait3A_745 = tpu.memref_slice %arg4[%dma_wait3A_744, %multiple_of3A] : memref<32x1000000xf32, #tpu.memory_space<hbm>> -> memref<32x128xf32, #tpu.memory_space<hbm>>
      tpu.wait_dma2 semaphore(%arg17 : memref<!tpu.dma_semaphore, #tpu.memory_space<semaphore_mem>>) src(%dma_wait3A_745 : memref<32x128xf32, #tpu.memory_space<hbm>>) dst(%dma_wait3A_743 : memref<32x128xf32, #tpu.memory_space<vmem>>)
      %dma_wait3A_746 = arith.constant 1 : i32
      %dma_wait3A_747 = arith.constant 0 : i32
      %dma_wait3A_748 = arith.constant 0 : i32
      %dma_wait3A_749 = tpu.memref_slice %arg12[%dma_wait3A_746, %dma_wait3A_747, %dma_wait3A_748] : memref<16x32x128xf32, #tpu.memory_space<vmem>> -> memref<1x32x128xf32, #tpu.memory_space<vmem>>
      %dma_wait3A_750 = tpu.memref_squeeze %dma_wait3A_749 : memref<1x32x128xf32, #tpu.memory_space<vmem>> -> memref<32x128xf32, #tpu.memory_space<vmem>>
      %dma_wait3A_751 = arith.constant 0 : i32
      %dma_wait3A_752 = tpu.memref_slice %arg4[%dma_wait3A_751, %multiple_of3A_118] : memref<32x1000000xf32, #tpu.memory_space<hbm>> -> memref<32x128xf32, #tpu.memory_space<hbm>>
      %dma_wait3A_753 = arith.constant 0 : i32
      %dma_wait3A_754 = arith.constant 0 : i32
      %dma_wait3A_755 = tpu.memref_slice %arg12[%dma_wait3A_746, %dma_wait3A_753, %dma_wait3A_754] : memref<16x32x128xf32, #tpu.memory_space<vmem>> -> memref<1x32x128xf32, #tpu.memory_space<vmem>>
      %dma_wait3A_756 = tpu.memref_squeeze %dma_wait3A_755 : memref<1x32x128xf32, #tpu.memory_space<vmem>> -> memref<32x128xf32, #tpu.memory_space<vmem>>
      %dma_wait3A_757 = arith.constant 0 : i32
      %dma_wait3A_758 = tpu.memref_slice %arg4[%dma_wait3A_757, %multiple_of3A_118] : memref<32x1000000xf32, #tpu.memory_space<hbm>> -> memref<32x128xf32, #tpu.memory_space<hbm>>
      tpu.wait_dma2 semaphore(%arg17 : memref<!tpu.dma_semaphore, #tpu.memory_space<semaphore_mem>>) src(%dma_wait3A_758 : memref<32x128xf32, #tpu.memory_space<hbm>>) dst(%dma_wait3A_756 : memref<32x128xf32, #tpu.memory_space<vmem>>)
      %dma_wait3A_759 = arith.constant 2 : i32
      %dma_wait3A_760 = arith.constant 0 : i32
      %dma_wait3A_761 = arith.constant 0 : i32
      %dma_wait3A_762 = tpu.memref_slice %arg12[%dma_wait3A_759, %dma_wait3A_760, %dma_wait3A_761] : memref<16x32x128xf32, #tpu.memory_space<vmem>> -> memref<1x32x128xf32, #tpu.memory_space<vmem>>
      %dma_wait3A_763 = tpu.memref_squeeze %dma_wait3A_762 : memref<1x32x128xf32, #tpu.memory_space<vmem>> -> memref<32x128xf32, #tpu.memory_space<vmem>>
      %dma_wait3A_764 = arith.constant 0 : i32
      %dma_wait3A_765 = tpu.memref_slice %arg4[%dma_wait3A_764, %multiple_of3A_160] : memref<32x1000000xf32, #tpu.memory_space<hbm>> -> memref<32x128xf32, #tpu.memory_space<hbm>>
      %dma_wait3A_766 = arith.constant 0 : i32
      %dma_wait3A_767 = arith.constant 0 : i32
      %dma_wait3A_768 = tpu.memref_slice %arg12[%dma_wait3A_759, %dma_wait3A_766, %dma_wait3A_767] : memref<16x32x128xf32, #tpu.memory_space<vmem>> -> memref<1x32x128xf32, #tpu.memory_space<vmem>>
      %dma_wait3A_769 = tpu.memref_squeeze %dma_wait3A_768 : memref<1x32x128xf32, #tpu.memory_space<vmem>> -> memref<32x128xf32, #tpu.memory_space<vmem>>
      %dma_wait3A_770 = arith.constant 0 : i32
      %dma_wait3A_771 = tpu.memref_slice %arg4[%dma_wait3A_770, %multiple_of3A_160] : memref<32x1000000xf32, #tpu.memory_space<hbm>> -> memref<32x128xf32, #tpu.memory_space<hbm>>
      tpu.wait_dma2 semaphore(%arg17 : memref<!tpu.dma_semaphore, #tpu.memory_space<semaphore_mem>>) src(%dma_wait3A_771 : memref<32x128xf32, #tpu.memory_space<hbm>>) dst(%dma_wait3A_769 : memref<32x128xf32, #tpu.memory_space<vmem>>)
      %dma_wait3A_772 = arith.constant 3 : i32
      %dma_wait3A_773 = arith.constant 0 : i32
      %dma_wait3A_774 = arith.constant 0 : i32
      %dma_wait3A_775 = tpu.memref_slice %arg12[%dma_wait3A_772, %dma_wait3A_773, %dma_wait3A_774] : memref<16x32x128xf32, #tpu.memory_space<vmem>> -> memref<1x32x128xf32, #tpu.memory_space<vmem>>
      %dma_wait3A_776 = tpu.memref_squeeze %dma_wait3A_775 : memref<1x32x128xf32, #tpu.memory_space<vmem>> -> memref<32x128xf32, #tpu.memory_space<vmem>>
      %dma_wait3A_777 = arith.constant 0 : i32
      %dma_wait3A_778 = tpu.memref_slice %arg4[%dma_wait3A_777, %multiple_of3A_202] : memref<32x1000000xf32, #tpu.memory_space<hbm>> -> memref<32x128xf32, #tpu.memory_space<hbm>>
      %dma_wait3A_779 = arith.constant 0 : i32
      %dma_wait3A_780 = arith.constant 0 : i32
      %dma_wait3A_781 = tpu.memref_slice %arg12[%dma_wait3A_772, %dma_wait3A_779, %dma_wait3A_780] : memref<16x32x128xf32, #tpu.memory_space<vmem>> -> memref<1x32x128xf32, #tpu.memory_space<vmem>>
      %dma_wait3A_782 = tpu.memref_squeeze %dma_wait3A_781 : memref<1x32x128xf32, #tpu.memory_space<vmem>> -> memref<32x128xf32, #tpu.memory_space<vmem>>
      %dma_wait3A_783 = arith.constant 0 : i32
      %dma_wait3A_784 = tpu.memref_slice %arg4[%dma_wait3A_783, %multiple_of3A_202] : memref<32x1000000xf32, #tpu.memory_space<hbm>> -> memref<32x128xf32, #tpu.memory_space<hbm>>
      tpu.wait_dma2 semaphore(%arg17 : memref<!tpu.dma_semaphore, #tpu.memory_space<semaphore_mem>>) src(%dma_wait3A_784 : memref<32x128xf32, #tpu.memory_space<hbm>>) dst(%dma_wait3A_782 : memref<32x128xf32, #tpu.memory_space<vmem>>)
      %dma_wait3A_785 = arith.constant 4 : i32
      %dma_wait3A_786 = arith.constant 0 : i32
      %dma_wait3A_787 = arith.constant 0 : i32
      %dma_wait3A_788 = tpu.memref_slice %arg12[%dma_wait3A_785, %dma_wait3A_786, %dma_wait3A_787] : memref<16x32x128xf32, #tpu.memory_space<vmem>> -> memref<1x32x128xf32, #tpu.memory_space<vmem>>
      %dma_wait3A_789 = tpu.memref_squeeze %dma_wait3A_788 : memref<1x32x128xf32, #tpu.memory_space<vmem>> -> memref<32x128xf32, #tpu.memory_space<vmem>>
      %dma_wait3A_790 = arith.constant 0 : i32
      %dma_wait3A_791 = tpu.memref_slice %arg4[%dma_wait3A_790, %multiple_of3A_244] : memref<32x1000000xf32, #tpu.memory_space<hbm>> -> memref<32x128xf32, #tpu.memory_space<hbm>>
      %dma_wait3A_792 = arith.constant 0 : i32
      %dma_wait3A_793 = arith.constant 0 : i32
      %dma_wait3A_794 = tpu.memref_slice %arg12[%dma_wait3A_785, %dma_wait3A_792, %dma_wait3A_793] : memref<16x32x128xf32, #tpu.memory_space<vmem>> -> memref<1x32x128xf32, #tpu.memory_space<vmem>>
      %dma_wait3A_795 = tpu.memref_squeeze %dma_wait3A_794 : memref<1x32x128xf32, #tpu.memory_space<vmem>> -> memref<32x128xf32, #tpu.memory_space<vmem>>
      %dma_wait3A_796 = arith.constant 0 : i32
      %dma_wait3A_797 = tpu.memref_slice %arg4[%dma_wait3A_796, %multiple_of3A_244] : memref<32x1000000xf32, #tpu.memory_space<hbm>> -> memref<32x128xf32, #tpu.memory_space<hbm>>
      tpu.wait_dma2 semaphore(%arg17 : memref<!tpu.dma_semaphore, #tpu.memory_space<semaphore_mem>>) src(%dma_wait3A_797 : memref<32x128xf32, #tpu.memory_space<hbm>>) dst(%dma_wait3A_795 : memref<32x128xf32, #tpu.memory_space<vmem>>)
      %dma_wait3A_798 = arith.constant 5 : i32
      %dma_wait3A_799 = arith.constant 0 : i32
      %dma_wait3A_800 = arith.constant 0 : i32
      %dma_wait3A_801 = tpu.memref_slice %arg12[%dma_wait3A_798, %dma_wait3A_799, %dma_wait3A_800] : memref<16x32x128xf32, #tpu.memory_space<vmem>> -> memref<1x32x128xf32, #tpu.memory_space<vmem>>
      %dma_wait3A_802 = tpu.memref_squeeze %dma_wait3A_801 : memref<1x32x128xf32, #tpu.memory_space<vmem>> -> memref<32x128xf32, #tpu.memory_space<vmem>>
      %dma_wait3A_803 = arith.constant 0 : i32
      %dma_wait3A_804 = tpu.memref_slice %arg4[%dma_wait3A_803, %multiple_of3A_286] : memref<32x1000000xf32, #tpu.memory_space<hbm>> -> memref<32x128xf32, #tpu.memory_space<hbm>>
      %dma_wait3A_805 = arith.constant 0 : i32
      %dma_wait3A_806 = arith.constant 0 : i32
      %dma_wait3A_807 = tpu.memref_slice %arg12[%dma_wait3A_798, %dma_wait3A_805, %dma_wait3A_806] : memref<16x32x128xf32, #tpu.memory_space<vmem>> -> memref<1x32x128xf32, #tpu.memory_space<vmem>>
      %dma_wait3A_808 = tpu.memref_squeeze %dma_wait3A_807 : memref<1x32x128xf32, #tpu.memory_space<vmem>> -> memref<32x128xf32, #tpu.memory_space<vmem>>
      %dma_wait3A_809 = arith.constant 0 : i32
      %dma_wait3A_810 = tpu.memref_slice %arg4[%dma_wait3A_809, %multiple_of3A_286] : memref<32x1000000xf32, #tpu.memory_space<hbm>> -> memref<32x128xf32, #tpu.memory_space<hbm>>
      tpu.wait_dma2 semaphore(%arg17 : memref<!tpu.dma_semaphore, #tpu.memory_space<semaphore_mem>>) src(%dma_wait3A_810 : memref<32x128xf32, #tpu.memory_space<hbm>>) dst(%dma_wait3A_808 : memref<32x128xf32, #tpu.memory_space<vmem>>)
      %dma_wait3A_811 = arith.constant 6 : i32
      %dma_wait3A_812 = arith.constant 0 : i32
      %dma_wait3A_813 = arith.constant 0 : i32
      %dma_wait3A_814 = tpu.memref_slice %arg12[%dma_wait3A_811, %dma_wait3A_812, %dma_wait3A_813] : memref<16x32x128xf32, #tpu.memory_space<vmem>> -> memref<1x32x128xf32, #tpu.memory_space<vmem>>
      %dma_wait3A_815 = tpu.memref_squeeze %dma_wait3A_814 : memref<1x32x128xf32, #tpu.memory_space<vmem>> -> memref<32x128xf32, #tpu.memory_space<vmem>>
      %dma_wait3A_816 = arith.constant 0 : i32
      %dma_wait3A_817 = tpu.memref_slice %arg4[%dma_wait3A_816, %multiple_of3A_328] : memref<32x1000000xf32, #tpu.memory_space<hbm>> -> memref<32x128xf32, #tpu.memory_space<hbm>>
      %dma_wait3A_818 = arith.constant 0 : i32
      %dma_wait3A_819 = arith.constant 0 : i32
      %dma_wait3A_820 = tpu.memref_slice %arg12[%dma_wait3A_811, %dma_wait3A_818, %dma_wait3A_819] : memref<16x32x128xf32, #tpu.memory_space<vmem>> -> memref<1x32x128xf32, #tpu.memory_space<vmem>>
      %dma_wait3A_821 = tpu.memref_squeeze %dma_wait3A_820 : memref<1x32x128xf32, #tpu.memory_space<vmem>> -> memref<32x128xf32, #tpu.memory_space<vmem>>
      %dma_wait3A_822 = arith.constant 0 : i32
      %dma_wait3A_823 = tpu.memref_slice %arg4[%dma_wait3A_822, %multiple_of3A_328] : memref<32x1000000xf32, #tpu.memory_space<hbm>> -> memref<32x128xf32, #tpu.memory_space<hbm>>
      tpu.wait_dma2 semaphore(%arg17 : memref<!tpu.dma_semaphore, #tpu.memory_space<semaphore_mem>>) src(%dma_wait3A_823 : memref<32x128xf32, #tpu.memory_space<hbm>>) dst(%dma_wait3A_821 : memref<32x128xf32, #tpu.memory_space<vmem>>)
      %dma_wait3A_824 = arith.constant 7 : i32
      %dma_wait3A_825 = arith.constant 0 : i32
      %dma_wait3A_826 = arith.constant 0 : i32
      %dma_wait3A_827 = tpu.memref_slice %arg12[%dma_wait3A_824, %dma_wait3A_825, %dma_wait3A_826] : memref<16x32x128xf32, #tpu.memory_space<vmem>> -> memref<1x32x128xf32, #tpu.memory_space<vmem>>
      %dma_wait3A_828 = tpu.memref_squeeze %dma_wait3A_827 : memref<1x32x128xf32, #tpu.memory_space<vmem>> -> memref<32x128xf32, #tpu.memory_space<vmem>>
      %dma_wait3A_829 = arith.constant 0 : i32
      %dma_wait3A_830 = tpu.memref_slice %arg4[%dma_wait3A_829, %multiple_of3A_370] : memref<32x1000000xf32, #tpu.memory_space<hbm>> -> memref<32x128xf32, #tpu.memory_space<hbm>>
      %dma_wait3A_831 = arith.constant 0 : i32
      %dma_wait3A_832 = arith.constant 0 : i32
      %dma_wait3A_833 = tpu.memref_slice %arg12[%dma_wait3A_824, %dma_wait3A_831, %dma_wait3A_832] : memref<16x32x128xf32, #tpu.memory_space<vmem>> -> memref<1x32x128xf32, #tpu.memory_space<vmem>>
      %dma_wait3A_834 = tpu.memref_squeeze %dma_wait3A_833 : memref<1x32x128xf32, #tpu.memory_space<vmem>> -> memref<32x128xf32, #tpu.memory_space<vmem>>
      %dma_wait3A_835 = arith.constant 0 : i32
      %dma_wait3A_836 = tpu.memref_slice %arg4[%dma_wait3A_835, %multiple_of3A_370] : memref<32x1000000xf32, #tpu.memory_space<hbm>> -> memref<32x128xf32, #tpu.memory_space<hbm>>
      tpu.wait_dma2 semaphore(%arg17 : memref<!tpu.dma_semaphore, #tpu.memory_space<semaphore_mem>>) src(%dma_wait3A_836 : memref<32x128xf32, #tpu.memory_space<hbm>>) dst(%dma_wait3A_834 : memref<32x128xf32, #tpu.memory_space<vmem>>)
      %dma_wait3A_837 = arith.constant 8 : i32
      %dma_wait3A_838 = arith.constant 0 : i32
      %dma_wait3A_839 = arith.constant 0 : i32
      %dma_wait3A_840 = tpu.memref_slice %arg12[%dma_wait3A_837, %dma_wait3A_838, %dma_wait3A_839] : memref<16x32x128xf32, #tpu.memory_space<vmem>> -> memref<1x32x128xf32, #tpu.memory_space<vmem>>
      %dma_wait3A_841 = tpu.memref_squeeze %dma_wait3A_840 : memref<1x32x128xf32, #tpu.memory_space<vmem>> -> memref<32x128xf32, #tpu.memory_space<vmem>>
      %dma_wait3A_842 = arith.constant 0 : i32
      %dma_wait3A_843 = tpu.memref_slice %arg4[%dma_wait3A_842, %multiple_of3A_412] : memref<32x1000000xf32, #tpu.memory_space<hbm>> -> memref<32x128xf32, #tpu.memory_space<hbm>>
      %dma_wait3A_844 = arith.constant 0 : i32
      %dma_wait3A_845 = arith.constant 0 : i32
      %dma_wait3A_846 = tpu.memref_slice %arg12[%dma_wait3A_837, %dma_wait3A_844, %dma_wait3A_845] : memref<16x32x128xf32, #tpu.memory_space<vmem>> -> memref<1x32x128xf32, #tpu.memory_space<vmem>>
      %dma_wait3A_847 = tpu.memref_squeeze %dma_wait3A_846 : memref<1x32x128xf32, #tpu.memory_space<vmem>> -> memref<32x128xf32, #tpu.memory_space<vmem>>
      %dma_wait3A_848 = arith.constant 0 : i32
      %dma_wait3A_849 = tpu.memref_slice %arg4[%dma_wait3A_848, %multiple_of3A_412] : memref<32x1000000xf32, #tpu.memory_space<hbm>> -> memref<32x128xf32, #tpu.memory_space<hbm>>
      tpu.wait_dma2 semaphore(%arg17 : memref<!tpu.dma_semaphore, #tpu.memory_space<semaphore_mem>>) src(%dma_wait3A_849 : memref<32x128xf32, #tpu.memory_space<hbm>>) dst(%dma_wait3A_847 : memref<32x128xf32, #tpu.memory_space<vmem>>)
      %dma_wait3A_850 = arith.constant 9 : i32
      %dma_wait3A_851 = arith.constant 0 : i32
      %dma_wait3A_852 = arith.constant 0 : i32
      %dma_wait3A_853 = tpu.memref_slice %arg12[%dma_wait3A_850, %dma_wait3A_851, %dma_wait3A_852] : memref<16x32x128xf32, #tpu.memory_space<vmem>> -> memref<1x32x128xf32, #tpu.memory_space<vmem>>
      %dma_wait3A_854 = tpu.memref_squeeze %dma_wait3A_853 : memref<1x32x128xf32, #tpu.memory_space<vmem>> -> memref<32x128xf32, #tpu.memory_space<vmem>>
      %dma_wait3A_855 = arith.constant 0 : i32
      %dma_wait3A_856 = tpu.memref_slice %arg4[%dma_wait3A_855, %multiple_of3A_454] : memref<32x1000000xf32, #tpu.memory_space<hbm>> -> memref<32x128xf32, #tpu.memory_space<hbm>>
      %dma_wait3A_857 = arith.constant 0 : i32
      %dma_wait3A_858 = arith.constant 0 : i32
      %dma_wait3A_859 = tpu.memref_slice %arg12[%dma_wait3A_850, %dma_wait3A_857, %dma_wait3A_858] : memref<16x32x128xf32, #tpu.memory_space<vmem>> -> memref<1x32x128xf32, #tpu.memory_space<vmem>>
      %dma_wait3A_860 = tpu.memref_squeeze %dma_wait3A_859 : memref<1x32x128xf32, #tpu.memory_space<vmem>> -> memref<32x128xf32, #tpu.memory_space<vmem>>
      %dma_wait3A_861 = arith.constant 0 : i32
      %dma_wait3A_862 = tpu.memref_slice %arg4[%dma_wait3A_861, %multiple_of3A_454] : memref<32x1000000xf32, #tpu.memory_space<hbm>> -> memref<32x128xf32, #tpu.memory_space<hbm>>
      tpu.wait_dma2 semaphore(%arg17 : memref<!tpu.dma_semaphore, #tpu.memory_space<semaphore_mem>>) src(%dma_wait3A_862 : memref<32x128xf32, #tpu.memory_space<hbm>>) dst(%dma_wait3A_860 : memref<32x128xf32, #tpu.memory_space<vmem>>)
      %dma_wait3A_863 = arith.constant 10 : i32
      %dma_wait3A_864 = arith.constant 0 : i32
      %dma_wait3A_865 = arith.constant 0 : i32
      %dma_wait3A_866 = tpu.memref_slice %arg12[%dma_wait3A_863, %dma_wait3A_864, %dma_wait3A_865] : memref<16x32x128xf32, #tpu.memory_space<vmem>> -> memref<1x32x128xf32, #tpu.memory_space<vmem>>
      %dma_wait3A_867 = tpu.memref_squeeze %dma_wait3A_866 : memref<1x32x128xf32, #tpu.memory_space<vmem>> -> memref<32x128xf32, #tpu.memory_space<vmem>>
      %dma_wait3A_868 = arith.constant 0 : i32
      %dma_wait3A_869 = tpu.memref_slice %arg4[%dma_wait3A_868, %multiple_of3A_496] : memref<32x1000000xf32, #tpu.memory_space<hbm>> -> memref<32x128xf32, #tpu.memory_space<hbm>>
      %dma_wait3A_870 = arith.constant 0 : i32
      %dma_wait3A_871 = arith.constant 0 : i32
      %dma_wait3A_872 = tpu.memref_slice %arg12[%dma_wait3A_863, %dma_wait3A_870, %dma_wait3A_871] : memref<16x32x128xf32, #tpu.memory_space<vmem>> -> memref<1x32x128xf32, #tpu.memory_space<vmem>>
      %dma_wait3A_873 = tpu.memref_squeeze %dma_wait3A_872 : memref<1x32x128xf32, #tpu.memory_space<vmem>> -> memref<32x128xf32, #tpu.memory_space<vmem>>
      %dma_wait3A_874 = arith.constant 0 : i32
      %dma_wait3A_875 = tpu.memref_slice %arg4[%dma_wait3A_874, %multiple_of3A_496] : memref<32x1000000xf32, #tpu.memory_space<hbm>> -> memref<32x128xf32, #tpu.memory_space<hbm>>
      tpu.wait_dma2 semaphore(%arg17 : memref<!tpu.dma_semaphore, #tpu.memory_space<semaphore_mem>>) src(%dma_wait3A_875 : memref<32x128xf32, #tpu.memory_space<hbm>>) dst(%dma_wait3A_873 : memref<32x128xf32, #tpu.memory_space<vmem>>)
      %dma_wait3A_876 = arith.constant 11 : i32
      %dma_wait3A_877 = arith.constant 0 : i32
      %dma_wait3A_878 = arith.constant 0 : i32
      %dma_wait3A_879 = tpu.memref_slice %arg12[%dma_wait3A_876, %dma_wait3A_877, %dma_wait3A_878] : memref<16x32x128xf32, #tpu.memory_space<vmem>> -> memref<1x32x128xf32, #tpu.memory_space<vmem>>
      %dma_wait3A_880 = tpu.memref_squeeze %dma_wait3A_879 : memref<1x32x128xf32, #tpu.memory_space<vmem>> -> memref<32x128xf32, #tpu.memory_space<vmem>>
      %dma_wait3A_881 = arith.constant 0 : i32
      %dma_wait3A_882 = tpu.memref_slice %arg4[%dma_wait3A_881, %multiple_of3A_538] : memref<32x1000000xf32, #tpu.memory_space<hbm>> -> memref<32x128xf32, #tpu.memory_space<hbm>>
      %dma_wait3A_883 = arith.constant 0 : i32
      %dma_wait3A_884 = arith.constant 0 : i32
      %dma_wait3A_885 = tpu.memref_slice %arg12[%dma_wait3A_876, %dma_wait3A_883, %dma_wait3A_884] : memref<16x32x128xf32, #tpu.memory_space<vmem>> -> memref<1x32x128xf32, #tpu.memory_space<vmem>>
      %dma_wait3A_886 = tpu.memref_squeeze %dma_wait3A_885 : memref<1x32x128xf32, #tpu.memory_space<vmem>> -> memref<32x128xf32, #tpu.memory_space<vmem>>
      %dma_wait3A_887 = arith.constant 0 : i32
      %dma_wait3A_888 = tpu.memref_slice %arg4[%dma_wait3A_887, %multiple_of3A_538] : memref<32x1000000xf32, #tpu.memory_space<hbm>> -> memref<32x128xf32, #tpu.memory_space<hbm>>
      tpu.wait_dma2 semaphore(%arg17 : memref<!tpu.dma_semaphore, #tpu.memory_space<semaphore_mem>>) src(%dma_wait3A_888 : memref<32x128xf32, #tpu.memory_space<hbm>>) dst(%dma_wait3A_886 : memref<32x128xf32, #tpu.memory_space<vmem>>)
      %dma_wait3A_889 = arith.constant 12 : i32
      %dma_wait3A_890 = arith.constant 0 : i32
      %dma_wait3A_891 = arith.constant 0 : i32
      %dma_wait3A_892 = tpu.memref_slice %arg12[%dma_wait3A_889, %dma_wait3A_890, %dma_wait3A_891] : memref<16x32x128xf32, #tpu.memory_space<vmem>> -> memref<1x32x128xf32, #tpu.memory_space<vmem>>
      %dma_wait3A_893 = tpu.memref_squeeze %dma_wait3A_892 : memref<1x32x128xf32, #tpu.memory_space<vmem>> -> memref<32x128xf32, #tpu.memory_space<vmem>>
      %dma_wait3A_894 = arith.constant 0 : i32
      %dma_wait3A_895 = tpu.memref_slice %arg4[%dma_wait3A_894, %multiple_of3A_580] : memref<32x1000000xf32, #tpu.memory_space<hbm>> -> memref<32x128xf32, #tpu.memory_space<hbm>>
      %dma_wait3A_896 = arith.constant 0 : i32
      %dma_wait3A_897 = arith.constant 0 : i32
      %dma_wait3A_898 = tpu.memref_slice %arg12[%dma_wait3A_889, %dma_wait3A_896, %dma_wait3A_897] : memref<16x32x128xf32, #tpu.memory_space<vmem>> -> memref<1x32x128xf32, #tpu.memory_space<vmem>>
      %dma_wait3A_899 = tpu.memref_squeeze %dma_wait3A_898 : memref<1x32x128xf32, #tpu.memory_space<vmem>> -> memref<32x128xf32, #tpu.memory_space<vmem>>
      %dma_wait3A_900 = arith.constant 0 : i32
      %dma_wait3A_901 = tpu.memref_slice %arg4[%dma_wait3A_900, %multiple_of3A_580] : memref<32x1000000xf32, #tpu.memory_space<hbm>> -> memref<32x128xf32, #tpu.memory_space<hbm>>
      tpu.wait_dma2 semaphore(%arg17 : memref<!tpu.dma_semaphore, #tpu.memory_space<semaphore_mem>>) src(%dma_wait3A_901 : memref<32x128xf32, #tpu.memory_space<hbm>>) dst(%dma_wait3A_899 : memref<32x128xf32, #tpu.memory_space<vmem>>)
      %dma_wait3A_902 = arith.constant 13 : i32
      %dma_wait3A_903 = arith.constant 0 : i32
      %dma_wait3A_904 = arith.constant 0 : i32
      %dma_wait3A_905 = tpu.memref_slice %arg12[%dma_wait3A_902, %dma_wait3A_903, %dma_wait3A_904] : memref<16x32x128xf32, #tpu.memory_space<vmem>> -> memref<1x32x128xf32, #tpu.memory_space<vmem>>
      %dma_wait3A_906 = tpu.memref_squeeze %dma_wait3A_905 : memref<1x32x128xf32, #tpu.memory_space<vmem>> -> memref<32x128xf32, #tpu.memory_space<vmem>>
      %dma_wait3A_907 = arith.constant 0 : i32
      %dma_wait3A_908 = tpu.memref_slice %arg4[%dma_wait3A_907, %multiple_of3A_622] : memref<32x1000000xf32, #tpu.memory_space<hbm>> -> memref<32x128xf32, #tpu.memory_space<hbm>>
      %dma_wait3A_909 = arith.constant 0 : i32
      %dma_wait3A_910 = arith.constant 0 : i32
      %dma_wait3A_911 = tpu.memref_slice %arg12[%dma_wait3A_902, %dma_wait3A_909, %dma_wait3A_910] : memref<16x32x128xf32, #tpu.memory_space<vmem>> -> memref<1x32x128xf32, #tpu.memory_space<vmem>>
      %dma_wait3A_912 = tpu.memref_squeeze %dma_wait3A_911 : memref<1x32x128xf32, #tpu.memory_space<vmem>> -> memref<32x128xf32, #tpu.memory_space<vmem>>
      %dma_wait3A_913 = arith.constant 0 : i32
      %dma_wait3A_914 = tpu.memref_slice %arg4[%dma_wait3A_913, %multiple_of3A_622] : memref<32x1000000xf32, #tpu.memory_space<hbm>> -> memref<32x128xf32, #tpu.memory_space<hbm>>
      tpu.wait_dma2 semaphore(%arg17 : memref<!tpu.dma_semaphore, #tpu.memory_space<semaphore_mem>>) src(%dma_wait3A_914 : memref<32x128xf32, #tpu.memory_space<hbm>>) dst(%dma_wait3A_912 : memref<32x128xf32, #tpu.memory_space<vmem>>)
      %dma_wait3A_915 = arith.constant 14 : i32
      %dma_wait3A_916 = arith.constant 0 : i32
      %dma_wait3A_917 = arith.constant 0 : i32
      %dma_wait3A_918 = tpu.memref_slice %arg12[%dma_wait3A_915, %dma_wait3A_916, %dma_wait3A_917] : memref<16x32x128xf32, #tpu.memory_space<vmem>> -> memref<1x32x128xf32, #tpu.memory_space<vmem>>
      %dma_wait3A_919 = tpu.memref_squeeze %dma_wait3A_918 : memref<1x32x128xf32, #tpu.memory_space<vmem>> -> memref<32x128xf32, #tpu.memory_space<vmem>>
      %dma_wait3A_920 = arith.constant 0 : i32
      %dma_wait3A_921 = tpu.memref_slice %arg4[%dma_wait3A_920, %multiple_of3A_664] : memref<32x1000000xf32, #tpu.memory_space<hbm>> -> memref<32x128xf32, #tpu.memory_space<hbm>>
      %dma_wait3A_922 = arith.constant 0 : i32
      %dma_wait3A_923 = arith.constant 0 : i32
      %dma_wait3A_924 = tpu.memref_slice %arg12[%dma_wait3A_915, %dma_wait3A_922, %dma_wait3A_923] : memref<16x32x128xf32, #tpu.memory_space<vmem>> -> memref<1x32x128xf32, #tpu.memory_space<vmem>>
      %dma_wait3A_925 = tpu.memref_squeeze %dma_wait3A_924 : memref<1x32x128xf32, #tpu.memory_space<vmem>> -> memref<32x128xf32, #tpu.memory_space<vmem>>
      %dma_wait3A_926 = arith.constant 0 : i32
      %dma_wait3A_927 = tpu.memref_slice %arg4[%dma_wait3A_926, %multiple_of3A_664] : memref<32x1000000xf32, #tpu.memory_space<hbm>> -> memref<32x128xf32, #tpu.memory_space<hbm>>
      tpu.wait_dma2 semaphore(%arg17 : memref<!tpu.dma_semaphore, #tpu.memory_space<semaphore_mem>>) src(%dma_wait3A_927 : memref<32x128xf32, #tpu.memory_space<hbm>>) dst(%dma_wait3A_925 : memref<32x128xf32, #tpu.memory_space<vmem>>)
      %dma_wait3A_928 = arith.constant 15 : i32
      %dma_wait3A_929 = arith.constant 0 : i32
      %dma_wait3A_930 = arith.constant 0 : i32
      %dma_wait3A_931 = tpu.memref_slice %arg12[%dma_wait3A_928, %dma_wait3A_929, %dma_wait3A_930] : memref<16x32x128xf32, #tpu.memory_space<vmem>> -> memref<1x32x128xf32, #tpu.memory_space<vmem>>
      %dma_wait3A_932 = tpu.memref_squeeze %dma_wait3A_931 : memref<1x32x128xf32, #tpu.memory_space<vmem>> -> memref<32x128xf32, #tpu.memory_space<vmem>>
      %dma_wait3A_933 = arith.constant 0 : i32
      %dma_wait3A_934 = tpu.memref_slice %arg4[%dma_wait3A_933, %multiple_of3A_706] : memref<32x1000000xf32, #tpu.memory_space<hbm>> -> memref<32x128xf32, #tpu.memory_space<hbm>>
      %dma_wait3A_935 = arith.constant 0 : i32
      %dma_wait3A_936 = arith.constant 0 : i32
      %dma_wait3A_937 = tpu.memref_slice %arg12[%dma_wait3A_928, %dma_wait3A_935, %dma_wait3A_936] : memref<16x32x128xf32, #tpu.memory_space<vmem>> -> memref<1x32x128xf32, #tpu.memory_space<vmem>>
      %dma_wait3A_938 = tpu.memref_squeeze %dma_wait3A_937 : memref<1x32x128xf32, #tpu.memory_space<vmem>> -> memref<32x128xf32, #tpu.memory_space<vmem>>
      %dma_wait3A_939 = arith.constant 0 : i32
      %dma_wait3A_940 = tpu.memref_slice %arg4[%dma_wait3A_939, %multiple_of3A_706] : memref<32x1000000xf32, #tpu.memory_space<hbm>> -> memref<32x128xf32, #tpu.memory_space<hbm>>
      tpu.wait_dma2 semaphore(%arg17 : memref<!tpu.dma_semaphore, #tpu.memory_space<semaphore_mem>>) src(%dma_wait3A_940 : memref<32x128xf32, #tpu.memory_space<hbm>>) dst(%dma_wait3A_938 : memref<32x128xf32, #tpu.memory_space<vmem>>)
      %dma_wait3A_941 = arith.constant 0 : i32
      %dma_wait3A_942 = tpu.memref_slice %arg14[%dma_wait3A_941] : memref<32xf32, #tpu.memory_space<vmem>> -> memref<16xf32, #tpu.memory_space<vmem>>
      %dma_wait3A_943 = tpu.memref_slice %arg10[%mul3A_721] : memref<512xi32, #tpu.memory_space<vmem>> -> memref<16xi32, #tpu.memory_space<vmem>>
      %dma_wait3A_944 = arith.constant 0 : i32
      %dma_wait3A_945 = tpu.memref_slice %arg6[%dma_wait3A_944] : memref<1000000xf32, #tpu.memory_space<hbm>> -> memref<1000000xf32, #tpu.memory_space<hbm>>
      tpu.wait_indirect_dma semaphore(%arg17 : memref<!tpu.dma_semaphore, #tpu.memory_space<semaphore_mem>>) src(%dma_wait3A_945 : memref<1000000xf32, #tpu.memory_space<hbm>>) dst(%dma_wait3A_942 : memref<16xf32, #tpu.memory_space<vmem>>)
      %dma_wait3A_946 = arith.constant 16 : i32
      %dma_wait3A_947 = tpu.memref_slice %arg14[%dma_wait3A_946] : memref<32xf32, #tpu.memory_space<vmem>> -> memref<16xf32, #tpu.memory_space<vmem>>
      %dma_wait3A_948 = tpu.memref_slice %arg11[%mul3A_728] : memref<512xi32, #tpu.memory_space<vmem>> -> memref<16xi32, #tpu.memory_space<vmem>>
      %dma_wait3A_949 = arith.constant 0 : i32
      %dma_wait3A_950 = tpu.memref_slice %arg7[%dma_wait3A_949] : memref<1000000xf32, #tpu.memory_space<hbm>> -> memref<1000000xf32, #tpu.memory_space<hbm>>
      tpu.wait_indirect_dma semaphore(%arg17 : memref<!tpu.dma_semaphore, #tpu.memory_space<semaphore_mem>>) src(%dma_wait3A_950 : memref<1000000xf32, #tpu.memory_space<hbm>>) dst(%dma_wait3A_947 : memref<16xf32, #tpu.memory_space<vmem>>)
      %broadcast_in_dim3A = arith.constant 0 : i32
      %broadcast_in_dim3A_951 = vector.broadcast %broadcast_in_dim3A : i32 to vector<16xi32>
      %gather3A = tpu.vector_load_idx %arg12[%iota3A, %broadcast_in_dim3A_951, %select_n3A_30] : memref<16x32x128xf32, #tpu.memory_space<vmem>>[vector<16xi32>, vector<16xi32>, vector<16xi32>], vector<16xf32>,
      %swap3A = arith.constant 0 : i32
      %swap3A_952 = arith.index_cast %swap3A : i32 to index
      %swap3A_953 = arith.constant 0 : index
      %swap3A_954 = tpu.vector_load %arg13[%swap3A_952, %swap3A_953] {strides = array<i32>} : memref<32x16xf32, #tpu.memory_space<vmem>>, vector<16xf32>,
      tpu.vector_store %arg13[%swap3A_952, %swap3A_953], %gather3A {strides = array<i32>} : memref<32x16xf32, #tpu.memory_space<vmem>>, vector<16xf32>,
      %broadcast_in_dim3A_955 = arith.constant 1 : i32
      %broadcast_in_dim3A_956 = vector.broadcast %broadcast_in_dim3A_955 : i32 to vector<16xi32>
      %gather3A_957 = tpu.vector_load_idx %arg12[%iota3A, %broadcast_in_dim3A_956, %select_n3A_30] : memref<16x32x128xf32, #tpu.memory_space<vmem>>[vector<16xi32>, vector<16xi32>, vector<16xi32>], vector<16xf32>,
      %swap3A_958 = arith.constant 1 : i32
      %swap3A_959 = arith.index_cast %swap3A_958 : i32 to index
      %swap3A_960 = arith.constant 0 : index
      %swap3A_961 = tpu.vector_load %arg13[%swap3A_959, %swap3A_960] {strides = array<i32>} : memref<32x16xf32, #tpu.memory_space<vmem>>, vector<16xf32>,
      tpu.vector_store %arg13[%swap3A_959, %swap3A_960], %gather3A_957 {strides = array<i32>} : memref<32x16xf32, #tpu.memory_space<vmem>>, vector<16xf32>,
      %broadcast_in_dim3A_962 = arith.constant 2 : i32
      %broadcast_in_dim3A_963 = vector.broadcast %broadcast_in_dim3A_962 : i32 to vector<16xi32>
      %gather3A_964 = tpu.vector_load_idx %arg12[%iota3A, %broadcast_in_dim3A_963, %select_n3A_30] : memref<16x32x128xf32, #tpu.memory_space<vmem>>[vector<16xi32>, vector<16xi32>, vector<16xi32>], vector<16xf32>,
      %swap3A_965 = arith.constant 2 : i32
      %swap3A_966 = arith.index_cast %swap3A_965 : i32 to index
      %swap3A_967 = arith.constant 0 : index
      %swap3A_968 = tpu.vector_load %arg13[%swap3A_966, %swap3A_967] {strides = array<i32>} : memref<32x16xf32, #tpu.memory_space<vmem>>, vector<16xf32>,
      tpu.vector_store %arg13[%swap3A_966, %swap3A_967], %gather3A_964 {strides = array<i32>} : memref<32x16xf32, #tpu.memory_space<vmem>>, vector<16xf32>,
      %broadcast_in_dim3A_969 = arith.constant 3 : i32
      %broadcast_in_dim3A_970 = vector.broadcast %broadcast_in_dim3A_969 : i32 to vector<16xi32>
      %gather3A_971 = tpu.vector_load_idx %arg12[%iota3A, %broadcast_in_dim3A_970, %select_n3A_30] : memref<16x32x128xf32, #tpu.memory_space<vmem>>[vector<16xi32>, vector<16xi32>, vector<16xi32>], vector<16xf32>,
      %swap3A_972 = arith.constant 3 : i32
      %swap3A_973 = arith.index_cast %swap3A_972 : i32 to index
      %swap3A_974 = arith.constant 0 : index
      %swap3A_975 = tpu.vector_load %arg13[%swap3A_973, %swap3A_974] {strides = array<i32>} : memref<32x16xf32, #tpu.memory_space<vmem>>, vector<16xf32>,
      tpu.vector_store %arg13[%swap3A_973, %swap3A_974], %gather3A_971 {strides = array<i32>} : memref<32x16xf32, #tpu.memory_space<vmem>>, vector<16xf32>,
      %broadcast_in_dim3A_976 = arith.constant 4 : i32
      %broadcast_in_dim3A_977 = vector.broadcast %broadcast_in_dim3A_976 : i32 to vector<16xi32>
      %gather3A_978 = tpu.vector_load_idx %arg12[%iota3A, %broadcast_in_dim3A_977, %select_n3A_30] : memref<16x32x128xf32, #tpu.memory_space<vmem>>[vector<16xi32>, vector<16xi32>, vector<16xi32>], vector<16xf32>,
      %swap3A_979 = arith.constant 4 : i32
      %swap3A_980 = arith.index_cast %swap3A_979 : i32 to index
      %swap3A_981 = arith.constant 0 : index
      %swap3A_982 = tpu.vector_load %arg13[%swap3A_980, %swap3A_981] {strides = array<i32>} : memref<32x16xf32, #tpu.memory_space<vmem>>, vector<16xf32>,
      tpu.vector_store %arg13[%swap3A_980, %swap3A_981], %gather3A_978 {strides = array<i32>} : memref<32x16xf32, #tpu.memory_space<vmem>>, vector<16xf32>,
      %broadcast_in_dim3A_983 = arith.constant 5 : i32
      %broadcast_in_dim3A_984 = vector.broadcast %broadcast_in_dim3A_983 : i32 to vector<16xi32>
      %gather3A_985 = tpu.vector_load_idx %arg12[%iota3A, %broadcast_in_dim3A_984, %select_n3A_30] : memref<16x32x128xf32, #tpu.memory_space<vmem>>[vector<16xi32>, vector<16xi32>, vector<16xi32>], vector<16xf32>,
      %swap3A_986 = arith.constant 5 : i32
      %swap3A_987 = arith.index_cast %swap3A_986 : i32 to index
      %swap3A_988 = arith.constant 0 : index
      %swap3A_989 = tpu.vector_load %arg13[%swap3A_987, %swap3A_988] {strides = array<i32>} : memref<32x16xf32, #tpu.memory_space<vmem>>, vector<16xf32>,
      tpu.vector_store %arg13[%swap3A_987, %swap3A_988], %gather3A_985 {strides = array<i32>} : memref<32x16xf32, #tpu.memory_space<vmem>>, vector<16xf32>,
      %broadcast_in_dim3A_990 = arith.constant 6 : i32
      %broadcast_in_dim3A_991 = vector.broadcast %broadcast_in_dim3A_990 : i32 to vector<16xi32>
      %gather3A_992 = tpu.vector_load_idx %arg12[%iota3A, %broadcast_in_dim3A_991, %select_n3A_30] : memref<16x32x128xf32, #tpu.memory_space<vmem>>[vector<16xi32>, vector<16xi32>, vector<16xi32>], vector<16xf32>,
      %swap3A_993 = arith.constant 6 : i32
      %swap3A_994 = arith.index_cast %swap3A_993 : i32 to index
      %swap3A_995 = arith.constant 0 : index
      %swap3A_996 = tpu.vector_load %arg13[%swap3A_994, %swap3A_995] {strides = array<i32>} : memref<32x16xf32, #tpu.memory_space<vmem>>, vector<16xf32>,
      tpu.vector_store %arg13[%swap3A_994, %swap3A_995], %gather3A_992 {strides = array<i32>} : memref<32x16xf32, #tpu.memory_space<vmem>>, vector<16xf32>,
      %broadcast_in_dim3A_997 = arith.constant 7 : i32
      %broadcast_in_dim3A_998 = vector.broadcast %broadcast_in_dim3A_997 : i32 to vector<16xi32>
      %gather3A_999 = tpu.vector_load_idx %arg12[%iota3A, %broadcast_in_dim3A_998, %select_n3A_30] : memref<16x32x128xf32, #tpu.memory_space<vmem>>[vector<16xi32>, vector<16xi32>, vector<16xi32>], vector<16xf32>,
      %swap3A_1000 = arith.constant 7 : i32
      %swap3A_1001 = arith.index_cast %swap3A_1000 : i32 to index
      %swap3A_1002 = arith.constant 0 : index
      %swap3A_1003 = tpu.vector_load %arg13[%swap3A_1001, %swap3A_1002] {strides = array<i32>} : memref<32x16xf32, #tpu.memory_space<vmem>>, vector<16xf32>,
      tpu.vector_store %arg13[%swap3A_1001, %swap3A_1002], %gather3A_999 {strides = array<i32>} : memref<32x16xf32, #tpu.memory_space<vmem>>, vector<16xf32>,
      %broadcast_in_dim3A_1004 = arith.constant 8 : i32
      %broadcast_in_dim3A_1005 = vector.broadcast %broadcast_in_dim3A_1004 : i32 to vector<16xi32>
      %gather3A_1006 = tpu.vector_load_idx %arg12[%iota3A, %broadcast_in_dim3A_1005, %select_n3A_30] : memref<16x32x128xf32, #tpu.memory_space<vmem>>[vector<16xi32>, vector<16xi32>, vector<16xi32>], vector<16xf32>,
      %swap3A_1007 = arith.constant 8 : i32
      %swap3A_1008 = arith.index_cast %swap3A_1007 : i32 to index
      %swap3A_1009 = arith.constant 0 : index
      %swap3A_1010 = tpu.vector_load %arg13[%swap3A_1008, %swap3A_1009] {strides = array<i32>} : memref<32x16xf32, #tpu.memory_space<vmem>>, vector<16xf32>,
      tpu.vector_store %arg13[%swap3A_1008, %swap3A_1009], %gather3A_1006 {strides = array<i32>} : memref<32x16xf32, #tpu.memory_space<vmem>>, vector<16xf32>,
      %broadcast_in_dim3A_1011 = arith.constant 9 : i32
      %broadcast_in_dim3A_1012 = vector.broadcast %broadcast_in_dim3A_1011 : i32 to vector<16xi32>
      %gather3A_1013 = tpu.vector_load_idx %arg12[%iota3A, %broadcast_in_dim3A_1012, %select_n3A_30] : memref<16x32x128xf32, #tpu.memory_space<vmem>>[vector<16xi32>, vector<16xi32>, vector<16xi32>], vector<16xf32>,
      %swap3A_1014 = arith.constant 9 : i32
      %swap3A_1015 = arith.index_cast %swap3A_1014 : i32 to index
      %swap3A_1016 = arith.constant 0 : index
      %swap3A_1017 = tpu.vector_load %arg13[%swap3A_1015, %swap3A_1016] {strides = array<i32>} : memref<32x16xf32, #tpu.memory_space<vmem>>, vector<16xf32>,
      tpu.vector_store %arg13[%swap3A_1015, %swap3A_1016], %gather3A_1013 {strides = array<i32>} : memref<32x16xf32, #tpu.memory_space<vmem>>, vector<16xf32>,
      %broadcast_in_dim3A_1018 = arith.constant 10 : i32
      %broadcast_in_dim3A_1019 = vector.broadcast %broadcast_in_dim3A_1018 : i32 to vector<16xi32>
      %gather3A_1020 = tpu.vector_load_idx %arg12[%iota3A, %broadcast_in_dim3A_1019, %select_n3A_30] : memref<16x32x128xf32, #tpu.memory_space<vmem>>[vector<16xi32>, vector<16xi32>, vector<16xi32>], vector<16xf32>,
      %swap3A_1021 = arith.constant 10 : i32
      %swap3A_1022 = arith.index_cast %swap3A_1021 : i32 to index
      %swap3A_1023 = arith.constant 0 : index
      %swap3A_1024 = tpu.vector_load %arg13[%swap3A_1022, %swap3A_1023] {strides = array<i32>} : memref<32x16xf32, #tpu.memory_space<vmem>>, vector<16xf32>,
      tpu.vector_store %arg13[%swap3A_1022, %swap3A_1023], %gather3A_1020 {strides = array<i32>} : memref<32x16xf32, #tpu.memory_space<vmem>>, vector<16xf32>,
      %broadcast_in_dim3A_1025 = arith.constant 11 : i32
      %broadcast_in_dim3A_1026 = vector.broadcast %broadcast_in_dim3A_1025 : i32 to vector<16xi32>
      %gather3A_1027 = tpu.vector_load_idx %arg12[%iota3A, %broadcast_in_dim3A_1026, %select_n3A_30] : memref<16x32x128xf32, #tpu.memory_space<vmem>>[vector<16xi32>, vector<16xi32>, vector<16xi32>], vector<16xf32>,
      %swap3A_1028 = arith.constant 11 : i32
      %swap3A_1029 = arith.index_cast %swap3A_1028 : i32 to index
      %swap3A_1030 = arith.constant 0 : index
      %swap3A_1031 = tpu.vector_load %arg13[%swap3A_1029, %swap3A_1030] {strides = array<i32>} : memref<32x16xf32, #tpu.memory_space<vmem>>, vector<16xf32>,
      tpu.vector_store %arg13[%swap3A_1029, %swap3A_1030], %gather3A_1027 {strides = array<i32>} : memref<32x16xf32, #tpu.memory_space<vmem>>, vector<16xf32>,
      %broadcast_in_dim3A_1032 = arith.constant 12 : i32
      %broadcast_in_dim3A_1033 = vector.broadcast %broadcast_in_dim3A_1032 : i32 to vector<16xi32>
      %gather3A_1034 = tpu.vector_load_idx %arg12[%iota3A, %broadcast_in_dim3A_1033, %select_n3A_30] : memref<16x32x128xf32, #tpu.memory_space<vmem>>[vector<16xi32>, vector<16xi32>, vector<16xi32>], vector<16xf32>,
      %swap3A_1035 = arith.constant 12 : i32
      %swap3A_1036 = arith.index_cast %swap3A_1035 : i32 to index
      %swap3A_1037 = arith.constant 0 : index
      %swap3A_1038 = tpu.vector_load %arg13[%swap3A_1036, %swap3A_1037] {strides = array<i32>} : memref<32x16xf32, #tpu.memory_space<vmem>>, vector<16xf32>,
      tpu.vector_store %arg13[%swap3A_1036, %swap3A_1037], %gather3A_1034 {strides = array<i32>} : memref<32x16xf32, #tpu.memory_space<vmem>>, vector<16xf32>,
      %broadcast_in_dim3A_1039 = arith.constant 13 : i32
      %broadcast_in_dim3A_1040 = vector.broadcast %broadcast_in_dim3A_1039 : i32 to vector<16xi32>
      %gather3A_1041 = tpu.vector_load_idx %arg12[%iota3A, %broadcast_in_dim3A_1040, %select_n3A_30] : memref<16x32x128xf32, #tpu.memory_space<vmem>>[vector<16xi32>, vector<16xi32>, vector<16xi32>], vector<16xf32>,
      %swap3A_1042 = arith.constant 13 : i32
      %swap3A_1043 = arith.index_cast %swap3A_1042 : i32 to index
      %swap3A_1044 = arith.constant 0 : index
      %swap3A_1045 = tpu.vector_load %arg13[%swap3A_1043, %swap3A_1044] {strides = array<i32>} : memref<32x16xf32, #tpu.memory_space<vmem>>, vector<16xf32>,
      tpu.vector_store %arg13[%swap3A_1043, %swap3A_1044], %gather3A_1041 {strides = array<i32>} : memref<32x16xf32, #tpu.memory_space<vmem>>, vector<16xf32>,
      %broadcast_in_dim3A_1046 = arith.constant 14 : i32
      %broadcast_in_dim3A_1047 = vector.broadcast %broadcast_in_dim3A_1046 : i32 to vector<16xi32>
      %gather3A_1048 = tpu.vector_load_idx %arg12[%iota3A, %broadcast_in_dim3A_1047, %select_n3A_30] : memref<16x32x128xf32, #tpu.memory_space<vmem>>[vector<16xi32>, vector<16xi32>, vector<16xi32>], vector<16xf32>,
      %swap3A_1049 = arith.constant 14 : i32
      %swap3A_1050 = arith.index_cast %swap3A_1049 : i32 to index
      %swap3A_1051 = arith.constant 0 : index
      %swap3A_1052 = tpu.vector_load %arg13[%swap3A_1050, %swap3A_1051] {strides = array<i32>} : memref<32x16xf32, #tpu.memory_space<vmem>>, vector<16xf32>,
      tpu.vector_store %arg13[%swap3A_1050, %swap3A_1051], %gather3A_1048 {strides = array<i32>} : memref<32x16xf32, #tpu.memory_space<vmem>>, vector<16xf32>,
      %broadcast_in_dim3A_1053 = arith.constant 15 : i32
      %broadcast_in_dim3A_1054 = vector.broadcast %broadcast_in_dim3A_1053 : i32 to vector<16xi32>
      %gather3A_1055 = tpu.vector_load_idx %arg12[%iota3A, %broadcast_in_dim3A_1054, %select_n3A_30] : memref<16x32x128xf32, #tpu.memory_space<vmem>>[vector<16xi32>, vector<16xi32>, vector<16xi32>], vector<16xf32>,
      %swap3A_1056 = arith.constant 15 : i32
      %swap3A_1057 = arith.index_cast %swap3A_1056 : i32 to index
      %swap3A_1058 = arith.constant 0 : index
      %swap3A_1059 = tpu.vector_load %arg13[%swap3A_1057, %swap3A_1058] {strides = array<i32>} : memref<32x16xf32, #tpu.memory_space<vmem>>, vector<16xf32>,
      tpu.vector_store %arg13[%swap3A_1057, %swap3A_1058], %gather3A_1055 {strides = array<i32>} : memref<32x16xf32, #tpu.memory_space<vmem>>, vector<16xf32>,
      %broadcast_in_dim3A_1060 = arith.constant 16 : i32
      %broadcast_in_dim3A_1061 = vector.broadcast %broadcast_in_dim3A_1060 : i32 to vector<16xi32>
      %gather3A_1062 = tpu.vector_load_idx %arg12[%iota3A, %broadcast_in_dim3A_1061, %select_n3A_30] : memref<16x32x128xf32, #tpu.memory_space<vmem>>[vector<16xi32>, vector<16xi32>, vector<16xi32>], vector<16xf32>,
      %swap3A_1063 = arith.constant 16 : i32
      %swap3A_1064 = arith.index_cast %swap3A_1063 : i32 to index
      %swap3A_1065 = arith.constant 0 : index
      %swap3A_1066 = tpu.vector_load %arg13[%swap3A_1064, %swap3A_1065] {strides = array<i32>} : memref<32x16xf32, #tpu.memory_space<vmem>>, vector<16xf32>,
      tpu.vector_store %arg13[%swap3A_1064, %swap3A_1065], %gather3A_1062 {strides = array<i32>} : memref<32x16xf32, #tpu.memory_space<vmem>>, vector<16xf32>,
      %broadcast_in_dim3A_1067 = arith.constant 17 : i32
      %broadcast_in_dim3A_1068 = vector.broadcast %broadcast_in_dim3A_1067 : i32 to vector<16xi32>
      %gather3A_1069 = tpu.vector_load_idx %arg12[%iota3A, %broadcast_in_dim3A_1068, %select_n3A_30] : memref<16x32x128xf32, #tpu.memory_space<vmem>>[vector<16xi32>, vector<16xi32>, vector<16xi32>], vector<16xf32>,
      %swap3A_1070 = arith.constant 17 : i32
      %swap3A_1071 = arith.index_cast %swap3A_1070 : i32 to index
      %swap3A_1072 = arith.constant 0 : index
      %swap3A_1073 = tpu.vector_load %arg13[%swap3A_1071, %swap3A_1072] {strides = array<i32>} : memref<32x16xf32, #tpu.memory_space<vmem>>, vector<16xf32>,
      tpu.vector_store %arg13[%swap3A_1071, %swap3A_1072], %gather3A_1069 {strides = array<i32>} : memref<32x16xf32, #tpu.memory_space<vmem>>, vector<16xf32>,
      %broadcast_in_dim3A_1074 = arith.constant 18 : i32
      %broadcast_in_dim3A_1075 = vector.broadcast %broadcast_in_dim3A_1074 : i32 to vector<16xi32>
      %gather3A_1076 = tpu.vector_load_idx %arg12[%iota3A, %broadcast_in_dim3A_1075, %select_n3A_30] : memref<16x32x128xf32, #tpu.memory_space<vmem>>[vector<16xi32>, vector<16xi32>, vector<16xi32>], vector<16xf32>,
      %swap3A_1077 = arith.constant 18 : i32
      %swap3A_1078 = arith.index_cast %swap3A_1077 : i32 to index
      %swap3A_1079 = arith.constant 0 : index
      %swap3A_1080 = tpu.vector_load %arg13[%swap3A_1078, %swap3A_1079] {strides = array<i32>} : memref<32x16xf32, #tpu.memory_space<vmem>>, vector<16xf32>,
      tpu.vector_store %arg13[%swap3A_1078, %swap3A_1079], %gather3A_1076 {strides = array<i32>} : memref<32x16xf32, #tpu.memory_space<vmem>>, vector<16xf32>,
      %broadcast_in_dim3A_1081 = arith.constant 19 : i32
      %broadcast_in_dim3A_1082 = vector.broadcast %broadcast_in_dim3A_1081 : i32 to vector<16xi32>
      %gather3A_1083 = tpu.vector_load_idx %arg12[%iota3A, %broadcast_in_dim3A_1082, %select_n3A_30] : memref<16x32x128xf32, #tpu.memory_space<vmem>>[vector<16xi32>, vector<16xi32>, vector<16xi32>], vector<16xf32>,
      %swap3A_1084 = arith.constant 19 : i32
      %swap3A_1085 = arith.index_cast %swap3A_1084 : i32 to index
      %swap3A_1086 = arith.constant 0 : index
      %swap3A_1087 = tpu.vector_load %arg13[%swap3A_1085, %swap3A_1086] {strides = array<i32>} : memref<32x16xf32, #tpu.memory_space<vmem>>, vector<16xf32>,
      tpu.vector_store %arg13[%swap3A_1085, %swap3A_1086], %gather3A_1083 {strides = array<i32>} : memref<32x16xf32, #tpu.memory_space<vmem>>, vector<16xf32>,
      %broadcast_in_dim3A_1088 = arith.constant 20 : i32
      %broadcast_in_dim3A_1089 = vector.broadcast %broadcast_in_dim3A_1088 : i32 to vector<16xi32>
      %gather3A_1090 = tpu.vector_load_idx %arg12[%iota3A, %broadcast_in_dim3A_1089, %select_n3A_30] : memref<16x32x128xf32, #tpu.memory_space<vmem>>[vector<16xi32>, vector<16xi32>, vector<16xi32>], vector<16xf32>,
      %swap3A_1091 = arith.constant 20 : i32
      %swap3A_1092 = arith.index_cast %swap3A_1091 : i32 to index
      %swap3A_1093 = arith.constant 0 : index
      %swap3A_1094 = tpu.vector_load %arg13[%swap3A_1092, %swap3A_1093] {strides = array<i32>} : memref<32x16xf32, #tpu.memory_space<vmem>>, vector<16xf32>,
      tpu.vector_store %arg13[%swap3A_1092, %swap3A_1093], %gather3A_1090 {strides = array<i32>} : memref<32x16xf32, #tpu.memory_space<vmem>>, vector<16xf32>,
      %broadcast_in_dim3A_1095 = arith.constant 21 : i32
      %broadcast_in_dim3A_1096 = vector.broadcast %broadcast_in_dim3A_1095 : i32 to vector<16xi32>
      %gather3A_1097 = tpu.vector_load_idx %arg12[%iota3A, %broadcast_in_dim3A_1096, %select_n3A_30] : memref<16x32x128xf32, #tpu.memory_space<vmem>>[vector<16xi32>, vector<16xi32>, vector<16xi32>], vector<16xf32>,
      %swap3A_1098 = arith.constant 21 : i32
      %swap3A_1099 = arith.index_cast %swap3A_1098 : i32 to index
      %swap3A_1100 = arith.constant 0 : index
      %swap3A_1101 = tpu.vector_load %arg13[%swap3A_1099, %swap3A_1100] {strides = array<i32>} : memref<32x16xf32, #tpu.memory_space<vmem>>, vector<16xf32>,
      tpu.vector_store %arg13[%swap3A_1099, %swap3A_1100], %gather3A_1097 {strides = array<i32>} : memref<32x16xf32, #tpu.memory_space<vmem>>, vector<16xf32>,
      %broadcast_in_dim3A_1102 = arith.constant 22 : i32
      %broadcast_in_dim3A_1103 = vector.broadcast %broadcast_in_dim3A_1102 : i32 to vector<16xi32>
      %gather3A_1104 = tpu.vector_load_idx %arg12[%iota3A, %broadcast_in_dim3A_1103, %select_n3A_30] : memref<16x32x128xf32, #tpu.memory_space<vmem>>[vector<16xi32>, vector<16xi32>, vector<16xi32>], vector<16xf32>,
      %swap3A_1105 = arith.constant 22 : i32
      %swap3A_1106 = arith.index_cast %swap3A_1105 : i32 to index
      %swap3A_1107 = arith.constant 0 : index
      %swap3A_1108 = tpu.vector_load %arg13[%swap3A_1106, %swap3A_1107] {strides = array<i32>} : memref<32x16xf32, #tpu.memory_space<vmem>>, vector<16xf32>,
      tpu.vector_store %arg13[%swap3A_1106, %swap3A_1107], %gather3A_1104 {strides = array<i32>} : memref<32x16xf32, #tpu.memory_space<vmem>>, vector<16xf32>,
      %broadcast_in_dim3A_1109 = arith.constant 23 : i32
      %broadcast_in_dim3A_1110 = vector.broadcast %broadcast_in_dim3A_1109 : i32 to vector<16xi32>
      %gather3A_1111 = tpu.vector_load_idx %arg12[%iota3A, %broadcast_in_dim3A_1110, %select_n3A_30] : memref<16x32x128xf32, #tpu.memory_space<vmem>>[vector<16xi32>, vector<16xi32>, vector<16xi32>], vector<16xf32>,
      %swap3A_1112 = arith.constant 23 : i32
      %swap3A_1113 = arith.index_cast %swap3A_1112 : i32 to index
      %swap3A_1114 = arith.constant 0 : index
      %swap3A_1115 = tpu.vector_load %arg13[%swap3A_1113, %swap3A_1114] {strides = array<i32>} : memref<32x16xf32, #tpu.memory_space<vmem>>, vector<16xf32>,
      tpu.vector_store %arg13[%swap3A_1113, %swap3A_1114], %gather3A_1111 {strides = array<i32>} : memref<32x16xf32, #tpu.memory_space<vmem>>, vector<16xf32>,
      %broadcast_in_dim3A_1116 = arith.constant 24 : i32
      %broadcast_in_dim3A_1117 = vector.broadcast %broadcast_in_dim3A_1116 : i32 to vector<16xi32>
      %gather3A_1118 = tpu.vector_load_idx %arg12[%iota3A, %broadcast_in_dim3A_1117, %select_n3A_30] : memref<16x32x128xf32, #tpu.memory_space<vmem>>[vector<16xi32>, vector<16xi32>, vector<16xi32>], vector<16xf32>,
      %swap3A_1119 = arith.constant 24 : i32
      %swap3A_1120 = arith.index_cast %swap3A_1119 : i32 to index
      %swap3A_1121 = arith.constant 0 : index
      %swap3A_1122 = tpu.vector_load %arg13[%swap3A_1120, %swap3A_1121] {strides = array<i32>} : memref<32x16xf32, #tpu.memory_space<vmem>>, vector<16xf32>,
      tpu.vector_store %arg13[%swap3A_1120, %swap3A_1121], %gather3A_1118 {strides = array<i32>} : memref<32x16xf32, #tpu.memory_space<vmem>>, vector<16xf32>,
      %broadcast_in_dim3A_1123 = arith.constant 25 : i32
      %broadcast_in_dim3A_1124 = vector.broadcast %broadcast_in_dim3A_1123 : i32 to vector<16xi32>
      %gather3A_1125 = tpu.vector_load_idx %arg12[%iota3A, %broadcast_in_dim3A_1124, %select_n3A_30] : memref<16x32x128xf32, #tpu.memory_space<vmem>>[vector<16xi32>, vector<16xi32>, vector<16xi32>], vector<16xf32>,
      %swap3A_1126 = arith.constant 25 : i32
      %swap3A_1127 = arith.index_cast %swap3A_1126 : i32 to index
      %swap3A_1128 = arith.constant 0 : index
      %swap3A_1129 = tpu.vector_load %arg13[%swap3A_1127, %swap3A_1128] {strides = array<i32>} : memref<32x16xf32, #tpu.memory_space<vmem>>, vector<16xf32>,
      tpu.vector_store %arg13[%swap3A_1127, %swap3A_1128], %gather3A_1125 {strides = array<i32>} : memref<32x16xf32, #tpu.memory_space<vmem>>, vector<16xf32>,
      %broadcast_in_dim3A_1130 = arith.constant 26 : i32
      %broadcast_in_dim3A_1131 = vector.broadcast %broadcast_in_dim3A_1130 : i32 to vector<16xi32>
      %gather3A_1132 = tpu.vector_load_idx %arg12[%iota3A, %broadcast_in_dim3A_1131, %select_n3A_30] : memref<16x32x128xf32, #tpu.memory_space<vmem>>[vector<16xi32>, vector<16xi32>, vector<16xi32>], vector<16xf32>,
      %swap3A_1133 = arith.constant 26 : i32
      %swap3A_1134 = arith.index_cast %swap3A_1133 : i32 to index
      %swap3A_1135 = arith.constant 0 : index
      %swap3A_1136 = tpu.vector_load %arg13[%swap3A_1134, %swap3A_1135] {strides = array<i32>} : memref<32x16xf32, #tpu.memory_space<vmem>>, vector<16xf32>,
      tpu.vector_store %arg13[%swap3A_1134, %swap3A_1135], %gather3A_1132 {strides = array<i32>} : memref<32x16xf32, #tpu.memory_space<vmem>>, vector<16xf32>,
      %broadcast_in_dim3A_1137 = arith.constant 27 : i32
      %broadcast_in_dim3A_1138 = vector.broadcast %broadcast_in_dim3A_1137 : i32 to vector<16xi32>
      %gather3A_1139 = tpu.vector_load_idx %arg12[%iota3A, %broadcast_in_dim3A_1138, %select_n3A_30] : memref<16x32x128xf32, #tpu.memory_space<vmem>>[vector<16xi32>, vector<16xi32>, vector<16xi32>], vector<16xf32>,
      %swap3A_1140 = arith.constant 27 : i32
      %swap3A_1141 = arith.index_cast %swap3A_1140 : i32 to index
      %swap3A_1142 = arith.constant 0 : index
      %swap3A_1143 = tpu.vector_load %arg13[%swap3A_1141, %swap3A_1142] {strides = array<i32>} : memref<32x16xf32, #tpu.memory_space<vmem>>, vector<16xf32>,
      tpu.vector_store %arg13[%swap3A_1141, %swap3A_1142], %gather3A_1139 {strides = array<i32>} : memref<32x16xf32, #tpu.memory_space<vmem>>, vector<16xf32>,
      %broadcast_in_dim3A_1144 = arith.constant 28 : i32
      %broadcast_in_dim3A_1145 = vector.broadcast %broadcast_in_dim3A_1144 : i32 to vector<16xi32>
      %gather3A_1146 = tpu.vector_load_idx %arg12[%iota3A, %broadcast_in_dim3A_1145, %select_n3A_30] : memref<16x32x128xf32, #tpu.memory_space<vmem>>[vector<16xi32>, vector<16xi32>, vector<16xi32>], vector<16xf32>,
      %swap3A_1147 = arith.constant 28 : i32
      %swap3A_1148 = arith.index_cast %swap3A_1147 : i32 to index
      %swap3A_1149 = arith.constant 0 : index
      %swap3A_1150 = tpu.vector_load %arg13[%swap3A_1148, %swap3A_1149] {strides = array<i32>} : memref<32x16xf32, #tpu.memory_space<vmem>>, vector<16xf32>,
      tpu.vector_store %arg13[%swap3A_1148, %swap3A_1149], %gather3A_1146 {strides = array<i32>} : memref<32x16xf32, #tpu.memory_space<vmem>>, vector<16xf32>,
      %broadcast_in_dim3A_1151 = arith.constant 29 : i32
      %broadcast_in_dim3A_1152 = vector.broadcast %broadcast_in_dim3A_1151 : i32 to vector<16xi32>
      %gather3A_1153 = tpu.vector_load_idx %arg12[%iota3A, %broadcast_in_dim3A_1152, %select_n3A_30] : memref<16x32x128xf32, #tpu.memory_space<vmem>>[vector<16xi32>, vector<16xi32>, vector<16xi32>], vector<16xf32>,
      %swap3A_1154 = arith.constant 29 : i32
      %swap3A_1155 = arith.index_cast %swap3A_1154 : i32 to index
      %swap3A_1156 = arith.constant 0 : index
      %swap3A_1157 = tpu.vector_load %arg13[%swap3A_1155, %swap3A_1156] {strides = array<i32>} : memref<32x16xf32, #tpu.memory_space<vmem>>, vector<16xf32>,
      tpu.vector_store %arg13[%swap3A_1155, %swap3A_1156], %gather3A_1153 {strides = array<i32>} : memref<32x16xf32, #tpu.memory_space<vmem>>, vector<16xf32>,
      %broadcast_in_dim3A_1158 = arith.constant 30 : i32
      %broadcast_in_dim3A_1159 = vector.broadcast %broadcast_in_dim3A_1158 : i32 to vector<16xi32>
      %gather3A_1160 = tpu.vector_load_idx %arg12[%iota3A, %broadcast_in_dim3A_1159, %select_n3A_30] : memref<16x32x128xf32, #tpu.memory_space<vmem>>[vector<16xi32>, vector<16xi32>, vector<16xi32>], vector<16xf32>,
      %swap3A_1161 = arith.constant 30 : i32
      %swap3A_1162 = arith.index_cast %swap3A_1161 : i32 to index
      %swap3A_1163 = arith.constant 0 : index
      %swap3A_1164 = tpu.vector_load %arg13[%swap3A_1162, %swap3A_1163] {strides = array<i32>} : memref<32x16xf32, #tpu.memory_space<vmem>>, vector<16xf32>,
      tpu.vector_store %arg13[%swap3A_1162, %swap3A_1163], %gather3A_1160 {strides = array<i32>} : memref<32x16xf32, #tpu.memory_space<vmem>>, vector<16xf32>,
      %broadcast_in_dim3A_1165 = arith.constant 31 : i32
      %broadcast_in_dim3A_1166 = vector.broadcast %broadcast_in_dim3A_1165 : i32 to vector<16xi32>
      %gather3A_1167 = tpu.vector_load_idx %arg12[%iota3A, %broadcast_in_dim3A_1166, %select_n3A_30] : memref<16x32x128xf32, #tpu.memory_space<vmem>>[vector<16xi32>, vector<16xi32>, vector<16xi32>], vector<16xf32>,
      %swap3A_1168 = arith.constant 31 : i32
      %swap3A_1169 = arith.index_cast %swap3A_1168 : i32 to index
      %swap3A_1170 = arith.constant 0 : index
      %swap3A_1171 = tpu.vector_load %arg13[%swap3A_1169, %swap3A_1170] {strides = array<i32>} : memref<32x16xf32, #tpu.memory_space<vmem>>, vector<16xf32>,
      tpu.vector_store %arg13[%swap3A_1169, %swap3A_1170], %gather3A_1167 {strides = array<i32>} : memref<32x16xf32, #tpu.memory_space<vmem>>, vector<16xf32>,
      %get3A_1172 = arith.constant 0 : index
      %get3A_1173 = tpu.vector_load %arg14[%get3A_1172] {strides = array<i32>} : memref<32xf32, #tpu.memory_space<vmem>>, vector<16xf32>,
      %get3A_1174 = arith.constant 16 : index
      %get3A_1175 = tpu.vector_load %arg14[%get3A_1174] {strides = array<i32>} : memref<32xf32, #tpu.memory_space<vmem>>, vector<16xf32>,
      %slice3A_1176 = vector.extract_strided_slice %get3A_15 {offsets = [0], sizes = [1], strides = [1]} : vector<16xi32> to vector<1xi32>
      %squeeze3A_1177 = vector.extract %slice3A_1176[0] : i32 from vector<1xi32>
      %jit3A_1178 = arith.constant 128 : i32
      %div3A_1179 = arith.divsi %squeeze3A_1177, %jit3A_1178 : i32
      %sign3A_1180 = arith.constant 0 : i32
      %sign3A_1181 = arith.cmpi sgt, %squeeze3A_1177, %sign3A_1180 : i32
      %sign3A_1182 = arith.extui %sign3A_1181 : i1 to i32
      %sign3A_1183 = arith.constant 0 : i32
      %sign3A_1184 = arith.cmpi slt, %squeeze3A_1177, %sign3A_1183 : i32
      %sign3A_1185 = arith.extui %sign3A_1184 : i1 to i32
      %sign3A_1186 = arith.subi %sign3A_1182, %sign3A_1185 : i32
      %sign3A_1187 = arith.constant 0 : i32
      %sign3A_1188 = arith.cmpi sgt, %jit3A_1178, %sign3A_1187 : i32
      %sign3A_1189 = arith.extui %sign3A_1188 : i1 to i32
      %sign3A_1190 = arith.constant 0 : i32
      %sign3A_1191 = arith.cmpi slt, %jit3A_1178, %sign3A_1190 : i32
      %sign3A_1192 = arith.extui %sign3A_1191 : i1 to i32
      %sign3A_1193 = arith.subi %sign3A_1189, %sign3A_1192 : i32
      %ne3A_1194 = arith.cmpi ne, %sign3A_1186, %sign3A_1193 : i32
      %rem3A_1195 = arith.remsi %squeeze3A_1177, %jit3A_1178 : i32
      %ne3A_1196 = arith.constant 0 : i32
      %ne3A_1197 = arith.cmpi ne, %rem3A_1195, %ne3A_1196 : i32
      %and3A_1198 = arith.andi %ne3A_1194, %ne3A_1197 : i1
      %sub3A_1199 = arith.constant 1 : i32
      %sub3A_1200 = arith.subi %div3A_1179, %sub3A_1199 : i32
      %select_n3A_1201 = arith.select %and3A_1198, %sub3A_1200, %div3A_1179 : i32
      %mul3A_1202 = arith.constant 128 : i32
      %mul3A_1203 = arith.muli %select_n3A_1201, %mul3A_1202 : i32
      %multiple_of3A_1204 = tpu.assume_multiple %mul3A_1203, 128 : i32
      %dma_start3A_1205 = arith.constant 0 : i32
      %dma_start3A_1206 = arith.constant 0 : i32
      %dma_start3A_1207 = arith.constant 0 : i32
      %dma_start3A_1208 = tpu.memref_slice %arg12[%dma_start3A_1205, %dma_start3A_1206, %dma_start3A_1207] : memref<16x32x128xf32, #tpu.memory_space<vmem>> -> memref<1x32x128xf32, #tpu.memory_space<vmem>>
      %dma_start3A_1209 = tpu.memref_squeeze %dma_start3A_1208 : memref<1x32x128xf32, #tpu.memory_space<vmem>> -> memref<32x128xf32, #tpu.memory_space<vmem>>
      %dma_start3A_1210 = arith.constant 0 : i32
      %dma_start3A_1211 = tpu.memref_slice %arg5[%dma_start3A_1210, %multiple_of3A_1204] : memref<32x1000000xf32, #tpu.memory_space<hbm>> -> memref<32x128xf32, #tpu.memory_space<hbm>>
      %dma_start3A_1212 = arith.constant 0 : i32
      %dma_start3A_1213 = arith.constant 0 : i32
      %dma_start3A_1214 = tpu.memref_slice %arg12[%dma_start3A_1205, %dma_start3A_1212, %dma_start3A_1213] : memref<16x32x128xf32, #tpu.memory_space<vmem>> -> memref<1x32x128xf32, #tpu.memory_space<vmem>>
      %dma_start3A_1215 = tpu.memref_squeeze %dma_start3A_1214 : memref<1x32x128xf32, #tpu.memory_space<vmem>> -> memref<32x128xf32, #tpu.memory_space<vmem>>
      %dma_start3A_1216 = arith.constant 0 : i32
      %dma_start3A_1217 = tpu.memref_slice %arg5[%dma_start3A_1216, %multiple_of3A_1204] : memref<32x1000000xf32, #tpu.memory_space<hbm>> -> memref<32x128xf32, #tpu.memory_space<hbm>>
      tpu.enqueue_dma source(%dma_start3A_1217 : memref<32x128xf32, #tpu.memory_space<hbm>>) target(%dma_start3A_1215 : memref<32x128xf32, #tpu.memory_space<vmem>>) target_semaphore(%arg17 : memref<!tpu.dma_semaphore, #tpu.memory_space<semaphore_mem>>)
      %slice3A_1218 = vector.extract_strided_slice %get3A_15 {offsets = [1], sizes = [1], strides = [1]} : vector<16xi32> to vector<1xi32>
      %squeeze3A_1219 = vector.extract %slice3A_1218[0] : i32 from vector<1xi32>
      %jit3A_1220 = arith.constant 128 : i32
      %div3A_1221 = arith.divsi %squeeze3A_1219, %jit3A_1220 : i32
      %sign3A_1222 = arith.constant 0 : i32
      %sign3A_1223 = arith.cmpi sgt, %squeeze3A_1219, %sign3A_1222 : i32
      %sign3A_1224 = arith.extui %sign3A_1223 : i1 to i32
      %sign3A_1225 = arith.constant 0 : i32
      %sign3A_1226 = arith.cmpi slt, %squeeze3A_1219, %sign3A_1225 : i32
      %sign3A_1227 = arith.extui %sign3A_1226 : i1 to i32
      %sign3A_1228 = arith.subi %sign3A_1224, %sign3A_1227 : i32
      %sign3A_1229 = arith.constant 0 : i32
      %sign3A_1230 = arith.cmpi sgt, %jit3A_1220, %sign3A_1229 : i32
      %sign3A_1231 = arith.extui %sign3A_1230 : i1 to i32
      %sign3A_1232 = arith.constant 0 : i32
      %sign3A_1233 = arith.cmpi slt, %jit3A_1220, %sign3A_1232 : i32
      %sign3A_1234 = arith.extui %sign3A_1233 : i1 to i32
      %sign3A_1235 = arith.subi %sign3A_1231, %sign3A_1234 : i32
      %ne3A_1236 = arith.cmpi ne, %sign3A_1228, %sign3A_1235 : i32
      %rem3A_1237 = arith.remsi %squeeze3A_1219, %jit3A_1220 : i32
      %ne3A_1238 = arith.constant 0 : i32
      %ne3A_1239 = arith.cmpi ne, %rem3A_1237, %ne3A_1238 : i32
      %and3A_1240 = arith.andi %ne3A_1236, %ne3A_1239 : i1
      %sub3A_1241 = arith.constant 1 : i32
      %sub3A_1242 = arith.subi %div3A_1221, %sub3A_1241 : i32
      %select_n3A_1243 = arith.select %and3A_1240, %sub3A_1242, %div3A_1221 : i32
      %mul3A_1244 = arith.constant 128 : i32
      %mul3A_1245 = arith.muli %select_n3A_1243, %mul3A_1244 : i32
      %multiple_of3A_1246 = tpu.assume_multiple %mul3A_1245, 128 : i32
      %dma_start3A_1247 = arith.constant 1 : i32
      %dma_start3A_1248 = arith.constant 0 : i32
      %dma_start3A_1249 = arith.constant 0 : i32
      %dma_start3A_1250 = tpu.memref_slice %arg12[%dma_start3A_1247, %dma_start3A_1248, %dma_start3A_1249] : memref<16x32x128xf32, #tpu.memory_space<vmem>> -> memref<1x32x128xf32, #tpu.memory_space<vmem>>
      %dma_start3A_1251 = tpu.memref_squeeze %dma_start3A_1250 : memref<1x32x128xf32, #tpu.memory_space<vmem>> -> memref<32x128xf32, #tpu.memory_space<vmem>>
      %dma_start3A_1252 = arith.constant 0 : i32
      %dma_start3A_1253 = tpu.memref_slice %arg5[%dma_start3A_1252, %multiple_of3A_1246] : memref<32x1000000xf32, #tpu.memory_space<hbm>> -> memref<32x128xf32, #tpu.memory_space<hbm>>
      %dma_start3A_1254 = arith.constant 0 : i32
      %dma_start3A_1255 = arith.constant 0 : i32
      %dma_start3A_1256 = tpu.memref_slice %arg12[%dma_start3A_1247, %dma_start3A_1254, %dma_start3A_1255] : memref<16x32x128xf32, #tpu.memory_space<vmem>> -> memref<1x32x128xf32, #tpu.memory_space<vmem>>
      %dma_start3A_1257 = tpu.memref_squeeze %dma_start3A_1256 : memref<1x32x128xf32, #tpu.memory_space<vmem>> -> memref<32x128xf32, #tpu.memory_space<vmem>>
      %dma_start3A_1258 = arith.constant 0 : i32
      %dma_start3A_1259 = tpu.memref_slice %arg5[%dma_start3A_1258, %multiple_of3A_1246] : memref<32x1000000xf32, #tpu.memory_space<hbm>> -> memref<32x128xf32, #tpu.memory_space<hbm>>
      tpu.enqueue_dma source(%dma_start3A_1259 : memref<32x128xf32, #tpu.memory_space<hbm>>) target(%dma_start3A_1257 : memref<32x128xf32, #tpu.memory_space<vmem>>) target_semaphore(%arg17 : memref<!tpu.dma_semaphore, #tpu.memory_space<semaphore_mem>>)
      %slice3A_1260 = vector.extract_strided_slice %get3A_15 {offsets = [2], sizes = [1], strides = [1]} : vector<16xi32> to vector<1xi32>
      %squeeze3A_1261 = vector.extract %slice3A_1260[0] : i32 from vector<1xi32>
      %jit3A_1262 = arith.constant 128 : i32
      %div3A_1263 = arith.divsi %squeeze3A_1261, %jit3A_1262 : i32
      %sign3A_1264 = arith.constant 0 : i32
      %sign3A_1265 = arith.cmpi sgt, %squeeze3A_1261, %sign3A_1264 : i32
      %sign3A_1266 = arith.extui %sign3A_1265 : i1 to i32
      %sign3A_1267 = arith.constant 0 : i32
      %sign3A_1268 = arith.cmpi slt, %squeeze3A_1261, %sign3A_1267 : i32
      %sign3A_1269 = arith.extui %sign3A_1268 : i1 to i32
      %sign3A_1270 = arith.subi %sign3A_1266, %sign3A_1269 : i32
      %sign3A_1271 = arith.constant 0 : i32
      %sign3A_1272 = arith.cmpi sgt, %jit3A_1262, %sign3A_1271 : i32
      %sign3A_1273 = arith.extui %sign3A_1272 : i1 to i32
      %sign3A_1274 = arith.constant 0 : i32
      %sign3A_1275 = arith.cmpi slt, %jit3A_1262, %sign3A_1274 : i32
      %sign3A_1276 = arith.extui %sign3A_1275 : i1 to i32
      %sign3A_1277 = arith.subi %sign3A_1273, %sign3A_1276 : i32
      %ne3A_1278 = arith.cmpi ne, %sign3A_1270, %sign3A_1277 : i32
      %rem3A_1279 = arith.remsi %squeeze3A_1261, %jit3A_1262 : i32
      %ne3A_1280 = arith.constant 0 : i32
      %ne3A_1281 = arith.cmpi ne, %rem3A_1279, %ne3A_1280 : i32
      %and3A_1282 = arith.andi %ne3A_1278, %ne3A_1281 : i1
      %sub3A_1283 = arith.constant 1 : i32
      %sub3A_1284 = arith.subi %div3A_1263, %sub3A_1283 : i32
      %select_n3A_1285 = arith.select %and3A_1282, %sub3A_1284, %div3A_1263 : i32
      %mul3A_1286 = arith.constant 128 : i32
      %mul3A_1287 = arith.muli %select_n3A_1285, %mul3A_1286 : i32
      %multiple_of3A_1288 = tpu.assume_multiple %mul3A_1287, 128 : i32
      %dma_start3A_1289 = arith.constant 2 : i32
      %dma_start3A_1290 = arith.constant 0 : i32
      %dma_start3A_1291 = arith.constant 0 : i32
      %dma_start3A_1292 = tpu.memref_slice %arg12[%dma_start3A_1289, %dma_start3A_1290, %dma_start3A_1291] : memref<16x32x128xf32, #tpu.memory_space<vmem>> -> memref<1x32x128xf32, #tpu.memory_space<vmem>>
      %dma_start3A_1293 = tpu.memref_squeeze %dma_start3A_1292 : memref<1x32x128xf32, #tpu.memory_space<vmem>> -> memref<32x128xf32, #tpu.memory_space<vmem>>
      %dma_start3A_1294 = arith.constant 0 : i32
      %dma_start3A_1295 = tpu.memref_slice %arg5[%dma_start3A_1294, %multiple_of3A_1288] : memref<32x1000000xf32, #tpu.memory_space<hbm>> -> memref<32x128xf32, #tpu.memory_space<hbm>>
      %dma_start3A_1296 = arith.constant 0 : i32
      %dma_start3A_1297 = arith.constant 0 : i32
      %dma_start3A_1298 = tpu.memref_slice %arg12[%dma_start3A_1289, %dma_start3A_1296, %dma_start3A_1297] : memref<16x32x128xf32, #tpu.memory_space<vmem>> -> memref<1x32x128xf32, #tpu.memory_space<vmem>>
      %dma_start3A_1299 = tpu.memref_squeeze %dma_start3A_1298 : memref<1x32x128xf32, #tpu.memory_space<vmem>> -> memref<32x128xf32, #tpu.memory_space<vmem>>
      %dma_start3A_1300 = arith.constant 0 : i32
      %dma_start3A_1301 = tpu.memref_slice %arg5[%dma_start3A_1300, %multiple_of3A_1288] : memref<32x1000000xf32, #tpu.memory_space<hbm>> -> memref<32x128xf32, #tpu.memory_space<hbm>>
      tpu.enqueue_dma source(%dma_start3A_1301 : memref<32x128xf32, #tpu.memory_space<hbm>>) target(%dma_start3A_1299 : memref<32x128xf32, #tpu.memory_space<vmem>>) target_semaphore(%arg17 : memref<!tpu.dma_semaphore, #tpu.memory_space<semaphore_mem>>)
      %slice3A_1302 = vector.extract_strided_slice %get3A_15 {offsets = [3], sizes = [1], strides = [1]} : vector<16xi32> to vector<1xi32>
      %squeeze3A_1303 = vector.extract %slice3A_1302[0] : i32 from vector<1xi32>
      %jit3A_1304 = arith.constant 128 : i32
      %div3A_1305 = arith.divsi %squeeze3A_1303, %jit3A_1304 : i32
      %sign3A_1306 = arith.constant 0 : i32
      %sign3A_1307 = arith.cmpi sgt, %squeeze3A_1303, %sign3A_1306 : i32
      %sign3A_1308 = arith.extui %sign3A_1307 : i1 to i32
      %sign3A_1309 = arith.constant 0 : i32
      %sign3A_1310 = arith.cmpi slt, %squeeze3A_1303, %sign3A_1309 : i32
      %sign3A_1311 = arith.extui %sign3A_1310 : i1 to i32
      %sign3A_1312 = arith.subi %sign3A_1308, %sign3A_1311 : i32
      %sign3A_1313 = arith.constant 0 : i32
      %sign3A_1314 = arith.cmpi sgt, %jit3A_1304, %sign3A_1313 : i32
      %sign3A_1315 = arith.extui %sign3A_1314 : i1 to i32
      %sign3A_1316 = arith.constant 0 : i32
      %sign3A_1317 = arith.cmpi slt, %jit3A_1304, %sign3A_1316 : i32
      %sign3A_1318 = arith.extui %sign3A_1317 : i1 to i32
      %sign3A_1319 = arith.subi %sign3A_1315, %sign3A_1318 : i32
      %ne3A_1320 = arith.cmpi ne, %sign3A_1312, %sign3A_1319 : i32
      %rem3A_1321 = arith.remsi %squeeze3A_1303, %jit3A_1304 : i32
      %ne3A_1322 = arith.constant 0 : i32
      %ne3A_1323 = arith.cmpi ne, %rem3A_1321, %ne3A_1322 : i32
      %and3A_1324 = arith.andi %ne3A_1320, %ne3A_1323 : i1
      %sub3A_1325 = arith.constant 1 : i32
      %sub3A_1326 = arith.subi %div3A_1305, %sub3A_1325 : i32
      %select_n3A_1327 = arith.select %and3A_1324, %sub3A_1326, %div3A_1305 : i32
      %mul3A_1328 = arith.constant 128 : i32
      %mul3A_1329 = arith.muli %select_n3A_1327, %mul3A_1328 : i32
      %multiple_of3A_1330 = tpu.assume_multiple %mul3A_1329, 128 : i32
      %dma_start3A_1331 = arith.constant 3 : i32
      %dma_start3A_1332 = arith.constant 0 : i32
      %dma_start3A_1333 = arith.constant 0 : i32
      %dma_start3A_1334 = tpu.memref_slice %arg12[%dma_start3A_1331, %dma_start3A_1332, %dma_start3A_1333] : memref<16x32x128xf32, #tpu.memory_space<vmem>> -> memref<1x32x128xf32, #tpu.memory_space<vmem>>
      %dma_start3A_1335 = tpu.memref_squeeze %dma_start3A_1334 : memref<1x32x128xf32, #tpu.memory_space<vmem>> -> memref<32x128xf32, #tpu.memory_space<vmem>>
      %dma_start3A_1336 = arith.constant 0 : i32
      %dma_start3A_1337 = tpu.memref_slice %arg5[%dma_start3A_1336, %multiple_of3A_1330] : memref<32x1000000xf32, #tpu.memory_space<hbm>> -> memref<32x128xf32, #tpu.memory_space<hbm>>
      %dma_start3A_1338 = arith.constant 0 : i32
      %dma_start3A_1339 = arith.constant 0 : i32
      %dma_start3A_1340 = tpu.memref_slice %arg12[%dma_start3A_1331, %dma_start3A_1338, %dma_start3A_1339] : memref<16x32x128xf32, #tpu.memory_space<vmem>> -> memref<1x32x128xf32, #tpu.memory_space<vmem>>
      %dma_start3A_1341 = tpu.memref_squeeze %dma_start3A_1340 : memref<1x32x128xf32, #tpu.memory_space<vmem>> -> memref<32x128xf32, #tpu.memory_space<vmem>>
      %dma_start3A_1342 = arith.constant 0 : i32
      %dma_start3A_1343 = tpu.memref_slice %arg5[%dma_start3A_1342, %multiple_of3A_1330] : memref<32x1000000xf32, #tpu.memory_space<hbm>> -> memref<32x128xf32, #tpu.memory_space<hbm>>
      tpu.enqueue_dma source(%dma_start3A_1343 : memref<32x128xf32, #tpu.memory_space<hbm>>) target(%dma_start3A_1341 : memref<32x128xf32, #tpu.memory_space<vmem>>) target_semaphore(%arg17 : memref<!tpu.dma_semaphore, #tpu.memory_space<semaphore_mem>>)
      %slice3A_1344 = vector.extract_strided_slice %get3A_15 {offsets = [4], sizes = [1], strides = [1]} : vector<16xi32> to vector<1xi32>
      %squeeze3A_1345 = vector.extract %slice3A_1344[0] : i32 from vector<1xi32>
      %jit3A_1346 = arith.constant 128 : i32
      %div3A_1347 = arith.divsi %squeeze3A_1345, %jit3A_1346 : i32
      %sign3A_1348 = arith.constant 0 : i32
      %sign3A_1349 = arith.cmpi sgt, %squeeze3A_1345, %sign3A_1348 : i32
      %sign3A_1350 = arith.extui %sign3A_1349 : i1 to i32
      %sign3A_1351 = arith.constant 0 : i32
      %sign3A_1352 = arith.cmpi slt, %squeeze3A_1345, %sign3A_1351 : i32
      %sign3A_1353 = arith.extui %sign3A_1352 : i1 to i32
      %sign3A_1354 = arith.subi %sign3A_1350, %sign3A_1353 : i32
      %sign3A_1355 = arith.constant 0 : i32
      %sign3A_1356 = arith.cmpi sgt, %jit3A_1346, %sign3A_1355 : i32
      %sign3A_1357 = arith.extui %sign3A_1356 : i1 to i32
      %sign3A_1358 = arith.constant 0 : i32
      %sign3A_1359 = arith.cmpi slt, %jit3A_1346, %sign3A_1358 : i32
      %sign3A_1360 = arith.extui %sign3A_1359 : i1 to i32
      %sign3A_1361 = arith.subi %sign3A_1357, %sign3A_1360 : i32
      %ne3A_1362 = arith.cmpi ne, %sign3A_1354, %sign3A_1361 : i32
      %rem3A_1363 = arith.remsi %squeeze3A_1345, %jit3A_1346 : i32
      %ne3A_1364 = arith.constant 0 : i32
      %ne3A_1365 = arith.cmpi ne, %rem3A_1363, %ne3A_1364 : i32
      %and3A_1366 = arith.andi %ne3A_1362, %ne3A_1365 : i1
      %sub3A_1367 = arith.constant 1 : i32
      %sub3A_1368 = arith.subi %div3A_1347, %sub3A_1367 : i32
      %select_n3A_1369 = arith.select %and3A_1366, %sub3A_1368, %div3A_1347 : i32
      %mul3A_1370 = arith.constant 128 : i32
      %mul3A_1371 = arith.muli %select_n3A_1369, %mul3A_1370 : i32
      %multiple_of3A_1372 = tpu.assume_multiple %mul3A_1371, 128 : i32
      %dma_start3A_1373 = arith.constant 4 : i32
      %dma_start3A_1374 = arith.constant 0 : i32
      %dma_start3A_1375 = arith.constant 0 : i32
      %dma_start3A_1376 = tpu.memref_slice %arg12[%dma_start3A_1373, %dma_start3A_1374, %dma_start3A_1375] : memref<16x32x128xf32, #tpu.memory_space<vmem>> -> memref<1x32x128xf32, #tpu.memory_space<vmem>>
      %dma_start3A_1377 = tpu.memref_squeeze %dma_start3A_1376 : memref<1x32x128xf32, #tpu.memory_space<vmem>> -> memref<32x128xf32, #tpu.memory_space<vmem>>
      %dma_start3A_1378 = arith.constant 0 : i32
      %dma_start3A_1379 = tpu.memref_slice %arg5[%dma_start3A_1378, %multiple_of3A_1372] : memref<32x1000000xf32, #tpu.memory_space<hbm>> -> memref<32x128xf32, #tpu.memory_space<hbm>>
      %dma_start3A_1380 = arith.constant 0 : i32
      %dma_start3A_1381 = arith.constant 0 : i32
      %dma_start3A_1382 = tpu.memref_slice %arg12[%dma_start3A_1373, %dma_start3A_1380, %dma_start3A_1381] : memref<16x32x128xf32, #tpu.memory_space<vmem>> -> memref<1x32x128xf32, #tpu.memory_space<vmem>>
      %dma_start3A_1383 = tpu.memref_squeeze %dma_start3A_1382 : memref<1x32x128xf32, #tpu.memory_space<vmem>> -> memref<32x128xf32, #tpu.memory_space<vmem>>
      %dma_start3A_1384 = arith.constant 0 : i32
      %dma_start3A_1385 = tpu.memref_slice %arg5[%dma_start3A_1384, %multiple_of3A_1372] : memref<32x1000000xf32, #tpu.memory_space<hbm>> -> memref<32x128xf32, #tpu.memory_space<hbm>>
      tpu.enqueue_dma source(%dma_start3A_1385 : memref<32x128xf32, #tpu.memory_space<hbm>>) target(%dma_start3A_1383 : memref<32x128xf32, #tpu.memory_space<vmem>>) target_semaphore(%arg17 : memref<!tpu.dma_semaphore, #tpu.memory_space<semaphore_mem>>)
      %slice3A_1386 = vector.extract_strided_slice %get3A_15 {offsets = [5], sizes = [1], strides = [1]} : vector<16xi32> to vector<1xi32>
      %squeeze3A_1387 = vector.extract %slice3A_1386[0] : i32 from vector<1xi32>
      %jit3A_1388 = arith.constant 128 : i32
      %div3A_1389 = arith.divsi %squeeze3A_1387, %jit3A_1388 : i32
      %sign3A_1390 = arith.constant 0 : i32
      %sign3A_1391 = arith.cmpi sgt, %squeeze3A_1387, %sign3A_1390 : i32
      %sign3A_1392 = arith.extui %sign3A_1391 : i1 to i32
      %sign3A_1393 = arith.constant 0 : i32
      %sign3A_1394 = arith.cmpi slt, %squeeze3A_1387, %sign3A_1393 : i32
      %sign3A_1395 = arith.extui %sign3A_1394 : i1 to i32
      %sign3A_1396 = arith.subi %sign3A_1392, %sign3A_1395 : i32
      %sign3A_1397 = arith.constant 0 : i32
      %sign3A_1398 = arith.cmpi sgt, %jit3A_1388, %sign3A_1397 : i32
      %sign3A_1399 = arith.extui %sign3A_1398 : i1 to i32
      %sign3A_1400 = arith.constant 0 : i32
      %sign3A_1401 = arith.cmpi slt, %jit3A_1388, %sign3A_1400 : i32
      %sign3A_1402 = arith.extui %sign3A_1401 : i1 to i32
      %sign3A_1403 = arith.subi %sign3A_1399, %sign3A_1402 : i32
      %ne3A_1404 = arith.cmpi ne, %sign3A_1396, %sign3A_1403 : i32
      %rem3A_1405 = arith.remsi %squeeze3A_1387, %jit3A_1388 : i32
      %ne3A_1406 = arith.constant 0 : i32
      %ne3A_1407 = arith.cmpi ne, %rem3A_1405, %ne3A_1406 : i32
      %and3A_1408 = arith.andi %ne3A_1404, %ne3A_1407 : i1
      %sub3A_1409 = arith.constant 1 : i32
      %sub3A_1410 = arith.subi %div3A_1389, %sub3A_1409 : i32
      %select_n3A_1411 = arith.select %and3A_1408, %sub3A_1410, %div3A_1389 : i32
      %mul3A_1412 = arith.constant 128 : i32
      %mul3A_1413 = arith.muli %select_n3A_1411, %mul3A_1412 : i32
      %multiple_of3A_1414 = tpu.assume_multiple %mul3A_1413, 128 : i32
      %dma_start3A_1415 = arith.constant 5 : i32
      %dma_start3A_1416 = arith.constant 0 : i32
      %dma_start3A_1417 = arith.constant 0 : i32
      %dma_start3A_1418 = tpu.memref_slice %arg12[%dma_start3A_1415, %dma_start3A_1416, %dma_start3A_1417] : memref<16x32x128xf32, #tpu.memory_space<vmem>> -> memref<1x32x128xf32, #tpu.memory_space<vmem>>
      %dma_start3A_1419 = tpu.memref_squeeze %dma_start3A_1418 : memref<1x32x128xf32, #tpu.memory_space<vmem>> -> memref<32x128xf32, #tpu.memory_space<vmem>>
      %dma_start3A_1420 = arith.constant 0 : i32
      %dma_start3A_1421 = tpu.memref_slice %arg5[%dma_start3A_1420, %multiple_of3A_1414] : memref<32x1000000xf32, #tpu.memory_space<hbm>> -> memref<32x128xf32, #tpu.memory_space<hbm>>
      %dma_start3A_1422 = arith.constant 0 : i32
      %dma_start3A_1423 = arith.constant 0 : i32
      %dma_start3A_1424 = tpu.memref_slice %arg12[%dma_start3A_1415, %dma_start3A_1422, %dma_start3A_1423] : memref<16x32x128xf32, #tpu.memory_space<vmem>> -> memref<1x32x128xf32, #tpu.memory_space<vmem>>
      %dma_start3A_1425 = tpu.memref_squeeze %dma_start3A_1424 : memref<1x32x128xf32, #tpu.memory_space<vmem>> -> memref<32x128xf32, #tpu.memory_space<vmem>>
      %dma_start3A_1426 = arith.constant 0 : i32
      %dma_start3A_1427 = tpu.memref_slice %arg5[%dma_start3A_1426, %multiple_of3A_1414] : memref<32x1000000xf32, #tpu.memory_space<hbm>> -> memref<32x128xf32, #tpu.memory_space<hbm>>
      tpu.enqueue_dma source(%dma_start3A_1427 : memref<32x128xf32, #tpu.memory_space<hbm>>) target(%dma_start3A_1425 : memref<32x128xf32, #tpu.memory_space<vmem>>) target_semaphore(%arg17 : memref<!tpu.dma_semaphore, #tpu.memory_space<semaphore_mem>>)
      %slice3A_1428 = vector.extract_strided_slice %get3A_15 {offsets = [6], sizes = [1], strides = [1]} : vector<16xi32> to vector<1xi32>
      %squeeze3A_1429 = vector.extract %slice3A_1428[0] : i32 from vector<1xi32>
      %jit3A_1430 = arith.constant 128 : i32
      %div3A_1431 = arith.divsi %squeeze3A_1429, %jit3A_1430 : i32
      %sign3A_1432 = arith.constant 0 : i32
      %sign3A_1433 = arith.cmpi sgt, %squeeze3A_1429, %sign3A_1432 : i32
      %sign3A_1434 = arith.extui %sign3A_1433 : i1 to i32
      %sign3A_1435 = arith.constant 0 : i32
      %sign3A_1436 = arith.cmpi slt, %squeeze3A_1429, %sign3A_1435 : i32
      %sign3A_1437 = arith.extui %sign3A_1436 : i1 to i32
      %sign3A_1438 = arith.subi %sign3A_1434, %sign3A_1437 : i32
      %sign3A_1439 = arith.constant 0 : i32
      %sign3A_1440 = arith.cmpi sgt, %jit3A_1430, %sign3A_1439 : i32
      %sign3A_1441 = arith.extui %sign3A_1440 : i1 to i32
      %sign3A_1442 = arith.constant 0 : i32
      %sign3A_1443 = arith.cmpi slt, %jit3A_1430, %sign3A_1442 : i32
      %sign3A_1444 = arith.extui %sign3A_1443 : i1 to i32
      %sign3A_1445 = arith.subi %sign3A_1441, %sign3A_1444 : i32
      %ne3A_1446 = arith.cmpi ne, %sign3A_1438, %sign3A_1445 : i32
      %rem3A_1447 = arith.remsi %squeeze3A_1429, %jit3A_1430 : i32
      %ne3A_1448 = arith.constant 0 : i32
      %ne3A_1449 = arith.cmpi ne, %rem3A_1447, %ne3A_1448 : i32
      %and3A_1450 = arith.andi %ne3A_1446, %ne3A_1449 : i1
      %sub3A_1451 = arith.constant 1 : i32
      %sub3A_1452 = arith.subi %div3A_1431, %sub3A_1451 : i32
      %select_n3A_1453 = arith.select %and3A_1450, %sub3A_1452, %div3A_1431 : i32
      %mul3A_1454 = arith.constant 128 : i32
      %mul3A_1455 = arith.muli %select_n3A_1453, %mul3A_1454 : i32
      %multiple_of3A_1456 = tpu.assume_multiple %mul3A_1455, 128 : i32
      %dma_start3A_1457 = arith.constant 6 : i32
      %dma_start3A_1458 = arith.constant 0 : i32
      %dma_start3A_1459 = arith.constant 0 : i32
      %dma_start3A_1460 = tpu.memref_slice %arg12[%dma_start3A_1457, %dma_start3A_1458, %dma_start3A_1459] : memref<16x32x128xf32, #tpu.memory_space<vmem>> -> memref<1x32x128xf32, #tpu.memory_space<vmem>>
      %dma_start3A_1461 = tpu.memref_squeeze %dma_start3A_1460 : memref<1x32x128xf32, #tpu.memory_space<vmem>> -> memref<32x128xf32, #tpu.memory_space<vmem>>
      %dma_start3A_1462 = arith.constant 0 : i32
      %dma_start3A_1463 = tpu.memref_slice %arg5[%dma_start3A_1462, %multiple_of3A_1456] : memref<32x1000000xf32, #tpu.memory_space<hbm>> -> memref<32x128xf32, #tpu.memory_space<hbm>>
      %dma_start3A_1464 = arith.constant 0 : i32
      %dma_start3A_1465 = arith.constant 0 : i32
      %dma_start3A_1466 = tpu.memref_slice %arg12[%dma_start3A_1457, %dma_start3A_1464, %dma_start3A_1465] : memref<16x32x128xf32, #tpu.memory_space<vmem>> -> memref<1x32x128xf32, #tpu.memory_space<vmem>>
      %dma_start3A_1467 = tpu.memref_squeeze %dma_start3A_1466 : memref<1x32x128xf32, #tpu.memory_space<vmem>> -> memref<32x128xf32, #tpu.memory_space<vmem>>
      %dma_start3A_1468 = arith.constant 0 : i32
      %dma_start3A_1469 = tpu.memref_slice %arg5[%dma_start3A_1468, %multiple_of3A_1456] : memref<32x1000000xf32, #tpu.memory_space<hbm>> -> memref<32x128xf32, #tpu.memory_space<hbm>>
      tpu.enqueue_dma source(%dma_start3A_1469 : memref<32x128xf32, #tpu.memory_space<hbm>>) target(%dma_start3A_1467 : memref<32x128xf32, #tpu.memory_space<vmem>>) target_semaphore(%arg17 : memref<!tpu.dma_semaphore, #tpu.memory_space<semaphore_mem>>)
      %slice3A_1470 = vector.extract_strided_slice %get3A_15 {offsets = [7], sizes = [1], strides = [1]} : vector<16xi32> to vector<1xi32>
      %squeeze3A_1471 = vector.extract %slice3A_1470[0] : i32 from vector<1xi32>
      %jit3A_1472 = arith.constant 128 : i32
      %div3A_1473 = arith.divsi %squeeze3A_1471, %jit3A_1472 : i32
      %sign3A_1474 = arith.constant 0 : i32
      %sign3A_1475 = arith.cmpi sgt, %squeeze3A_1471, %sign3A_1474 : i32
      %sign3A_1476 = arith.extui %sign3A_1475 : i1 to i32
      %sign3A_1477 = arith.constant 0 : i32
      %sign3A_1478 = arith.cmpi slt, %squeeze3A_1471, %sign3A_1477 : i32
      %sign3A_1479 = arith.extui %sign3A_1478 : i1 to i32
      %sign3A_1480 = arith.subi %sign3A_1476, %sign3A_1479 : i32
      %sign3A_1481 = arith.constant 0 : i32
      %sign3A_1482 = arith.cmpi sgt, %jit3A_1472, %sign3A_1481 : i32
      %sign3A_1483 = arith.extui %sign3A_1482 : i1 to i32
      %sign3A_1484 = arith.constant 0 : i32
      %sign3A_1485 = arith.cmpi slt, %jit3A_1472, %sign3A_1484 : i32
      %sign3A_1486 = arith.extui %sign3A_1485 : i1 to i32
      %sign3A_1487 = arith.subi %sign3A_1483, %sign3A_1486 : i32
      %ne3A_1488 = arith.cmpi ne, %sign3A_1480, %sign3A_1487 : i32
      %rem3A_1489 = arith.remsi %squeeze3A_1471, %jit3A_1472 : i32
      %ne3A_1490 = arith.constant 0 : i32
      %ne3A_1491 = arith.cmpi ne, %rem3A_1489, %ne3A_1490 : i32
      %and3A_1492 = arith.andi %ne3A_1488, %ne3A_1491 : i1
      %sub3A_1493 = arith.constant 1 : i32
      %sub3A_1494 = arith.subi %div3A_1473, %sub3A_1493 : i32
      %select_n3A_1495 = arith.select %and3A_1492, %sub3A_1494, %div3A_1473 : i32
      %mul3A_1496 = arith.constant 128 : i32
      %mul3A_1497 = arith.muli %select_n3A_1495, %mul3A_1496 : i32
      %multiple_of3A_1498 = tpu.assume_multiple %mul3A_1497, 128 : i32
      %dma_start3A_1499 = arith.constant 7 : i32
      %dma_start3A_1500 = arith.constant 0 : i32
      %dma_start3A_1501 = arith.constant 0 : i32
      %dma_start3A_1502 = tpu.memref_slice %arg12[%dma_start3A_1499, %dma_start3A_1500, %dma_start3A_1501] : memref<16x32x128xf32, #tpu.memory_space<vmem>> -> memref<1x32x128xf32, #tpu.memory_space<vmem>>
      %dma_start3A_1503 = tpu.memref_squeeze %dma_start3A_1502 : memref<1x32x128xf32, #tpu.memory_space<vmem>> -> memref<32x128xf32, #tpu.memory_space<vmem>>
      %dma_start3A_1504 = arith.constant 0 : i32
      %dma_start3A_1505 = tpu.memref_slice %arg5[%dma_start3A_1504, %multiple_of3A_1498] : memref<32x1000000xf32, #tpu.memory_space<hbm>> -> memref<32x128xf32, #tpu.memory_space<hbm>>
      %dma_start3A_1506 = arith.constant 0 : i32
      %dma_start3A_1507 = arith.constant 0 : i32
      %dma_start3A_1508 = tpu.memref_slice %arg12[%dma_start3A_1499, %dma_start3A_1506, %dma_start3A_1507] : memref<16x32x128xf32, #tpu.memory_space<vmem>> -> memref<1x32x128xf32, #tpu.memory_space<vmem>>
      %dma_start3A_1509 = tpu.memref_squeeze %dma_start3A_1508 : memref<1x32x128xf32, #tpu.memory_space<vmem>> -> memref<32x128xf32, #tpu.memory_space<vmem>>
      %dma_start3A_1510 = arith.constant 0 : i32
      %dma_start3A_1511 = tpu.memref_slice %arg5[%dma_start3A_1510, %multiple_of3A_1498] : memref<32x1000000xf32, #tpu.memory_space<hbm>> -> memref<32x128xf32, #tpu.memory_space<hbm>>
      tpu.enqueue_dma source(%dma_start3A_1511 : memref<32x128xf32, #tpu.memory_space<hbm>>) target(%dma_start3A_1509 : memref<32x128xf32, #tpu.memory_space<vmem>>) target_semaphore(%arg17 : memref<!tpu.dma_semaphore, #tpu.memory_space<semaphore_mem>>)
      %slice3A_1512 = vector.extract_strided_slice %get3A_15 {offsets = [8], sizes = [1], strides = [1]} : vector<16xi32> to vector<1xi32>
      %squeeze3A_1513 = vector.extract %slice3A_1512[0] : i32 from vector<1xi32>
      %jit3A_1514 = arith.constant 128 : i32
      %div3A_1515 = arith.divsi %squeeze3A_1513, %jit3A_1514 : i32
      %sign3A_1516 = arith.constant 0 : i32
      %sign3A_1517 = arith.cmpi sgt, %squeeze3A_1513, %sign3A_1516 : i32
      %sign3A_1518 = arith.extui %sign3A_1517 : i1 to i32
      %sign3A_1519 = arith.constant 0 : i32
      %sign3A_1520 = arith.cmpi slt, %squeeze3A_1513, %sign3A_1519 : i32
      %sign3A_1521 = arith.extui %sign3A_1520 : i1 to i32
      %sign3A_1522 = arith.subi %sign3A_1518, %sign3A_1521 : i32
      %sign3A_1523 = arith.constant 0 : i32
      %sign3A_1524 = arith.cmpi sgt, %jit3A_1514, %sign3A_1523 : i32
      %sign3A_1525 = arith.extui %sign3A_1524 : i1 to i32
      %sign3A_1526 = arith.constant 0 : i32
      %sign3A_1527 = arith.cmpi slt, %jit3A_1514, %sign3A_1526 : i32
      %sign3A_1528 = arith.extui %sign3A_1527 : i1 to i32
      %sign3A_1529 = arith.subi %sign3A_1525, %sign3A_1528 : i32
      %ne3A_1530 = arith.cmpi ne, %sign3A_1522, %sign3A_1529 : i32
      %rem3A_1531 = arith.remsi %squeeze3A_1513, %jit3A_1514 : i32
      %ne3A_1532 = arith.constant 0 : i32
      %ne3A_1533 = arith.cmpi ne, %rem3A_1531, %ne3A_1532 : i32
      %and3A_1534 = arith.andi %ne3A_1530, %ne3A_1533 : i1
      %sub3A_1535 = arith.constant 1 : i32
      %sub3A_1536 = arith.subi %div3A_1515, %sub3A_1535 : i32
      %select_n3A_1537 = arith.select %and3A_1534, %sub3A_1536, %div3A_1515 : i32
      %mul3A_1538 = arith.constant 128 : i32
      %mul3A_1539 = arith.muli %select_n3A_1537, %mul3A_1538 : i32
      %multiple_of3A_1540 = tpu.assume_multiple %mul3A_1539, 128 : i32
      %dma_start3A_1541 = arith.constant 8 : i32
      %dma_start3A_1542 = arith.constant 0 : i32
      %dma_start3A_1543 = arith.constant 0 : i32
      %dma_start3A_1544 = tpu.memref_slice %arg12[%dma_start3A_1541, %dma_start3A_1542, %dma_start3A_1543] : memref<16x32x128xf32, #tpu.memory_space<vmem>> -> memref<1x32x128xf32, #tpu.memory_space<vmem>>
      %dma_start3A_1545 = tpu.memref_squeeze %dma_start3A_1544 : memref<1x32x128xf32, #tpu.memory_space<vmem>> -> memref<32x128xf32, #tpu.memory_space<vmem>>
      %dma_start3A_1546 = arith.constant 0 : i32
      %dma_start3A_1547 = tpu.memref_slice %arg5[%dma_start3A_1546, %multiple_of3A_1540] : memref<32x1000000xf32, #tpu.memory_space<hbm>> -> memref<32x128xf32, #tpu.memory_space<hbm>>
      %dma_start3A_1548 = arith.constant 0 : i32
      %dma_start3A_1549 = arith.constant 0 : i32
      %dma_start3A_1550 = tpu.memref_slice %arg12[%dma_start3A_1541, %dma_start3A_1548, %dma_start3A_1549] : memref<16x32x128xf32, #tpu.memory_space<vmem>> -> memref<1x32x128xf32, #tpu.memory_space<vmem>>
      %dma_start3A_1551 = tpu.memref_squeeze %dma_start3A_1550 : memref<1x32x128xf32, #tpu.memory_space<vmem>> -> memref<32x128xf32, #tpu.memory_space<vmem>>
      %dma_start3A_1552 = arith.constant 0 : i32
      %dma_start3A_1553 = tpu.memref_slice %arg5[%dma_start3A_1552, %multiple_of3A_1540] : memref<32x1000000xf32, #tpu.memory_space<hbm>> -> memref<32x128xf32, #tpu.memory_space<hbm>>
      tpu.enqueue_dma source(%dma_start3A_1553 : memref<32x128xf32, #tpu.memory_space<hbm>>) target(%dma_start3A_1551 : memref<32x128xf32, #tpu.memory_space<vmem>>) target_semaphore(%arg17 : memref<!tpu.dma_semaphore, #tpu.memory_space<semaphore_mem>>)
      %slice3A_1554 = vector.extract_strided_slice %get3A_15 {offsets = [9], sizes = [1], strides = [1]} : vector<16xi32> to vector<1xi32>
      %squeeze3A_1555 = vector.extract %slice3A_1554[0] : i32 from vector<1xi32>
      %jit3A_1556 = arith.constant 128 : i32
      %div3A_1557 = arith.divsi %squeeze3A_1555, %jit3A_1556 : i32
      %sign3A_1558 = arith.constant 0 : i32
      %sign3A_1559 = arith.cmpi sgt, %squeeze3A_1555, %sign3A_1558 : i32
      %sign3A_1560 = arith.extui %sign3A_1559 : i1 to i32
      %sign3A_1561 = arith.constant 0 : i32
      %sign3A_1562 = arith.cmpi slt, %squeeze3A_1555, %sign3A_1561 : i32
      %sign3A_1563 = arith.extui %sign3A_1562 : i1 to i32
      %sign3A_1564 = arith.subi %sign3A_1560, %sign3A_1563 : i32
      %sign3A_1565 = arith.constant 0 : i32
      %sign3A_1566 = arith.cmpi sgt, %jit3A_1556, %sign3A_1565 : i32
      %sign3A_1567 = arith.extui %sign3A_1566 : i1 to i32
      %sign3A_1568 = arith.constant 0 : i32
      %sign3A_1569 = arith.cmpi slt, %jit3A_1556, %sign3A_1568 : i32
      %sign3A_1570 = arith.extui %sign3A_1569 : i1 to i32
      %sign3A_1571 = arith.subi %sign3A_1567, %sign3A_1570 : i32
      %ne3A_1572 = arith.cmpi ne, %sign3A_1564, %sign3A_1571 : i32
      %rem3A_1573 = arith.remsi %squeeze3A_1555, %jit3A_1556 : i32
      %ne3A_1574 = arith.constant 0 : i32
      %ne3A_1575 = arith.cmpi ne, %rem3A_1573, %ne3A_1574 : i32
      %and3A_1576 = arith.andi %ne3A_1572, %ne3A_1575 : i1
      %sub3A_1577 = arith.constant 1 : i32
      %sub3A_1578 = arith.subi %div3A_1557, %sub3A_1577 : i32
      %select_n3A_1579 = arith.select %and3A_1576, %sub3A_1578, %div3A_1557 : i32
      %mul3A_1580 = arith.constant 128 : i32
      %mul3A_1581 = arith.muli %select_n3A_1579, %mul3A_1580 : i32
      %multiple_of3A_1582 = tpu.assume_multiple %mul3A_1581, 128 : i32
      %dma_start3A_1583 = arith.constant 9 : i32
      %dma_start3A_1584 = arith.constant 0 : i32
      %dma_start3A_1585 = arith.constant 0 : i32
      %dma_start3A_1586 = tpu.memref_slice %arg12[%dma_start3A_1583, %dma_start3A_1584, %dma_start3A_1585] : memref<16x32x128xf32, #tpu.memory_space<vmem>> -> memref<1x32x128xf32, #tpu.memory_space<vmem>>
      %dma_start3A_1587 = tpu.memref_squeeze %dma_start3A_1586 : memref<1x32x128xf32, #tpu.memory_space<vmem>> -> memref<32x128xf32, #tpu.memory_space<vmem>>
      %dma_start3A_1588 = arith.constant 0 : i32
      %dma_start3A_1589 = tpu.memref_slice %arg5[%dma_start3A_1588, %multiple_of3A_1582] : memref<32x1000000xf32, #tpu.memory_space<hbm>> -> memref<32x128xf32, #tpu.memory_space<hbm>>
      %dma_start3A_1590 = arith.constant 0 : i32
      %dma_start3A_1591 = arith.constant 0 : i32
      %dma_start3A_1592 = tpu.memref_slice %arg12[%dma_start3A_1583, %dma_start3A_1590, %dma_start3A_1591] : memref<16x32x128xf32, #tpu.memory_space<vmem>> -> memref<1x32x128xf32, #tpu.memory_space<vmem>>
      %dma_start3A_1593 = tpu.memref_squeeze %dma_start3A_1592 : memref<1x32x128xf32, #tpu.memory_space<vmem>> -> memref<32x128xf32, #tpu.memory_space<vmem>>
      %dma_start3A_1594 = arith.constant 0 : i32
      %dma_start3A_1595 = tpu.memref_slice %arg5[%dma_start3A_1594, %multiple_of3A_1582] : memref<32x1000000xf32, #tpu.memory_space<hbm>> -> memref<32x128xf32, #tpu.memory_space<hbm>>
      tpu.enqueue_dma source(%dma_start3A_1595 : memref<32x128xf32, #tpu.memory_space<hbm>>) target(%dma_start3A_1593 : memref<32x128xf32, #tpu.memory_space<vmem>>) target_semaphore(%arg17 : memref<!tpu.dma_semaphore, #tpu.memory_space<semaphore_mem>>)
      %slice3A_1596 = vector.extract_strided_slice %get3A_15 {offsets = [10], sizes = [1], strides = [1]} : vector<16xi32> to vector<1xi32>
      %squeeze3A_1597 = vector.extract %slice3A_1596[0] : i32 from vector<1xi32>
      %jit3A_1598 = arith.constant 128 : i32
      %div3A_1599 = arith.divsi %squeeze3A_1597, %jit3A_1598 : i32
      %sign3A_1600 = arith.constant 0 : i32
      %sign3A_1601 = arith.cmpi sgt, %squeeze3A_1597, %sign3A_1600 : i32
      %sign3A_1602 = arith.extui %sign3A_1601 : i1 to i32
      %sign3A_1603 = arith.constant 0 : i32
      %sign3A_1604 = arith.cmpi slt, %squeeze3A_1597, %sign3A_1603 : i32
      %sign3A_1605 = arith.extui %sign3A_1604 : i1 to i32
      %sign3A_1606 = arith.subi %sign3A_1602, %sign3A_1605 : i32
      %sign3A_1607 = arith.constant 0 : i32
      %sign3A_1608 = arith.cmpi sgt, %jit3A_1598, %sign3A_1607 : i32
      %sign3A_1609 = arith.extui %sign3A_1608 : i1 to i32
      %sign3A_1610 = arith.constant 0 : i32
      %sign3A_1611 = arith.cmpi slt, %jit3A_1598, %sign3A_1610 : i32
      %sign3A_1612 = arith.extui %sign3A_1611 : i1 to i32
      %sign3A_1613 = arith.subi %sign3A_1609, %sign3A_1612 : i32
      %ne3A_1614 = arith.cmpi ne, %sign3A_1606, %sign3A_1613 : i32
      %rem3A_1615 = arith.remsi %squeeze3A_1597, %jit3A_1598 : i32
      %ne3A_1616 = arith.constant 0 : i32
      %ne3A_1617 = arith.cmpi ne, %rem3A_1615, %ne3A_1616 : i32
      %and3A_1618 = arith.andi %ne3A_1614, %ne3A_1617 : i1
      %sub3A_1619 = arith.constant 1 : i32
      %sub3A_1620 = arith.subi %div3A_1599, %sub3A_1619 : i32
      %select_n3A_1621 = arith.select %and3A_1618, %sub3A_1620, %div3A_1599 : i32
      %mul3A_1622 = arith.constant 128 : i32
      %mul3A_1623 = arith.muli %select_n3A_1621, %mul3A_1622 : i32
      %multiple_of3A_1624 = tpu.assume_multiple %mul3A_1623, 128 : i32
      %dma_start3A_1625 = arith.constant 10 : i32
      %dma_start3A_1626 = arith.constant 0 : i32
      %dma_start3A_1627 = arith.constant 0 : i32
      %dma_start3A_1628 = tpu.memref_slice %arg12[%dma_start3A_1625, %dma_start3A_1626, %dma_start3A_1627] : memref<16x32x128xf32, #tpu.memory_space<vmem>> -> memref<1x32x128xf32, #tpu.memory_space<vmem>>
      %dma_start3A_1629 = tpu.memref_squeeze %dma_start3A_1628 : memref<1x32x128xf32, #tpu.memory_space<vmem>> -> memref<32x128xf32, #tpu.memory_space<vmem>>
      %dma_start3A_1630 = arith.constant 0 : i32
      %dma_start3A_1631 = tpu.memref_slice %arg5[%dma_start3A_1630, %multiple_of3A_1624] : memref<32x1000000xf32, #tpu.memory_space<hbm>> -> memref<32x128xf32, #tpu.memory_space<hbm>>
      %dma_start3A_1632 = arith.constant 0 : i32
      %dma_start3A_1633 = arith.constant 0 : i32
      %dma_start3A_1634 = tpu.memref_slice %arg12[%dma_start3A_1625, %dma_start3A_1632, %dma_start3A_1633] : memref<16x32x128xf32, #tpu.memory_space<vmem>> -> memref<1x32x128xf32, #tpu.memory_space<vmem>>
      %dma_start3A_1635 = tpu.memref_squeeze %dma_start3A_1634 : memref<1x32x128xf32, #tpu.memory_space<vmem>> -> memref<32x128xf32, #tpu.memory_space<vmem>>
      %dma_start3A_1636 = arith.constant 0 : i32
      %dma_start3A_1637 = tpu.memref_slice %arg5[%dma_start3A_1636, %multiple_of3A_1624] : memref<32x1000000xf32, #tpu.memory_space<hbm>> -> memref<32x128xf32, #tpu.memory_space<hbm>>
      tpu.enqueue_dma source(%dma_start3A_1637 : memref<32x128xf32, #tpu.memory_space<hbm>>) target(%dma_start3A_1635 : memref<32x128xf32, #tpu.memory_space<vmem>>) target_semaphore(%arg17 : memref<!tpu.dma_semaphore, #tpu.memory_space<semaphore_mem>>)
      %slice3A_1638 = vector.extract_strided_slice %get3A_15 {offsets = [11], sizes = [1], strides = [1]} : vector<16xi32> to vector<1xi32>
      %squeeze3A_1639 = vector.extract %slice3A_1638[0] : i32 from vector<1xi32>
      %jit3A_1640 = arith.constant 128 : i32
      %div3A_1641 = arith.divsi %squeeze3A_1639, %jit3A_1640 : i32
      %sign3A_1642 = arith.constant 0 : i32
      %sign3A_1643 = arith.cmpi sgt, %squeeze3A_1639, %sign3A_1642 : i32
      %sign3A_1644 = arith.extui %sign3A_1643 : i1 to i32
      %sign3A_1645 = arith.constant 0 : i32
      %sign3A_1646 = arith.cmpi slt, %squeeze3A_1639, %sign3A_1645 : i32
      %sign3A_1647 = arith.extui %sign3A_1646 : i1 to i32
      %sign3A_1648 = arith.subi %sign3A_1644, %sign3A_1647 : i32
      %sign3A_1649 = arith.constant 0 : i32
      %sign3A_1650 = arith.cmpi sgt, %jit3A_1640, %sign3A_1649 : i32
      %sign3A_1651 = arith.extui %sign3A_1650 : i1 to i32
      %sign3A_1652 = arith.constant 0 : i32
      %sign3A_1653 = arith.cmpi slt, %jit3A_1640, %sign3A_1652 : i32
      %sign3A_1654 = arith.extui %sign3A_1653 : i1 to i32
      %sign3A_1655 = arith.subi %sign3A_1651, %sign3A_1654 : i32
      %ne3A_1656 = arith.cmpi ne, %sign3A_1648, %sign3A_1655 : i32
      %rem3A_1657 = arith.remsi %squeeze3A_1639, %jit3A_1640 : i32
      %ne3A_1658 = arith.constant 0 : i32
      %ne3A_1659 = arith.cmpi ne, %rem3A_1657, %ne3A_1658 : i32
      %and3A_1660 = arith.andi %ne3A_1656, %ne3A_1659 : i1
      %sub3A_1661 = arith.constant 1 : i32
      %sub3A_1662 = arith.subi %div3A_1641, %sub3A_1661 : i32
      %select_n3A_1663 = arith.select %and3A_1660, %sub3A_1662, %div3A_1641 : i32
      %mul3A_1664 = arith.constant 128 : i32
      %mul3A_1665 = arith.muli %select_n3A_1663, %mul3A_1664 : i32
      %multiple_of3A_1666 = tpu.assume_multiple %mul3A_1665, 128 : i32
      %dma_start3A_1667 = arith.constant 11 : i32
      %dma_start3A_1668 = arith.constant 0 : i32
      %dma_start3A_1669 = arith.constant 0 : i32
      %dma_start3A_1670 = tpu.memref_slice %arg12[%dma_start3A_1667, %dma_start3A_1668, %dma_start3A_1669] : memref<16x32x128xf32, #tpu.memory_space<vmem>> -> memref<1x32x128xf32, #tpu.memory_space<vmem>>
      %dma_start3A_1671 = tpu.memref_squeeze %dma_start3A_1670 : memref<1x32x128xf32, #tpu.memory_space<vmem>> -> memref<32x128xf32, #tpu.memory_space<vmem>>
      %dma_start3A_1672 = arith.constant 0 : i32
      %dma_start3A_1673 = tpu.memref_slice %arg5[%dma_start3A_1672, %multiple_of3A_1666] : memref<32x1000000xf32, #tpu.memory_space<hbm>> -> memref<32x128xf32, #tpu.memory_space<hbm>>
      %dma_start3A_1674 = arith.constant 0 : i32
      %dma_start3A_1675 = arith.constant 0 : i32
      %dma_start3A_1676 = tpu.memref_slice %arg12[%dma_start3A_1667, %dma_start3A_1674, %dma_start3A_1675] : memref<16x32x128xf32, #tpu.memory_space<vmem>> -> memref<1x32x128xf32, #tpu.memory_space<vmem>>
      %dma_start3A_1677 = tpu.memref_squeeze %dma_start3A_1676 : memref<1x32x128xf32, #tpu.memory_space<vmem>> -> memref<32x128xf32, #tpu.memory_space<vmem>>
      %dma_start3A_1678 = arith.constant 0 : i32
      %dma_start3A_1679 = tpu.memref_slice %arg5[%dma_start3A_1678, %multiple_of3A_1666] : memref<32x1000000xf32, #tpu.memory_space<hbm>> -> memref<32x128xf32, #tpu.memory_space<hbm>>
      tpu.enqueue_dma source(%dma_start3A_1679 : memref<32x128xf32, #tpu.memory_space<hbm>>) target(%dma_start3A_1677 : memref<32x128xf32, #tpu.memory_space<vmem>>) target_semaphore(%arg17 : memref<!tpu.dma_semaphore, #tpu.memory_space<semaphore_mem>>)
      %slice3A_1680 = vector.extract_strided_slice %get3A_15 {offsets = [12], sizes = [1], strides = [1]} : vector<16xi32> to vector<1xi32>
      %squeeze3A_1681 = vector.extract %slice3A_1680[0] : i32 from vector<1xi32>
      %jit3A_1682 = arith.constant 128 : i32
      %div3A_1683 = arith.divsi %squeeze3A_1681, %jit3A_1682 : i32
      %sign3A_1684 = arith.constant 0 : i32
      %sign3A_1685 = arith.cmpi sgt, %squeeze3A_1681, %sign3A_1684 : i32
      %sign3A_1686 = arith.extui %sign3A_1685 : i1 to i32
      %sign3A_1687 = arith.constant 0 : i32
      %sign3A_1688 = arith.cmpi slt, %squeeze3A_1681, %sign3A_1687 : i32
      %sign3A_1689 = arith.extui %sign3A_1688 : i1 to i32
      %sign3A_1690 = arith.subi %sign3A_1686, %sign3A_1689 : i32
      %sign3A_1691 = arith.constant 0 : i32
      %sign3A_1692 = arith.cmpi sgt, %jit3A_1682, %sign3A_1691 : i32
      %sign3A_1693 = arith.extui %sign3A_1692 : i1 to i32
      %sign3A_1694 = arith.constant 0 : i32
      %sign3A_1695 = arith.cmpi slt, %jit3A_1682, %sign3A_1694 : i32
      %sign3A_1696 = arith.extui %sign3A_1695 : i1 to i32
      %sign3A_1697 = arith.subi %sign3A_1693, %sign3A_1696 : i32
      %ne3A_1698 = arith.cmpi ne, %sign3A_1690, %sign3A_1697 : i32
      %rem3A_1699 = arith.remsi %squeeze3A_1681, %jit3A_1682 : i32
      %ne3A_1700 = arith.constant 0 : i32
      %ne3A_1701 = arith.cmpi ne, %rem3A_1699, %ne3A_1700 : i32
      %and3A_1702 = arith.andi %ne3A_1698, %ne3A_1701 : i1
      %sub3A_1703 = arith.constant 1 : i32
      %sub3A_1704 = arith.subi %div3A_1683, %sub3A_1703 : i32
      %select_n3A_1705 = arith.select %and3A_1702, %sub3A_1704, %div3A_1683 : i32
      %mul3A_1706 = arith.constant 128 : i32
      %mul3A_1707 = arith.muli %select_n3A_1705, %mul3A_1706 : i32
      %multiple_of3A_1708 = tpu.assume_multiple %mul3A_1707, 128 : i32
      %dma_start3A_1709 = arith.constant 12 : i32
      %dma_start3A_1710 = arith.constant 0 : i32
      %dma_start3A_1711 = arith.constant 0 : i32
      %dma_start3A_1712 = tpu.memref_slice %arg12[%dma_start3A_1709, %dma_start3A_1710, %dma_start3A_1711] : memref<16x32x128xf32, #tpu.memory_space<vmem>> -> memref<1x32x128xf32, #tpu.memory_space<vmem>>
      %dma_start3A_1713 = tpu.memref_squeeze %dma_start3A_1712 : memref<1x32x128xf32, #tpu.memory_space<vmem>> -> memref<32x128xf32, #tpu.memory_space<vmem>>
      %dma_start3A_1714 = arith.constant 0 : i32
      %dma_start3A_1715 = tpu.memref_slice %arg5[%dma_start3A_1714, %multiple_of3A_1708] : memref<32x1000000xf32, #tpu.memory_space<hbm>> -> memref<32x128xf32, #tpu.memory_space<hbm>>
      %dma_start3A_1716 = arith.constant 0 : i32
      %dma_start3A_1717 = arith.constant 0 : i32
      %dma_start3A_1718 = tpu.memref_slice %arg12[%dma_start3A_1709, %dma_start3A_1716, %dma_start3A_1717] : memref<16x32x128xf32, #tpu.memory_space<vmem>> -> memref<1x32x128xf32, #tpu.memory_space<vmem>>
      %dma_start3A_1719 = tpu.memref_squeeze %dma_start3A_1718 : memref<1x32x128xf32, #tpu.memory_space<vmem>> -> memref<32x128xf32, #tpu.memory_space<vmem>>
      %dma_start3A_1720 = arith.constant 0 : i32
      %dma_start3A_1721 = tpu.memref_slice %arg5[%dma_start3A_1720, %multiple_of3A_1708] : memref<32x1000000xf32, #tpu.memory_space<hbm>> -> memref<32x128xf32, #tpu.memory_space<hbm>>
      tpu.enqueue_dma source(%dma_start3A_1721 : memref<32x128xf32, #tpu.memory_space<hbm>>) target(%dma_start3A_1719 : memref<32x128xf32, #tpu.memory_space<vmem>>) target_semaphore(%arg17 : memref<!tpu.dma_semaphore, #tpu.memory_space<semaphore_mem>>)
      %slice3A_1722 = vector.extract_strided_slice %get3A_15 {offsets = [13], sizes = [1], strides = [1]} : vector<16xi32> to vector<1xi32>
      %squeeze3A_1723 = vector.extract %slice3A_1722[0] : i32 from vector<1xi32>
      %jit3A_1724 = arith.constant 128 : i32
      %div3A_1725 = arith.divsi %squeeze3A_1723, %jit3A_1724 : i32
      %sign3A_1726 = arith.constant 0 : i32
      %sign3A_1727 = arith.cmpi sgt, %squeeze3A_1723, %sign3A_1726 : i32
      %sign3A_1728 = arith.extui %sign3A_1727 : i1 to i32
      %sign3A_1729 = arith.constant 0 : i32
      %sign3A_1730 = arith.cmpi slt, %squeeze3A_1723, %sign3A_1729 : i32
      %sign3A_1731 = arith.extui %sign3A_1730 : i1 to i32
      %sign3A_1732 = arith.subi %sign3A_1728, %sign3A_1731 : i32
      %sign3A_1733 = arith.constant 0 : i32
      %sign3A_1734 = arith.cmpi sgt, %jit3A_1724, %sign3A_1733 : i32
      %sign3A_1735 = arith.extui %sign3A_1734 : i1 to i32
      %sign3A_1736 = arith.constant 0 : i32
      %sign3A_1737 = arith.cmpi slt, %jit3A_1724, %sign3A_1736 : i32
      %sign3A_1738 = arith.extui %sign3A_1737 : i1 to i32
      %sign3A_1739 = arith.subi %sign3A_1735, %sign3A_1738 : i32
      %ne3A_1740 = arith.cmpi ne, %sign3A_1732, %sign3A_1739 : i32
      %rem3A_1741 = arith.remsi %squeeze3A_1723, %jit3A_1724 : i32
      %ne3A_1742 = arith.constant 0 : i32
      %ne3A_1743 = arith.cmpi ne, %rem3A_1741, %ne3A_1742 : i32
      %and3A_1744 = arith.andi %ne3A_1740, %ne3A_1743 : i1
      %sub3A_1745 = arith.constant 1 : i32
      %sub3A_1746 = arith.subi %div3A_1725, %sub3A_1745 : i32
      %select_n3A_1747 = arith.select %and3A_1744, %sub3A_1746, %div3A_1725 : i32
      %mul3A_1748 = arith.constant 128 : i32
      %mul3A_1749 = arith.muli %select_n3A_1747, %mul3A_1748 : i32
      %multiple_of3A_1750 = tpu.assume_multiple %mul3A_1749, 128 : i32
      %dma_start3A_1751 = arith.constant 13 : i32
      %dma_start3A_1752 = arith.constant 0 : i32
      %dma_start3A_1753 = arith.constant 0 : i32
      %dma_start3A_1754 = tpu.memref_slice %arg12[%dma_start3A_1751, %dma_start3A_1752, %dma_start3A_1753] : memref<16x32x128xf32, #tpu.memory_space<vmem>> -> memref<1x32x128xf32, #tpu.memory_space<vmem>>
      %dma_start3A_1755 = tpu.memref_squeeze %dma_start3A_1754 : memref<1x32x128xf32, #tpu.memory_space<vmem>> -> memref<32x128xf32, #tpu.memory_space<vmem>>
      %dma_start3A_1756 = arith.constant 0 : i32
      %dma_start3A_1757 = tpu.memref_slice %arg5[%dma_start3A_1756, %multiple_of3A_1750] : memref<32x1000000xf32, #tpu.memory_space<hbm>> -> memref<32x128xf32, #tpu.memory_space<hbm>>
      %dma_start3A_1758 = arith.constant 0 : i32
      %dma_start3A_1759 = arith.constant 0 : i32
      %dma_start3A_1760 = tpu.memref_slice %arg12[%dma_start3A_1751, %dma_start3A_1758, %dma_start3A_1759] : memref<16x32x128xf32, #tpu.memory_space<vmem>> -> memref<1x32x128xf32, #tpu.memory_space<vmem>>
      %dma_start3A_1761 = tpu.memref_squeeze %dma_start3A_1760 : memref<1x32x128xf32, #tpu.memory_space<vmem>> -> memref<32x128xf32, #tpu.memory_space<vmem>>
      %dma_start3A_1762 = arith.constant 0 : i32
      %dma_start3A_1763 = tpu.memref_slice %arg5[%dma_start3A_1762, %multiple_of3A_1750] : memref<32x1000000xf32, #tpu.memory_space<hbm>> -> memref<32x128xf32, #tpu.memory_space<hbm>>
      tpu.enqueue_dma source(%dma_start3A_1763 : memref<32x128xf32, #tpu.memory_space<hbm>>) target(%dma_start3A_1761 : memref<32x128xf32, #tpu.memory_space<vmem>>) target_semaphore(%arg17 : memref<!tpu.dma_semaphore, #tpu.memory_space<semaphore_mem>>)
      %slice3A_1764 = vector.extract_strided_slice %get3A_15 {offsets = [14], sizes = [1], strides = [1]} : vector<16xi32> to vector<1xi32>
      %squeeze3A_1765 = vector.extract %slice3A_1764[0] : i32 from vector<1xi32>
      %jit3A_1766 = arith.constant 128 : i32
      %div3A_1767 = arith.divsi %squeeze3A_1765, %jit3A_1766 : i32
      %sign3A_1768 = arith.constant 0 : i32
      %sign3A_1769 = arith.cmpi sgt, %squeeze3A_1765, %sign3A_1768 : i32
      %sign3A_1770 = arith.extui %sign3A_1769 : i1 to i32
      %sign3A_1771 = arith.constant 0 : i32
      %sign3A_1772 = arith.cmpi slt, %squeeze3A_1765, %sign3A_1771 : i32
      %sign3A_1773 = arith.extui %sign3A_1772 : i1 to i32
      %sign3A_1774 = arith.subi %sign3A_1770, %sign3A_1773 : i32
      %sign3A_1775 = arith.constant 0 : i32
      %sign3A_1776 = arith.cmpi sgt, %jit3A_1766, %sign3A_1775 : i32
      %sign3A_1777 = arith.extui %sign3A_1776 : i1 to i32
      %sign3A_1778 = arith.constant 0 : i32
      %sign3A_1779 = arith.cmpi slt, %jit3A_1766, %sign3A_1778 : i32
      %sign3A_1780 = arith.extui %sign3A_1779 : i1 to i32
      %sign3A_1781 = arith.subi %sign3A_1777, %sign3A_1780 : i32
      %ne3A_1782 = arith.cmpi ne, %sign3A_1774, %sign3A_1781 : i32
      %rem3A_1783 = arith.remsi %squeeze3A_1765, %jit3A_1766 : i32
      %ne3A_1784 = arith.constant 0 : i32
      %ne3A_1785 = arith.cmpi ne, %rem3A_1783, %ne3A_1784 : i32
      %and3A_1786 = arith.andi %ne3A_1782, %ne3A_1785 : i1
      %sub3A_1787 = arith.constant 1 : i32
      %sub3A_1788 = arith.subi %div3A_1767, %sub3A_1787 : i32
      %select_n3A_1789 = arith.select %and3A_1786, %sub3A_1788, %div3A_1767 : i32
      %mul3A_1790 = arith.constant 128 : i32
      %mul3A_1791 = arith.muli %select_n3A_1789, %mul3A_1790 : i32
      %multiple_of3A_1792 = tpu.assume_multiple %mul3A_1791, 128 : i32
      %dma_start3A_1793 = arith.constant 14 : i32
      %dma_start3A_1794 = arith.constant 0 : i32
      %dma_start3A_1795 = arith.constant 0 : i32
      %dma_start3A_1796 = tpu.memref_slice %arg12[%dma_start3A_1793, %dma_start3A_1794, %dma_start3A_1795] : memref<16x32x128xf32, #tpu.memory_space<vmem>> -> memref<1x32x128xf32, #tpu.memory_space<vmem>>
      %dma_start3A_1797 = tpu.memref_squeeze %dma_start3A_1796 : memref<1x32x128xf32, #tpu.memory_space<vmem>> -> memref<32x128xf32, #tpu.memory_space<vmem>>
      %dma_start3A_1798 = arith.constant 0 : i32
      %dma_start3A_1799 = tpu.memref_slice %arg5[%dma_start3A_1798, %multiple_of3A_1792] : memref<32x1000000xf32, #tpu.memory_space<hbm>> -> memref<32x128xf32, #tpu.memory_space<hbm>>
      %dma_start3A_1800 = arith.constant 0 : i32
      %dma_start3A_1801 = arith.constant 0 : i32
      %dma_start3A_1802 = tpu.memref_slice %arg12[%dma_start3A_1793, %dma_start3A_1800, %dma_start3A_1801] : memref<16x32x128xf32, #tpu.memory_space<vmem>> -> memref<1x32x128xf32, #tpu.memory_space<vmem>>
      %dma_start3A_1803 = tpu.memref_squeeze %dma_start3A_1802 : memref<1x32x128xf32, #tpu.memory_space<vmem>> -> memref<32x128xf32, #tpu.memory_space<vmem>>
      %dma_start3A_1804 = arith.constant 0 : i32
      %dma_start3A_1805 = tpu.memref_slice %arg5[%dma_start3A_1804, %multiple_of3A_1792] : memref<32x1000000xf32, #tpu.memory_space<hbm>> -> memref<32x128xf32, #tpu.memory_space<hbm>>
      tpu.enqueue_dma source(%dma_start3A_1805 : memref<32x128xf32, #tpu.memory_space<hbm>>) target(%dma_start3A_1803 : memref<32x128xf32, #tpu.memory_space<vmem>>) target_semaphore(%arg17 : memref<!tpu.dma_semaphore, #tpu.memory_space<semaphore_mem>>)
      %slice3A_1806 = vector.extract_strided_slice %get3A_15 {offsets = [15], sizes = [1], strides = [1]} : vector<16xi32> to vector<1xi32>
      %squeeze3A_1807 = vector.extract %slice3A_1806[0] : i32 from vector<1xi32>
      %jit3A_1808 = arith.constant 128 : i32
      %div3A_1809 = arith.divsi %squeeze3A_1807, %jit3A_1808 : i32
      %sign3A_1810 = arith.constant 0 : i32
      %sign3A_1811 = arith.cmpi sgt, %squeeze3A_1807, %sign3A_1810 : i32
      %sign3A_1812 = arith.extui %sign3A_1811 : i1 to i32
      %sign3A_1813 = arith.constant 0 : i32
      %sign3A_1814 = arith.cmpi slt, %squeeze3A_1807, %sign3A_1813 : i32
      %sign3A_1815 = arith.extui %sign3A_1814 : i1 to i32
      %sign3A_1816 = arith.subi %sign3A_1812, %sign3A_1815 : i32
      %sign3A_1817 = arith.constant 0 : i32
      %sign3A_1818 = arith.cmpi sgt, %jit3A_1808, %sign3A_1817 : i32
      %sign3A_1819 = arith.extui %sign3A_1818 : i1 to i32
      %sign3A_1820 = arith.constant 0 : i32
      %sign3A_1821 = arith.cmpi slt, %jit3A_1808, %sign3A_1820 : i32
      %sign3A_1822 = arith.extui %sign3A_1821 : i1 to i32
      %sign3A_1823 = arith.subi %sign3A_1819, %sign3A_1822 : i32
      %ne3A_1824 = arith.cmpi ne, %sign3A_1816, %sign3A_1823 : i32
      %rem3A_1825 = arith.remsi %squeeze3A_1807, %jit3A_1808 : i32
      %ne3A_1826 = arith.constant 0 : i32
      %ne3A_1827 = arith.cmpi ne, %rem3A_1825, %ne3A_1826 : i32
      %and3A_1828 = arith.andi %ne3A_1824, %ne3A_1827 : i1
      %sub3A_1829 = arith.constant 1 : i32
      %sub3A_1830 = arith.subi %div3A_1809, %sub3A_1829 : i32
      %select_n3A_1831 = arith.select %and3A_1828, %sub3A_1830, %div3A_1809 : i32
      %mul3A_1832 = arith.constant 128 : i32
      %mul3A_1833 = arith.muli %select_n3A_1831, %mul3A_1832 : i32
      %multiple_of3A_1834 = tpu.assume_multiple %mul3A_1833, 128 : i32
      %dma_start3A_1835 = arith.constant 15 : i32
      %dma_start3A_1836 = arith.constant 0 : i32
      %dma_start3A_1837 = arith.constant 0 : i32
      %dma_start3A_1838 = tpu.memref_slice %arg12[%dma_start3A_1835, %dma_start3A_1836, %dma_start3A_1837] : memref<16x32x128xf32, #tpu.memory_space<vmem>> -> memref<1x32x128xf32, #tpu.memory_space<vmem>>
      %dma_start3A_1839 = tpu.memref_squeeze %dma_start3A_1838 : memref<1x32x128xf32, #tpu.memory_space<vmem>> -> memref<32x128xf32, #tpu.memory_space<vmem>>
      %dma_start3A_1840 = arith.constant 0 : i32
      %dma_start3A_1841 = tpu.memref_slice %arg5[%dma_start3A_1840, %multiple_of3A_1834] : memref<32x1000000xf32, #tpu.memory_space<hbm>> -> memref<32x128xf32, #tpu.memory_space<hbm>>
      %dma_start3A_1842 = arith.constant 0 : i32
      %dma_start3A_1843 = arith.constant 0 : i32
      %dma_start3A_1844 = tpu.memref_slice %arg12[%dma_start3A_1835, %dma_start3A_1842, %dma_start3A_1843] : memref<16x32x128xf32, #tpu.memory_space<vmem>> -> memref<1x32x128xf32, #tpu.memory_space<vmem>>
      %dma_start3A_1845 = tpu.memref_squeeze %dma_start3A_1844 : memref<1x32x128xf32, #tpu.memory_space<vmem>> -> memref<32x128xf32, #tpu.memory_space<vmem>>
      %dma_start3A_1846 = arith.constant 0 : i32
      %dma_start3A_1847 = tpu.memref_slice %arg5[%dma_start3A_1846, %multiple_of3A_1834] : memref<32x1000000xf32, #tpu.memory_space<hbm>> -> memref<32x128xf32, #tpu.memory_space<hbm>>
      tpu.enqueue_dma source(%dma_start3A_1847 : memref<32x128xf32, #tpu.memory_space<hbm>>) target(%dma_start3A_1845 : memref<32x128xf32, #tpu.memory_space<vmem>>) target_semaphore(%arg17 : memref<!tpu.dma_semaphore, #tpu.memory_space<semaphore_mem>>)
      %dma_wait3A_1848 = arith.constant 0 : i32
      %dma_wait3A_1849 = arith.constant 0 : i32
      %dma_wait3A_1850 = arith.constant 0 : i32
      %dma_wait3A_1851 = tpu.memref_slice %arg12[%dma_wait3A_1848, %dma_wait3A_1849, %dma_wait3A_1850] : memref<16x32x128xf32, #tpu.memory_space<vmem>> -> memref<1x32x128xf32, #tpu.memory_space<vmem>>
      %dma_wait3A_1852 = tpu.memref_squeeze %dma_wait3A_1851 : memref<1x32x128xf32, #tpu.memory_space<vmem>> -> memref<32x128xf32, #tpu.memory_space<vmem>>
      %dma_wait3A_1853 = arith.constant 0 : i32
      %dma_wait3A_1854 = tpu.memref_slice %arg5[%dma_wait3A_1853, %multiple_of3A_1204] : memref<32x1000000xf32, #tpu.memory_space<hbm>> -> memref<32x128xf32, #tpu.memory_space<hbm>>
      %dma_wait3A_1855 = arith.constant 0 : i32
      %dma_wait3A_1856 = arith.constant 0 : i32
      %dma_wait3A_1857 = tpu.memref_slice %arg12[%dma_wait3A_1848, %dma_wait3A_1855, %dma_wait3A_1856] : memref<16x32x128xf32, #tpu.memory_space<vmem>> -> memref<1x32x128xf32, #tpu.memory_space<vmem>>
      %dma_wait3A_1858 = tpu.memref_squeeze %dma_wait3A_1857 : memref<1x32x128xf32, #tpu.memory_space<vmem>> -> memref<32x128xf32, #tpu.memory_space<vmem>>
      %dma_wait3A_1859 = arith.constant 0 : i32
      %dma_wait3A_1860 = tpu.memref_slice %arg5[%dma_wait3A_1859, %multiple_of3A_1204] : memref<32x1000000xf32, #tpu.memory_space<hbm>> -> memref<32x128xf32, #tpu.memory_space<hbm>>
      tpu.wait_dma2 semaphore(%arg17 : memref<!tpu.dma_semaphore, #tpu.memory_space<semaphore_mem>>) src(%dma_wait3A_1860 : memref<32x128xf32, #tpu.memory_space<hbm>>) dst(%dma_wait3A_1858 : memref<32x128xf32, #tpu.memory_space<vmem>>)
      %dma_wait3A_1861 = arith.constant 1 : i32
      %dma_wait3A_1862 = arith.constant 0 : i32
      %dma_wait3A_1863 = arith.constant 0 : i32
      %dma_wait3A_1864 = tpu.memref_slice %arg12[%dma_wait3A_1861, %dma_wait3A_1862, %dma_wait3A_1863] : memref<16x32x128xf32, #tpu.memory_space<vmem>> -> memref<1x32x128xf32, #tpu.memory_space<vmem>>
      %dma_wait3A_1865 = tpu.memref_squeeze %dma_wait3A_1864 : memref<1x32x128xf32, #tpu.memory_space<vmem>> -> memref<32x128xf32, #tpu.memory_space<vmem>>
      %dma_wait3A_1866 = arith.constant 0 : i32
      %dma_wait3A_1867 = tpu.memref_slice %arg5[%dma_wait3A_1866, %multiple_of3A_1246] : memref<32x1000000xf32, #tpu.memory_space<hbm>> -> memref<32x128xf32, #tpu.memory_space<hbm>>
      %dma_wait3A_1868 = arith.constant 0 : i32
      %dma_wait3A_1869 = arith.constant 0 : i32
      %dma_wait3A_1870 = tpu.memref_slice %arg12[%dma_wait3A_1861, %dma_wait3A_1868, %dma_wait3A_1869] : memref<16x32x128xf32, #tpu.memory_space<vmem>> -> memref<1x32x128xf32, #tpu.memory_space<vmem>>
      %dma_wait3A_1871 = tpu.memref_squeeze %dma_wait3A_1870 : memref<1x32x128xf32, #tpu.memory_space<vmem>> -> memref<32x128xf32, #tpu.memory_space<vmem>>
      %dma_wait3A_1872 = arith.constant 0 : i32
      %dma_wait3A_1873 = tpu.memref_slice %arg5[%dma_wait3A_1872, %multiple_of3A_1246] : memref<32x1000000xf32, #tpu.memory_space<hbm>> -> memref<32x128xf32, #tpu.memory_space<hbm>>
      tpu.wait_dma2 semaphore(%arg17 : memref<!tpu.dma_semaphore, #tpu.memory_space<semaphore_mem>>) src(%dma_wait3A_1873 : memref<32x128xf32, #tpu.memory_space<hbm>>) dst(%dma_wait3A_1871 : memref<32x128xf32, #tpu.memory_space<vmem>>)
      %dma_wait3A_1874 = arith.constant 2 : i32
      %dma_wait3A_1875 = arith.constant 0 : i32
      %dma_wait3A_1876 = arith.constant 0 : i32
      %dma_wait3A_1877 = tpu.memref_slice %arg12[%dma_wait3A_1874, %dma_wait3A_1875, %dma_wait3A_1876] : memref<16x32x128xf32, #tpu.memory_space<vmem>> -> memref<1x32x128xf32, #tpu.memory_space<vmem>>
      %dma_wait3A_1878 = tpu.memref_squeeze %dma_wait3A_1877 : memref<1x32x128xf32, #tpu.memory_space<vmem>> -> memref<32x128xf32, #tpu.memory_space<vmem>>
      %dma_wait3A_1879 = arith.constant 0 : i32
      %dma_wait3A_1880 = tpu.memref_slice %arg5[%dma_wait3A_1879, %multiple_of3A_1288] : memref<32x1000000xf32, #tpu.memory_space<hbm>> -> memref<32x128xf32, #tpu.memory_space<hbm>>
      %dma_wait3A_1881 = arith.constant 0 : i32
      %dma_wait3A_1882 = arith.constant 0 : i32
      %dma_wait3A_1883 = tpu.memref_slice %arg12[%dma_wait3A_1874, %dma_wait3A_1881, %dma_wait3A_1882] : memref<16x32x128xf32, #tpu.memory_space<vmem>> -> memref<1x32x128xf32, #tpu.memory_space<vmem>>
      %dma_wait3A_1884 = tpu.memref_squeeze %dma_wait3A_1883 : memref<1x32x128xf32, #tpu.memory_space<vmem>> -> memref<32x128xf32, #tpu.memory_space<vmem>>
      %dma_wait3A_1885 = arith.constant 0 : i32
      %dma_wait3A_1886 = tpu.memref_slice %arg5[%dma_wait3A_1885, %multiple_of3A_1288] : memref<32x1000000xf32, #tpu.memory_space<hbm>> -> memref<32x128xf32, #tpu.memory_space<hbm>>
      tpu.wait_dma2 semaphore(%arg17 : memref<!tpu.dma_semaphore, #tpu.memory_space<semaphore_mem>>) src(%dma_wait3A_1886 : memref<32x128xf32, #tpu.memory_space<hbm>>) dst(%dma_wait3A_1884 : memref<32x128xf32, #tpu.memory_space<vmem>>)
      %dma_wait3A_1887 = arith.constant 3 : i32
      %dma_wait3A_1888 = arith.constant 0 : i32
      %dma_wait3A_1889 = arith.constant 0 : i32
      %dma_wait3A_1890 = tpu.memref_slice %arg12[%dma_wait3A_1887, %dma_wait3A_1888, %dma_wait3A_1889] : memref<16x32x128xf32, #tpu.memory_space<vmem>> -> memref<1x32x128xf32, #tpu.memory_space<vmem>>
      %dma_wait3A_1891 = tpu.memref_squeeze %dma_wait3A_1890 : memref<1x32x128xf32, #tpu.memory_space<vmem>> -> memref<32x128xf32, #tpu.memory_space<vmem>>
      %dma_wait3A_1892 = arith.constant 0 : i32
      %dma_wait3A_1893 = tpu.memref_slice %arg5[%dma_wait3A_1892, %multiple_of3A_1330] : memref<32x1000000xf32, #tpu.memory_space<hbm>> -> memref<32x128xf32, #tpu.memory_space<hbm>>
      %dma_wait3A_1894 = arith.constant 0 : i32
      %dma_wait3A_1895 = arith.constant 0 : i32
      %dma_wait3A_1896 = tpu.memref_slice %arg12[%dma_wait3A_1887, %dma_wait3A_1894, %dma_wait3A_1895] : memref<16x32x128xf32, #tpu.memory_space<vmem>> -> memref<1x32x128xf32, #tpu.memory_space<vmem>>
      %dma_wait3A_1897 = tpu.memref_squeeze %dma_wait3A_1896 : memref<1x32x128xf32, #tpu.memory_space<vmem>> -> memref<32x128xf32, #tpu.memory_space<vmem>>
      %dma_wait3A_1898 = arith.constant 0 : i32
      %dma_wait3A_1899 = tpu.memref_slice %arg5[%dma_wait3A_1898, %multiple_of3A_1330] : memref<32x1000000xf32, #tpu.memory_space<hbm>> -> memref<32x128xf32, #tpu.memory_space<hbm>>
      tpu.wait_dma2 semaphore(%arg17 : memref<!tpu.dma_semaphore, #tpu.memory_space<semaphore_mem>>) src(%dma_wait3A_1899 : memref<32x128xf32, #tpu.memory_space<hbm>>) dst(%dma_wait3A_1897 : memref<32x128xf32, #tpu.memory_space<vmem>>)
      %dma_wait3A_1900 = arith.constant 4 : i32
      %dma_wait3A_1901 = arith.constant 0 : i32
      %dma_wait3A_1902 = arith.constant 0 : i32
      %dma_wait3A_1903 = tpu.memref_slice %arg12[%dma_wait3A_1900, %dma_wait3A_1901, %dma_wait3A_1902] : memref<16x32x128xf32, #tpu.memory_space<vmem>> -> memref<1x32x128xf32, #tpu.memory_space<vmem>>
      %dma_wait3A_1904 = tpu.memref_squeeze %dma_wait3A_1903 : memref<1x32x128xf32, #tpu.memory_space<vmem>> -> memref<32x128xf32, #tpu.memory_space<vmem>>
      %dma_wait3A_1905 = arith.constant 0 : i32
      %dma_wait3A_1906 = tpu.memref_slice %arg5[%dma_wait3A_1905, %multiple_of3A_1372] : memref<32x1000000xf32, #tpu.memory_space<hbm>> -> memref<32x128xf32, #tpu.memory_space<hbm>>
      %dma_wait3A_1907 = arith.constant 0 : i32
      %dma_wait3A_1908 = arith.constant 0 : i32
      %dma_wait3A_1909 = tpu.memref_slice %arg12[%dma_wait3A_1900, %dma_wait3A_1907, %dma_wait3A_1908] : memref<16x32x128xf32, #tpu.memory_space<vmem>> -> memref<1x32x128xf32, #tpu.memory_space<vmem>>
      %dma_wait3A_1910 = tpu.memref_squeeze %dma_wait3A_1909 : memref<1x32x128xf32, #tpu.memory_space<vmem>> -> memref<32x128xf32, #tpu.memory_space<vmem>>
      %dma_wait3A_1911 = arith.constant 0 : i32
      %dma_wait3A_1912 = tpu.memref_slice %arg5[%dma_wait3A_1911, %multiple_of3A_1372] : memref<32x1000000xf32, #tpu.memory_space<hbm>> -> memref<32x128xf32, #tpu.memory_space<hbm>>
      tpu.wait_dma2 semaphore(%arg17 : memref<!tpu.dma_semaphore, #tpu.memory_space<semaphore_mem>>) src(%dma_wait3A_1912 : memref<32x128xf32, #tpu.memory_space<hbm>>) dst(%dma_wait3A_1910 : memref<32x128xf32, #tpu.memory_space<vmem>>)
      %dma_wait3A_1913 = arith.constant 5 : i32
      %dma_wait3A_1914 = arith.constant 0 : i32
      %dma_wait3A_1915 = arith.constant 0 : i32
      %dma_wait3A_1916 = tpu.memref_slice %arg12[%dma_wait3A_1913, %dma_wait3A_1914, %dma_wait3A_1915] : memref<16x32x128xf32, #tpu.memory_space<vmem>> -> memref<1x32x128xf32, #tpu.memory_space<vmem>>
      %dma_wait3A_1917 = tpu.memref_squeeze %dma_wait3A_1916 : memref<1x32x128xf32, #tpu.memory_space<vmem>> -> memref<32x128xf32, #tpu.memory_space<vmem>>
      %dma_wait3A_1918 = arith.constant 0 : i32
      %dma_wait3A_1919 = tpu.memref_slice %arg5[%dma_wait3A_1918, %multiple_of3A_1414] : memref<32x1000000xf32, #tpu.memory_space<hbm>> -> memref<32x128xf32, #tpu.memory_space<hbm>>
      %dma_wait3A_1920 = arith.constant 0 : i32
      %dma_wait3A_1921 = arith.constant 0 : i32
      %dma_wait3A_1922 = tpu.memref_slice %arg12[%dma_wait3A_1913, %dma_wait3A_1920, %dma_wait3A_1921] : memref<16x32x128xf32, #tpu.memory_space<vmem>> -> memref<1x32x128xf32, #tpu.memory_space<vmem>>
      %dma_wait3A_1923 = tpu.memref_squeeze %dma_wait3A_1922 : memref<1x32x128xf32, #tpu.memory_space<vmem>> -> memref<32x128xf32, #tpu.memory_space<vmem>>
      %dma_wait3A_1924 = arith.constant 0 : i32
      %dma_wait3A_1925 = tpu.memref_slice %arg5[%dma_wait3A_1924, %multiple_of3A_1414] : memref<32x1000000xf32, #tpu.memory_space<hbm>> -> memref<32x128xf32, #tpu.memory_space<hbm>>
      tpu.wait_dma2 semaphore(%arg17 : memref<!tpu.dma_semaphore, #tpu.memory_space<semaphore_mem>>) src(%dma_wait3A_1925 : memref<32x128xf32, #tpu.memory_space<hbm>>) dst(%dma_wait3A_1923 : memref<32x128xf32, #tpu.memory_space<vmem>>)
      %dma_wait3A_1926 = arith.constant 6 : i32
      %dma_wait3A_1927 = arith.constant 0 : i32
      %dma_wait3A_1928 = arith.constant 0 : i32
      %dma_wait3A_1929 = tpu.memref_slice %arg12[%dma_wait3A_1926, %dma_wait3A_1927, %dma_wait3A_1928] : memref<16x32x128xf32, #tpu.memory_space<vmem>> -> memref<1x32x128xf32, #tpu.memory_space<vmem>>
      %dma_wait3A_1930 = tpu.memref_squeeze %dma_wait3A_1929 : memref<1x32x128xf32, #tpu.memory_space<vmem>> -> memref<32x128xf32, #tpu.memory_space<vmem>>
      %dma_wait3A_1931 = arith.constant 0 : i32
      %dma_wait3A_1932 = tpu.memref_slice %arg5[%dma_wait3A_1931, %multiple_of3A_1456] : memref<32x1000000xf32, #tpu.memory_space<hbm>> -> memref<32x128xf32, #tpu.memory_space<hbm>>
      %dma_wait3A_1933 = arith.constant 0 : i32
      %dma_wait3A_1934 = arith.constant 0 : i32
      %dma_wait3A_1935 = tpu.memref_slice %arg12[%dma_wait3A_1926, %dma_wait3A_1933, %dma_wait3A_1934] : memref<16x32x128xf32, #tpu.memory_space<vmem>> -> memref<1x32x128xf32, #tpu.memory_space<vmem>>
      %dma_wait3A_1936 = tpu.memref_squeeze %dma_wait3A_1935 : memref<1x32x128xf32, #tpu.memory_space<vmem>> -> memref<32x128xf32, #tpu.memory_space<vmem>>
      %dma_wait3A_1937 = arith.constant 0 : i32
      %dma_wait3A_1938 = tpu.memref_slice %arg5[%dma_wait3A_1937, %multiple_of3A_1456] : memref<32x1000000xf32, #tpu.memory_space<hbm>> -> memref<32x128xf32, #tpu.memory_space<hbm>>
      tpu.wait_dma2 semaphore(%arg17 : memref<!tpu.dma_semaphore, #tpu.memory_space<semaphore_mem>>) src(%dma_wait3A_1938 : memref<32x128xf32, #tpu.memory_space<hbm>>) dst(%dma_wait3A_1936 : memref<32x128xf32, #tpu.memory_space<vmem>>)
      %dma_wait3A_1939 = arith.constant 7 : i32
      %dma_wait3A_1940 = arith.constant 0 : i32
      %dma_wait3A_1941 = arith.constant 0 : i32
      %dma_wait3A_1942 = tpu.memref_slice %arg12[%dma_wait3A_1939, %dma_wait3A_1940, %dma_wait3A_1941] : memref<16x32x128xf32, #tpu.memory_space<vmem>> -> memref<1x32x128xf32, #tpu.memory_space<vmem>>
      %dma_wait3A_1943 = tpu.memref_squeeze %dma_wait3A_1942 : memref<1x32x128xf32, #tpu.memory_space<vmem>> -> memref<32x128xf32, #tpu.memory_space<vmem>>
      %dma_wait3A_1944 = arith.constant 0 : i32
      %dma_wait3A_1945 = tpu.memref_slice %arg5[%dma_wait3A_1944, %multiple_of3A_1498] : memref<32x1000000xf32, #tpu.memory_space<hbm>> -> memref<32x128xf32, #tpu.memory_space<hbm>>
      %dma_wait3A_1946 = arith.constant 0 : i32
      %dma_wait3A_1947 = arith.constant 0 : i32
      %dma_wait3A_1948 = tpu.memref_slice %arg12[%dma_wait3A_1939, %dma_wait3A_1946, %dma_wait3A_1947] : memref<16x32x128xf32, #tpu.memory_space<vmem>> -> memref<1x32x128xf32, #tpu.memory_space<vmem>>
      %dma_wait3A_1949 = tpu.memref_squeeze %dma_wait3A_1948 : memref<1x32x128xf32, #tpu.memory_space<vmem>> -> memref<32x128xf32, #tpu.memory_space<vmem>>
      %dma_wait3A_1950 = arith.constant 0 : i32
      %dma_wait3A_1951 = tpu.memref_slice %arg5[%dma_wait3A_1950, %multiple_of3A_1498] : memref<32x1000000xf32, #tpu.memory_space<hbm>> -> memref<32x128xf32, #tpu.memory_space<hbm>>
      tpu.wait_dma2 semaphore(%arg17 : memref<!tpu.dma_semaphore, #tpu.memory_space<semaphore_mem>>) src(%dma_wait3A_1951 : memref<32x128xf32, #tpu.memory_space<hbm>>) dst(%dma_wait3A_1949 : memref<32x128xf32, #tpu.memory_space<vmem>>)
      %dma_wait3A_1952 = arith.constant 8 : i32
      %dma_wait3A_1953 = arith.constant 0 : i32
      %dma_wait3A_1954 = arith.constant 0 : i32
      %dma_wait3A_1955 = tpu.memref_slice %arg12[%dma_wait3A_1952, %dma_wait3A_1953, %dma_wait3A_1954] : memref<16x32x128xf32, #tpu.memory_space<vmem>> -> memref<1x32x128xf32, #tpu.memory_space<vmem>>
      %dma_wait3A_1956 = tpu.memref_squeeze %dma_wait3A_1955 : memref<1x32x128xf32, #tpu.memory_space<vmem>> -> memref<32x128xf32, #tpu.memory_space<vmem>>
      %dma_wait3A_1957 = arith.constant 0 : i32
      %dma_wait3A_1958 = tpu.memref_slice %arg5[%dma_wait3A_1957, %multiple_of3A_1540] : memref<32x1000000xf32, #tpu.memory_space<hbm>> -> memref<32x128xf32, #tpu.memory_space<hbm>>
      %dma_wait3A_1959 = arith.constant 0 : i32
      %dma_wait3A_1960 = arith.constant 0 : i32
      %dma_wait3A_1961 = tpu.memref_slice %arg12[%dma_wait3A_1952, %dma_wait3A_1959, %dma_wait3A_1960] : memref<16x32x128xf32, #tpu.memory_space<vmem>> -> memref<1x32x128xf32, #tpu.memory_space<vmem>>
      %dma_wait3A_1962 = tpu.memref_squeeze %dma_wait3A_1961 : memref<1x32x128xf32, #tpu.memory_space<vmem>> -> memref<32x128xf32, #tpu.memory_space<vmem>>
      %dma_wait3A_1963 = arith.constant 0 : i32
      %dma_wait3A_1964 = tpu.memref_slice %arg5[%dma_wait3A_1963, %multiple_of3A_1540] : memref<32x1000000xf32, #tpu.memory_space<hbm>> -> memref<32x128xf32, #tpu.memory_space<hbm>>
      tpu.wait_dma2 semaphore(%arg17 : memref<!tpu.dma_semaphore, #tpu.memory_space<semaphore_mem>>) src(%dma_wait3A_1964 : memref<32x128xf32, #tpu.memory_space<hbm>>) dst(%dma_wait3A_1962 : memref<32x128xf32, #tpu.memory_space<vmem>>)
      %dma_wait3A_1965 = arith.constant 9 : i32
      %dma_wait3A_1966 = arith.constant 0 : i32
      %dma_wait3A_1967 = arith.constant 0 : i32
      %dma_wait3A_1968 = tpu.memref_slice %arg12[%dma_wait3A_1965, %dma_wait3A_1966, %dma_wait3A_1967] : memref<16x32x128xf32, #tpu.memory_space<vmem>> -> memref<1x32x128xf32, #tpu.memory_space<vmem>>
      %dma_wait3A_1969 = tpu.memref_squeeze %dma_wait3A_1968 : memref<1x32x128xf32, #tpu.memory_space<vmem>> -> memref<32x128xf32, #tpu.memory_space<vmem>>
      %dma_wait3A_1970 = arith.constant 0 : i32
      %dma_wait3A_1971 = tpu.memref_slice %arg5[%dma_wait3A_1970, %multiple_of3A_1582] : memref<32x1000000xf32, #tpu.memory_space<hbm>> -> memref<32x128xf32, #tpu.memory_space<hbm>>
      %dma_wait3A_1972 = arith.constant 0 : i32
      %dma_wait3A_1973 = arith.constant 0 : i32
      %dma_wait3A_1974 = tpu.memref_slice %arg12[%dma_wait3A_1965, %dma_wait3A_1972, %dma_wait3A_1973] : memref<16x32x128xf32, #tpu.memory_space<vmem>> -> memref<1x32x128xf32, #tpu.memory_space<vmem>>
      %dma_wait3A_1975 = tpu.memref_squeeze %dma_wait3A_1974 : memref<1x32x128xf32, #tpu.memory_space<vmem>> -> memref<32x128xf32, #tpu.memory_space<vmem>>
      %dma_wait3A_1976 = arith.constant 0 : i32
      %dma_wait3A_1977 = tpu.memref_slice %arg5[%dma_wait3A_1976, %multiple_of3A_1582] : memref<32x1000000xf32, #tpu.memory_space<hbm>> -> memref<32x128xf32, #tpu.memory_space<hbm>>
      tpu.wait_dma2 semaphore(%arg17 : memref<!tpu.dma_semaphore, #tpu.memory_space<semaphore_mem>>) src(%dma_wait3A_1977 : memref<32x128xf32, #tpu.memory_space<hbm>>) dst(%dma_wait3A_1975 : memref<32x128xf32, #tpu.memory_space<vmem>>)
      %dma_wait3A_1978 = arith.constant 10 : i32
      %dma_wait3A_1979 = arith.constant 0 : i32
      %dma_wait3A_1980 = arith.constant 0 : i32
      %dma_wait3A_1981 = tpu.memref_slice %arg12[%dma_wait3A_1978, %dma_wait3A_1979, %dma_wait3A_1980] : memref<16x32x128xf32, #tpu.memory_space<vmem>> -> memref<1x32x128xf32, #tpu.memory_space<vmem>>
      %dma_wait3A_1982 = tpu.memref_squeeze %dma_wait3A_1981 : memref<1x32x128xf32, #tpu.memory_space<vmem>> -> memref<32x128xf32, #tpu.memory_space<vmem>>
      %dma_wait3A_1983 = arith.constant 0 : i32
      %dma_wait3A_1984 = tpu.memref_slice %arg5[%dma_wait3A_1983, %multiple_of3A_1624] : memref<32x1000000xf32, #tpu.memory_space<hbm>> -> memref<32x128xf32, #tpu.memory_space<hbm>>
      %dma_wait3A_1985 = arith.constant 0 : i32
      %dma_wait3A_1986 = arith.constant 0 : i32
      %dma_wait3A_1987 = tpu.memref_slice %arg12[%dma_wait3A_1978, %dma_wait3A_1985, %dma_wait3A_1986] : memref<16x32x128xf32, #tpu.memory_space<vmem>> -> memref<1x32x128xf32, #tpu.memory_space<vmem>>
      %dma_wait3A_1988 = tpu.memref_squeeze %dma_wait3A_1987 : memref<1x32x128xf32, #tpu.memory_space<vmem>> -> memref<32x128xf32, #tpu.memory_space<vmem>>
      %dma_wait3A_1989 = arith.constant 0 : i32
      %dma_wait3A_1990 = tpu.memref_slice %arg5[%dma_wait3A_1989, %multiple_of3A_1624] : memref<32x1000000xf32, #tpu.memory_space<hbm>> -> memref<32x128xf32, #tpu.memory_space<hbm>>
      tpu.wait_dma2 semaphore(%arg17 : memref<!tpu.dma_semaphore, #tpu.memory_space<semaphore_mem>>) src(%dma_wait3A_1990 : memref<32x128xf32, #tpu.memory_space<hbm>>) dst(%dma_wait3A_1988 : memref<32x128xf32, #tpu.memory_space<vmem>>)
      %dma_wait3A_1991 = arith.constant 11 : i32
      %dma_wait3A_1992 = arith.constant 0 : i32
      %dma_wait3A_1993 = arith.constant 0 : i32
      %dma_wait3A_1994 = tpu.memref_slice %arg12[%dma_wait3A_1991, %dma_wait3A_1992, %dma_wait3A_1993] : memref<16x32x128xf32, #tpu.memory_space<vmem>> -> memref<1x32x128xf32, #tpu.memory_space<vmem>>
      %dma_wait3A_1995 = tpu.memref_squeeze %dma_wait3A_1994 : memref<1x32x128xf32, #tpu.memory_space<vmem>> -> memref<32x128xf32, #tpu.memory_space<vmem>>
      %dma_wait3A_1996 = arith.constant 0 : i32
      %dma_wait3A_1997 = tpu.memref_slice %arg5[%dma_wait3A_1996, %multiple_of3A_1666] : memref<32x1000000xf32, #tpu.memory_space<hbm>> -> memref<32x128xf32, #tpu.memory_space<hbm>>
      %dma_wait3A_1998 = arith.constant 0 : i32
      %dma_wait3A_1999 = arith.constant 0 : i32
      %dma_wait3A_2000 = tpu.memref_slice %arg12[%dma_wait3A_1991, %dma_wait3A_1998, %dma_wait3A_1999] : memref<16x32x128xf32, #tpu.memory_space<vmem>> -> memref<1x32x128xf32, #tpu.memory_space<vmem>>
      %dma_wait3A_2001 = tpu.memref_squeeze %dma_wait3A_2000 : memref<1x32x128xf32, #tpu.memory_space<vmem>> -> memref<32x128xf32, #tpu.memory_space<vmem>>
      %dma_wait3A_2002 = arith.constant 0 : i32
      %dma_wait3A_2003 = tpu.memref_slice %arg5[%dma_wait3A_2002, %multiple_of3A_1666] : memref<32x1000000xf32, #tpu.memory_space<hbm>> -> memref<32x128xf32, #tpu.memory_space<hbm>>
      tpu.wait_dma2 semaphore(%arg17 : memref<!tpu.dma_semaphore, #tpu.memory_space<semaphore_mem>>) src(%dma_wait3A_2003 : memref<32x128xf32, #tpu.memory_space<hbm>>) dst(%dma_wait3A_2001 : memref<32x128xf32, #tpu.memory_space<vmem>>)
      %dma_wait3A_2004 = arith.constant 12 : i32
      %dma_wait3A_2005 = arith.constant 0 : i32
      %dma_wait3A_2006 = arith.constant 0 : i32
      %dma_wait3A_2007 = tpu.memref_slice %arg12[%dma_wait3A_2004, %dma_wait3A_2005, %dma_wait3A_2006] : memref<16x32x128xf32, #tpu.memory_space<vmem>> -> memref<1x32x128xf32, #tpu.memory_space<vmem>>
      %dma_wait3A_2008 = tpu.memref_squeeze %dma_wait3A_2007 : memref<1x32x128xf32, #tpu.memory_space<vmem>> -> memref<32x128xf32, #tpu.memory_space<vmem>>
      %dma_wait3A_2009 = arith.constant 0 : i32
      %dma_wait3A_2010 = tpu.memref_slice %arg5[%dma_wait3A_2009, %multiple_of3A_1708] : memref<32x1000000xf32, #tpu.memory_space<hbm>> -> memref<32x128xf32, #tpu.memory_space<hbm>>
      %dma_wait3A_2011 = arith.constant 0 : i32
      %dma_wait3A_2012 = arith.constant 0 : i32
      %dma_wait3A_2013 = tpu.memref_slice %arg12[%dma_wait3A_2004, %dma_wait3A_2011, %dma_wait3A_2012] : memref<16x32x128xf32, #tpu.memory_space<vmem>> -> memref<1x32x128xf32, #tpu.memory_space<vmem>>
      %dma_wait3A_2014 = tpu.memref_squeeze %dma_wait3A_2013 : memref<1x32x128xf32, #tpu.memory_space<vmem>> -> memref<32x128xf32, #tpu.memory_space<vmem>>
      %dma_wait3A_2015 = arith.constant 0 : i32
      %dma_wait3A_2016 = tpu.memref_slice %arg5[%dma_wait3A_2015, %multiple_of3A_1708] : memref<32x1000000xf32, #tpu.memory_space<hbm>> -> memref<32x128xf32, #tpu.memory_space<hbm>>
      tpu.wait_dma2 semaphore(%arg17 : memref<!tpu.dma_semaphore, #tpu.memory_space<semaphore_mem>>) src(%dma_wait3A_2016 : memref<32x128xf32, #tpu.memory_space<hbm>>) dst(%dma_wait3A_2014 : memref<32x128xf32, #tpu.memory_space<vmem>>)
      %dma_wait3A_2017 = arith.constant 13 : i32
      %dma_wait3A_2018 = arith.constant 0 : i32
      %dma_wait3A_2019 = arith.constant 0 : i32
      %dma_wait3A_2020 = tpu.memref_slice %arg12[%dma_wait3A_2017, %dma_wait3A_2018, %dma_wait3A_2019] : memref<16x32x128xf32, #tpu.memory_space<vmem>> -> memref<1x32x128xf32, #tpu.memory_space<vmem>>
      %dma_wait3A_2021 = tpu.memref_squeeze %dma_wait3A_2020 : memref<1x32x128xf32, #tpu.memory_space<vmem>> -> memref<32x128xf32, #tpu.memory_space<vmem>>
      %dma_wait3A_2022 = arith.constant 0 : i32
      %dma_wait3A_2023 = tpu.memref_slice %arg5[%dma_wait3A_2022, %multiple_of3A_1750] : memref<32x1000000xf32, #tpu.memory_space<hbm>> -> memref<32x128xf32, #tpu.memory_space<hbm>>
      %dma_wait3A_2024 = arith.constant 0 : i32
      %dma_wait3A_2025 = arith.constant 0 : i32
      %dma_wait3A_2026 = tpu.memref_slice %arg12[%dma_wait3A_2017, %dma_wait3A_2024, %dma_wait3A_2025] : memref<16x32x128xf32, #tpu.memory_space<vmem>> -> memref<1x32x128xf32, #tpu.memory_space<vmem>>
      %dma_wait3A_2027 = tpu.memref_squeeze %dma_wait3A_2026 : memref<1x32x128xf32, #tpu.memory_space<vmem>> -> memref<32x128xf32, #tpu.memory_space<vmem>>
      %dma_wait3A_2028 = arith.constant 0 : i32
      %dma_wait3A_2029 = tpu.memref_slice %arg5[%dma_wait3A_2028, %multiple_of3A_1750] : memref<32x1000000xf32, #tpu.memory_space<hbm>> -> memref<32x128xf32, #tpu.memory_space<hbm>>
      tpu.wait_dma2 semaphore(%arg17 : memref<!tpu.dma_semaphore, #tpu.memory_space<semaphore_mem>>) src(%dma_wait3A_2029 : memref<32x128xf32, #tpu.memory_space<hbm>>) dst(%dma_wait3A_2027 : memref<32x128xf32, #tpu.memory_space<vmem>>)
      %dma_wait3A_2030 = arith.constant 14 : i32
      %dma_wait3A_2031 = arith.constant 0 : i32
      %dma_wait3A_2032 = arith.constant 0 : i32
      %dma_wait3A_2033 = tpu.memref_slice %arg12[%dma_wait3A_2030, %dma_wait3A_2031, %dma_wait3A_2032] : memref<16x32x128xf32, #tpu.memory_space<vmem>> -> memref<1x32x128xf32, #tpu.memory_space<vmem>>
      %dma_wait3A_2034 = tpu.memref_squeeze %dma_wait3A_2033 : memref<1x32x128xf32, #tpu.memory_space<vmem>> -> memref<32x128xf32, #tpu.memory_space<vmem>>
      %dma_wait3A_2035 = arith.constant 0 : i32
      %dma_wait3A_2036 = tpu.memref_slice %arg5[%dma_wait3A_2035, %multiple_of3A_1792] : memref<32x1000000xf32, #tpu.memory_space<hbm>> -> memref<32x128xf32, #tpu.memory_space<hbm>>
      %dma_wait3A_2037 = arith.constant 0 : i32
      %dma_wait3A_2038 = arith.constant 0 : i32
      %dma_wait3A_2039 = tpu.memref_slice %arg12[%dma_wait3A_2030, %dma_wait3A_2037, %dma_wait3A_2038] : memref<16x32x128xf32, #tpu.memory_space<vmem>> -> memref<1x32x128xf32, #tpu.memory_space<vmem>>
      %dma_wait3A_2040 = tpu.memref_squeeze %dma_wait3A_2039 : memref<1x32x128xf32, #tpu.memory_space<vmem>> -> memref<32x128xf32, #tpu.memory_space<vmem>>
      %dma_wait3A_2041 = arith.constant 0 : i32
      %dma_wait3A_2042 = tpu.memref_slice %arg5[%dma_wait3A_2041, %multiple_of3A_1792] : memref<32x1000000xf32, #tpu.memory_space<hbm>> -> memref<32x128xf32, #tpu.memory_space<hbm>>
      tpu.wait_dma2 semaphore(%arg17 : memref<!tpu.dma_semaphore, #tpu.memory_space<semaphore_mem>>) src(%dma_wait3A_2042 : memref<32x128xf32, #tpu.memory_space<hbm>>) dst(%dma_wait3A_2040 : memref<32x128xf32, #tpu.memory_space<vmem>>)
      %dma_wait3A_2043 = arith.constant 15 : i32
      %dma_wait3A_2044 = arith.constant 0 : i32
      %dma_wait3A_2045 = arith.constant 0 : i32
      %dma_wait3A_2046 = tpu.memref_slice %arg12[%dma_wait3A_2043, %dma_wait3A_2044, %dma_wait3A_2045] : memref<16x32x128xf32, #tpu.memory_space<vmem>> -> memref<1x32x128xf32, #tpu.memory_space<vmem>>
      %dma_wait3A_2047 = tpu.memref_squeeze %dma_wait3A_2046 : memref<1x32x128xf32, #tpu.memory_space<vmem>> -> memref<32x128xf32, #tpu.memory_space<vmem>>
      %dma_wait3A_2048 = arith.constant 0 : i32
      %dma_wait3A_2049 = tpu.memref_slice %arg5[%dma_wait3A_2048, %multiple_of3A_1834] : memref<32x1000000xf32, #tpu.memory_space<hbm>> -> memref<32x128xf32, #tpu.memory_space<hbm>>
      %dma_wait3A_2050 = arith.constant 0 : i32
      %dma_wait3A_2051 = arith.constant 0 : i32
      %dma_wait3A_2052 = tpu.memref_slice %arg12[%dma_wait3A_2043, %dma_wait3A_2050, %dma_wait3A_2051] : memref<16x32x128xf32, #tpu.memory_space<vmem>> -> memref<1x32x128xf32, #tpu.memory_space<vmem>>
      %dma_wait3A_2053 = tpu.memref_squeeze %dma_wait3A_2052 : memref<1x32x128xf32, #tpu.memory_space<vmem>> -> memref<32x128xf32, #tpu.memory_space<vmem>>
      %dma_wait3A_2054 = arith.constant 0 : i32
      %dma_wait3A_2055 = tpu.memref_slice %arg5[%dma_wait3A_2054, %multiple_of3A_1834] : memref<32x1000000xf32, #tpu.memory_space<hbm>> -> memref<32x128xf32, #tpu.memory_space<hbm>>
      tpu.wait_dma2 semaphore(%arg17 : memref<!tpu.dma_semaphore, #tpu.memory_space<semaphore_mem>>) src(%dma_wait3A_2055 : memref<32x128xf32, #tpu.memory_space<hbm>>) dst(%dma_wait3A_2053 : memref<32x128xf32, #tpu.memory_space<vmem>>)
      %add3A_2056 = arith.addf %get3A_1173, %get3A_1175 : vector<16xf32>
      %add3A_2057 = vector.broadcast %squeeze3A : f32 to vector<16xf32>
      %add3A_2058 = arith.addf %add3A_2056, %add3A_2057 : vector<16xf32>
      %broadcast_in_dim3A_2059 = arith.constant 0 : i32
      %broadcast_in_dim3A_2060 = vector.broadcast %broadcast_in_dim3A_2059 : i32 to vector<16xi32>
      %get3A_2061 = arith.constant 0 : i32
      %get3A_2062 = arith.index_cast %get3A_2061 : i32 to index
      %get3A_2063 = arith.constant 0 : index
      %get3A_2064 = tpu.vector_load %arg13[%get3A_2062, %get3A_2063] {strides = array<i32>} : memref<32x16xf32, #tpu.memory_space<vmem>>, vector<16xf32>,
      %gather3A_2065 = tpu.vector_load_idx %arg12[%iota3A, %broadcast_in_dim3A_2060, %select_n3A_52] : memref<16x32x128xf32, #tpu.memory_space<vmem>>[vector<16xi32>, vector<16xi32>, vector<16xi32>], vector<16xf32>,
      %mul3A_2066 = arith.mulf %get3A_2064, %gather3A_2065 : vector<16xf32>
      %add3A_2067 = arith.addf %add3A_2058, %mul3A_2066 : vector<16xf32>
      %broadcast_in_dim3A_2068 = arith.constant 1 : i32
      %broadcast_in_dim3A_2069 = vector.broadcast %broadcast_in_dim3A_2068 : i32 to vector<16xi32>
      %get3A_2070 = arith.constant 1 : i32
      %get3A_2071 = arith.index_cast %get3A_2070 : i32 to index
      %get3A_2072 = arith.constant 0 : index
      %get3A_2073 = tpu.vector_load %arg13[%get3A_2071, %get3A_2072] {strides = array<i32>} : memref<32x16xf32, #tpu.memory_space<vmem>>, vector<16xf32>,
      %gather3A_2074 = tpu.vector_load_idx %arg12[%iota3A, %broadcast_in_dim3A_2069, %select_n3A_52] : memref<16x32x128xf32, #tpu.memory_space<vmem>>[vector<16xi32>, vector<16xi32>, vector<16xi32>], vector<16xf32>,
      %mul3A_2075 = arith.mulf %get3A_2073, %gather3A_2074 : vector<16xf32>
      %add3A_2076 = arith.addf %add3A_2067, %mul3A_2075 : vector<16xf32>
      %broadcast_in_dim3A_2077 = arith.constant 2 : i32
      %broadcast_in_dim3A_2078 = vector.broadcast %broadcast_in_dim3A_2077 : i32 to vector<16xi32>
      %get3A_2079 = arith.constant 2 : i32
      %get3A_2080 = arith.index_cast %get3A_2079 : i32 to index
      %get3A_2081 = arith.constant 0 : index
      %get3A_2082 = tpu.vector_load %arg13[%get3A_2080, %get3A_2081] {strides = array<i32>} : memref<32x16xf32, #tpu.memory_space<vmem>>, vector<16xf32>,
      %gather3A_2083 = tpu.vector_load_idx %arg12[%iota3A, %broadcast_in_dim3A_2078, %select_n3A_52] : memref<16x32x128xf32, #tpu.memory_space<vmem>>[vector<16xi32>, vector<16xi32>, vector<16xi32>], vector<16xf32>,
      %mul3A_2084 = arith.mulf %get3A_2082, %gather3A_2083 : vector<16xf32>
      %add3A_2085 = arith.addf %add3A_2076, %mul3A_2084 : vector<16xf32>
      %broadcast_in_dim3A_2086 = arith.constant 3 : i32
      %broadcast_in_dim3A_2087 = vector.broadcast %broadcast_in_dim3A_2086 : i32 to vector<16xi32>
      %get3A_2088 = arith.constant 3 : i32
      %get3A_2089 = arith.index_cast %get3A_2088 : i32 to index
      %get3A_2090 = arith.constant 0 : index
      %get3A_2091 = tpu.vector_load %arg13[%get3A_2089, %get3A_2090] {strides = array<i32>} : memref<32x16xf32, #tpu.memory_space<vmem>>, vector<16xf32>,
      %gather3A_2092 = tpu.vector_load_idx %arg12[%iota3A, %broadcast_in_dim3A_2087, %select_n3A_52] : memref<16x32x128xf32, #tpu.memory_space<vmem>>[vector<16xi32>, vector<16xi32>, vector<16xi32>], vector<16xf32>,
      %mul3A_2093 = arith.mulf %get3A_2091, %gather3A_2092 : vector<16xf32>
      %add3A_2094 = arith.addf %add3A_2085, %mul3A_2093 : vector<16xf32>
      %broadcast_in_dim3A_2095 = arith.constant 4 : i32
      %broadcast_in_dim3A_2096 = vector.broadcast %broadcast_in_dim3A_2095 : i32 to vector<16xi32>
      %get3A_2097 = arith.constant 4 : i32
      %get3A_2098 = arith.index_cast %get3A_2097 : i32 to index
      %get3A_2099 = arith.constant 0 : index
      %get3A_2100 = tpu.vector_load %arg13[%get3A_2098, %get3A_2099] {strides = array<i32>} : memref<32x16xf32, #tpu.memory_space<vmem>>, vector<16xf32>,
      %gather3A_2101 = tpu.vector_load_idx %arg12[%iota3A, %broadcast_in_dim3A_2096, %select_n3A_52] : memref<16x32x128xf32, #tpu.memory_space<vmem>>[vector<16xi32>, vector<16xi32>, vector<16xi32>], vector<16xf32>,
      %mul3A_2102 = arith.mulf %get3A_2100, %gather3A_2101 : vector<16xf32>
      %add3A_2103 = arith.addf %add3A_2094, %mul3A_2102 : vector<16xf32>
      %broadcast_in_dim3A_2104 = arith.constant 5 : i32
      %broadcast_in_dim3A_2105 = vector.broadcast %broadcast_in_dim3A_2104 : i32 to vector<16xi32>
      %get3A_2106 = arith.constant 5 : i32
      %get3A_2107 = arith.index_cast %get3A_2106 : i32 to index
      %get3A_2108 = arith.constant 0 : index
      %get3A_2109 = tpu.vector_load %arg13[%get3A_2107, %get3A_2108] {strides = array<i32>} : memref<32x16xf32, #tpu.memory_space<vmem>>, vector<16xf32>,
      %gather3A_2110 = tpu.vector_load_idx %arg12[%iota3A, %broadcast_in_dim3A_2105, %select_n3A_52] : memref<16x32x128xf32, #tpu.memory_space<vmem>>[vector<16xi32>, vector<16xi32>, vector<16xi32>], vector<16xf32>,
      %mul3A_2111 = arith.mulf %get3A_2109, %gather3A_2110 : vector<16xf32>
      %add3A_2112 = arith.addf %add3A_2103, %mul3A_2111 : vector<16xf32>
      %broadcast_in_dim3A_2113 = arith.constant 6 : i32
      %broadcast_in_dim3A_2114 = vector.broadcast %broadcast_in_dim3A_2113 : i32 to vector<16xi32>
      %get3A_2115 = arith.constant 6 : i32
      %get3A_2116 = arith.index_cast %get3A_2115 : i32 to index
      %get3A_2117 = arith.constant 0 : index
      %get3A_2118 = tpu.vector_load %arg13[%get3A_2116, %get3A_2117] {strides = array<i32>} : memref<32x16xf32, #tpu.memory_space<vmem>>, vector<16xf32>,
      %gather3A_2119 = tpu.vector_load_idx %arg12[%iota3A, %broadcast_in_dim3A_2114, %select_n3A_52] : memref<16x32x128xf32, #tpu.memory_space<vmem>>[vector<16xi32>, vector<16xi32>, vector<16xi32>], vector<16xf32>,
      %mul3A_2120 = arith.mulf %get3A_2118, %gather3A_2119 : vector<16xf32>
      %add3A_2121 = arith.addf %add3A_2112, %mul3A_2120 : vector<16xf32>
      %broadcast_in_dim3A_2122 = arith.constant 7 : i32
      %broadcast_in_dim3A_2123 = vector.broadcast %broadcast_in_dim3A_2122 : i32 to vector<16xi32>
      %get3A_2124 = arith.constant 7 : i32
      %get3A_2125 = arith.index_cast %get3A_2124 : i32 to index
      %get3A_2126 = arith.constant 0 : index
      %get3A_2127 = tpu.vector_load %arg13[%get3A_2125, %get3A_2126] {strides = array<i32>} : memref<32x16xf32, #tpu.memory_space<vmem>>, vector<16xf32>,
      %gather3A_2128 = tpu.vector_load_idx %arg12[%iota3A, %broadcast_in_dim3A_2123, %select_n3A_52] : memref<16x32x128xf32, #tpu.memory_space<vmem>>[vector<16xi32>, vector<16xi32>, vector<16xi32>], vector<16xf32>,
      %mul3A_2129 = arith.mulf %get3A_2127, %gather3A_2128 : vector<16xf32>
      %add3A_2130 = arith.addf %add3A_2121, %mul3A_2129 : vector<16xf32>
      %broadcast_in_dim3A_2131 = arith.constant 8 : i32
      %broadcast_in_dim3A_2132 = vector.broadcast %broadcast_in_dim3A_2131 : i32 to vector<16xi32>
      %get3A_2133 = arith.constant 8 : i32
      %get3A_2134 = arith.index_cast %get3A_2133 : i32 to index
      %get3A_2135 = arith.constant 0 : index
      %get3A_2136 = tpu.vector_load %arg13[%get3A_2134, %get3A_2135] {strides = array<i32>} : memref<32x16xf32, #tpu.memory_space<vmem>>, vector<16xf32>,
      %gather3A_2137 = tpu.vector_load_idx %arg12[%iota3A, %broadcast_in_dim3A_2132, %select_n3A_52] : memref<16x32x128xf32, #tpu.memory_space<vmem>>[vector<16xi32>, vector<16xi32>, vector<16xi32>], vector<16xf32>,
      %mul3A_2138 = arith.mulf %get3A_2136, %gather3A_2137 : vector<16xf32>
      %add3A_2139 = arith.addf %add3A_2130, %mul3A_2138 : vector<16xf32>
      %broadcast_in_dim3A_2140 = arith.constant 9 : i32
      %broadcast_in_dim3A_2141 = vector.broadcast %broadcast_in_dim3A_2140 : i32 to vector<16xi32>
      %get3A_2142 = arith.constant 9 : i32
      %get3A_2143 = arith.index_cast %get3A_2142 : i32 to index
      %get3A_2144 = arith.constant 0 : index
      %get3A_2145 = tpu.vector_load %arg13[%get3A_2143, %get3A_2144] {strides = array<i32>} : memref<32x16xf32, #tpu.memory_space<vmem>>, vector<16xf32>,
      %gather3A_2146 = tpu.vector_load_idx %arg12[%iota3A, %broadcast_in_dim3A_2141, %select_n3A_52] : memref<16x32x128xf32, #tpu.memory_space<vmem>>[vector<16xi32>, vector<16xi32>, vector<16xi32>], vector<16xf32>,
      %mul3A_2147 = arith.mulf %get3A_2145, %gather3A_2146 : vector<16xf32>
      %add3A_2148 = arith.addf %add3A_2139, %mul3A_2147 : vector<16xf32>
      %broadcast_in_dim3A_2149 = arith.constant 10 : i32
      %broadcast_in_dim3A_2150 = vector.broadcast %broadcast_in_dim3A_2149 : i32 to vector<16xi32>
      %get3A_2151 = arith.constant 10 : i32
      %get3A_2152 = arith.index_cast %get3A_2151 : i32 to index
      %get3A_2153 = arith.constant 0 : index
      %get3A_2154 = tpu.vector_load %arg13[%get3A_2152, %get3A_2153] {strides = array<i32>} : memref<32x16xf32, #tpu.memory_space<vmem>>, vector<16xf32>,
      %gather3A_2155 = tpu.vector_load_idx %arg12[%iota3A, %broadcast_in_dim3A_2150, %select_n3A_52] : memref<16x32x128xf32, #tpu.memory_space<vmem>>[vector<16xi32>, vector<16xi32>, vector<16xi32>], vector<16xf32>,
      %mul3A_2156 = arith.mulf %get3A_2154, %gather3A_2155 : vector<16xf32>
      %add3A_2157 = arith.addf %add3A_2148, %mul3A_2156 : vector<16xf32>
      %broadcast_in_dim3A_2158 = arith.constant 11 : i32
      %broadcast_in_dim3A_2159 = vector.broadcast %broadcast_in_dim3A_2158 : i32 to vector<16xi32>
      %get3A_2160 = arith.constant 11 : i32
      %get3A_2161 = arith.index_cast %get3A_2160 : i32 to index
      %get3A_2162 = arith.constant 0 : index
      %get3A_2163 = tpu.vector_load %arg13[%get3A_2161, %get3A_2162] {strides = array<i32>} : memref<32x16xf32, #tpu.memory_space<vmem>>, vector<16xf32>,
      %gather3A_2164 = tpu.vector_load_idx %arg12[%iota3A, %broadcast_in_dim3A_2159, %select_n3A_52] : memref<16x32x128xf32, #tpu.memory_space<vmem>>[vector<16xi32>, vector<16xi32>, vector<16xi32>], vector<16xf32>,
      %mul3A_2165 = arith.mulf %get3A_2163, %gather3A_2164 : vector<16xf32>
      %add3A_2166 = arith.addf %add3A_2157, %mul3A_2165 : vector<16xf32>
      %broadcast_in_dim3A_2167 = arith.constant 12 : i32
      %broadcast_in_dim3A_2168 = vector.broadcast %broadcast_in_dim3A_2167 : i32 to vector<16xi32>
      %get3A_2169 = arith.constant 12 : i32
      %get3A_2170 = arith.index_cast %get3A_2169 : i32 to index
      %get3A_2171 = arith.constant 0 : index
      %get3A_2172 = tpu.vector_load %arg13[%get3A_2170, %get3A_2171] {strides = array<i32>} : memref<32x16xf32, #tpu.memory_space<vmem>>, vector<16xf32>,
      %gather3A_2173 = tpu.vector_load_idx %arg12[%iota3A, %broadcast_in_dim3A_2168, %select_n3A_52] : memref<16x32x128xf32, #tpu.memory_space<vmem>>[vector<16xi32>, vector<16xi32>, vector<16xi32>], vector<16xf32>,
      %mul3A_2174 = arith.mulf %get3A_2172, %gather3A_2173 : vector<16xf32>
      %add3A_2175 = arith.addf %add3A_2166, %mul3A_2174 : vector<16xf32>
      %broadcast_in_dim3A_2176 = arith.constant 13 : i32
      %broadcast_in_dim3A_2177 = vector.broadcast %broadcast_in_dim3A_2176 : i32 to vector<16xi32>
      %get3A_2178 = arith.constant 13 : i32
      %get3A_2179 = arith.index_cast %get3A_2178 : i32 to index
      %get3A_2180 = arith.constant 0 : index
      %get3A_2181 = tpu.vector_load %arg13[%get3A_2179, %get3A_2180] {strides = array<i32>} : memref<32x16xf32, #tpu.memory_space<vmem>>, vector<16xf32>,
      %gather3A_2182 = tpu.vector_load_idx %arg12[%iota3A, %broadcast_in_dim3A_2177, %select_n3A_52] : memref<16x32x128xf32, #tpu.memory_space<vmem>>[vector<16xi32>, vector<16xi32>, vector<16xi32>], vector<16xf32>,
      %mul3A_2183 = arith.mulf %get3A_2181, %gather3A_2182 : vector<16xf32>
      %add3A_2184 = arith.addf %add3A_2175, %mul3A_2183 : vector<16xf32>
      %broadcast_in_dim3A_2185 = arith.constant 14 : i32
      %broadcast_in_dim3A_2186 = vector.broadcast %broadcast_in_dim3A_2185 : i32 to vector<16xi32>
      %get3A_2187 = arith.constant 14 : i32
      %get3A_2188 = arith.index_cast %get3A_2187 : i32 to index
      %get3A_2189 = arith.constant 0 : index
      %get3A_2190 = tpu.vector_load %arg13[%get3A_2188, %get3A_2189] {strides = array<i32>} : memref<32x16xf32, #tpu.memory_space<vmem>>, vector<16xf32>,
      %gather3A_2191 = tpu.vector_load_idx %arg12[%iota3A, %broadcast_in_dim3A_2186, %select_n3A_52] : memref<16x32x128xf32, #tpu.memory_space<vmem>>[vector<16xi32>, vector<16xi32>, vector<16xi32>], vector<16xf32>,
      %mul3A_2192 = arith.mulf %get3A_2190, %gather3A_2191 : vector<16xf32>
      %add3A_2193 = arith.addf %add3A_2184, %mul3A_2192 : vector<16xf32>
      %broadcast_in_dim3A_2194 = arith.constant 15 : i32
      %broadcast_in_dim3A_2195 = vector.broadcast %broadcast_in_dim3A_2194 : i32 to vector<16xi32>
      %get3A_2196 = arith.constant 15 : i32
      %get3A_2197 = arith.index_cast %get3A_2196 : i32 to index
      %get3A_2198 = arith.constant 0 : index
      %get3A_2199 = tpu.vector_load %arg13[%get3A_2197, %get3A_2198] {strides = array<i32>} : memref<32x16xf32, #tpu.memory_space<vmem>>, vector<16xf32>,
      %gather3A_2200 = tpu.vector_load_idx %arg12[%iota3A, %broadcast_in_dim3A_2195, %select_n3A_52] : memref<16x32x128xf32, #tpu.memory_space<vmem>>[vector<16xi32>, vector<16xi32>, vector<16xi32>], vector<16xf32>,
      %mul3A_2201 = arith.mulf %get3A_2199, %gather3A_2200 : vector<16xf32>
      %add3A_2202 = arith.addf %add3A_2193, %mul3A_2201 : vector<16xf32>
      %broadcast_in_dim3A_2203 = arith.constant 16 : i32
      %broadcast_in_dim3A_2204 = vector.broadcast %broadcast_in_dim3A_2203 : i32 to vector<16xi32>
      %get3A_2205 = arith.constant 16 : i32
      %get3A_2206 = arith.index_cast %get3A_2205 : i32 to index
      %get3A_2207 = arith.constant 0 : index
      %get3A_2208 = tpu.vector_load %arg13[%get3A_2206, %get3A_2207] {strides = array<i32>} : memref<32x16xf32, #tpu.memory_space<vmem>>, vector<16xf32>,
      %gather3A_2209 = tpu.vector_load_idx %arg12[%iota3A, %broadcast_in_dim3A_2204, %select_n3A_52] : memref<16x32x128xf32, #tpu.memory_space<vmem>>[vector<16xi32>, vector<16xi32>, vector<16xi32>], vector<16xf32>,
      %mul3A_2210 = arith.mulf %get3A_2208, %gather3A_2209 : vector<16xf32>
      %add3A_2211 = arith.addf %add3A_2202, %mul3A_2210 : vector<16xf32>
      %broadcast_in_dim3A_2212 = arith.constant 17 : i32
      %broadcast_in_dim3A_2213 = vector.broadcast %broadcast_in_dim3A_2212 : i32 to vector<16xi32>
      %get3A_2214 = arith.constant 17 : i32
      %get3A_2215 = arith.index_cast %get3A_2214 : i32 to index
      %get3A_2216 = arith.constant 0 : index
      %get3A_2217 = tpu.vector_load %arg13[%get3A_2215, %get3A_2216] {strides = array<i32>} : memref<32x16xf32, #tpu.memory_space<vmem>>, vector<16xf32>,
      %gather3A_2218 = tpu.vector_load_idx %arg12[%iota3A, %broadcast_in_dim3A_2213, %select_n3A_52] : memref<16x32x128xf32, #tpu.memory_space<vmem>>[vector<16xi32>, vector<16xi32>, vector<16xi32>], vector<16xf32>,
      %mul3A_2219 = arith.mulf %get3A_2217, %gather3A_2218 : vector<16xf32>
      %add3A_2220 = arith.addf %add3A_2211, %mul3A_2219 : vector<16xf32>
      %broadcast_in_dim3A_2221 = arith.constant 18 : i32
      %broadcast_in_dim3A_2222 = vector.broadcast %broadcast_in_dim3A_2221 : i32 to vector<16xi32>
      %get3A_2223 = arith.constant 18 : i32
      %get3A_2224 = arith.index_cast %get3A_2223 : i32 to index
      %get3A_2225 = arith.constant 0 : index
      %get3A_2226 = tpu.vector_load %arg13[%get3A_2224, %get3A_2225] {strides = array<i32>} : memref<32x16xf32, #tpu.memory_space<vmem>>, vector<16xf32>,
      %gather3A_2227 = tpu.vector_load_idx %arg12[%iota3A, %broadcast_in_dim3A_2222, %select_n3A_52] : memref<16x32x128xf32, #tpu.memory_space<vmem>>[vector<16xi32>, vector<16xi32>, vector<16xi32>], vector<16xf32>,
      %mul3A_2228 = arith.mulf %get3A_2226, %gather3A_2227 : vector<16xf32>
      %add3A_2229 = arith.addf %add3A_2220, %mul3A_2228 : vector<16xf32>
      %broadcast_in_dim3A_2230 = arith.constant 19 : i32
      %broadcast_in_dim3A_2231 = vector.broadcast %broadcast_in_dim3A_2230 : i32 to vector<16xi32>
      %get3A_2232 = arith.constant 19 : i32
      %get3A_2233 = arith.index_cast %get3A_2232 : i32 to index
      %get3A_2234 = arith.constant 0 : index
      %get3A_2235 = tpu.vector_load %arg13[%get3A_2233, %get3A_2234] {strides = array<i32>} : memref<32x16xf32, #tpu.memory_space<vmem>>, vector<16xf32>,
      %gather3A_2236 = tpu.vector_load_idx %arg12[%iota3A, %broadcast_in_dim3A_2231, %select_n3A_52] : memref<16x32x128xf32, #tpu.memory_space<vmem>>[vector<16xi32>, vector<16xi32>, vector<16xi32>], vector<16xf32>,
      %mul3A_2237 = arith.mulf %get3A_2235, %gather3A_2236 : vector<16xf32>
      %add3A_2238 = arith.addf %add3A_2229, %mul3A_2237 : vector<16xf32>
      %broadcast_in_dim3A_2239 = arith.constant 20 : i32
      %broadcast_in_dim3A_2240 = vector.broadcast %broadcast_in_dim3A_2239 : i32 to vector<16xi32>
      %get3A_2241 = arith.constant 20 : i32
      %get3A_2242 = arith.index_cast %get3A_2241 : i32 to index
      %get3A_2243 = arith.constant 0 : index
      %get3A_2244 = tpu.vector_load %arg13[%get3A_2242, %get3A_2243] {strides = array<i32>} : memref<32x16xf32, #tpu.memory_space<vmem>>, vector<16xf32>,
      %gather3A_2245 = tpu.vector_load_idx %arg12[%iota3A, %broadcast_in_dim3A_2240, %select_n3A_52] : memref<16x32x128xf32, #tpu.memory_space<vmem>>[vector<16xi32>, vector<16xi32>, vector<16xi32>], vector<16xf32>,
      %mul3A_2246 = arith.mulf %get3A_2244, %gather3A_2245 : vector<16xf32>
      %add3A_2247 = arith.addf %add3A_2238, %mul3A_2246 : vector<16xf32>
      %broadcast_in_dim3A_2248 = arith.constant 21 : i32
      %broadcast_in_dim3A_2249 = vector.broadcast %broadcast_in_dim3A_2248 : i32 to vector<16xi32>
      %get3A_2250 = arith.constant 21 : i32
      %get3A_2251 = arith.index_cast %get3A_2250 : i32 to index
      %get3A_2252 = arith.constant 0 : index
      %get3A_2253 = tpu.vector_load %arg13[%get3A_2251, %get3A_2252] {strides = array<i32>} : memref<32x16xf32, #tpu.memory_space<vmem>>, vector<16xf32>,
      %gather3A_2254 = tpu.vector_load_idx %arg12[%iota3A, %broadcast_in_dim3A_2249, %select_n3A_52] : memref<16x32x128xf32, #tpu.memory_space<vmem>>[vector<16xi32>, vector<16xi32>, vector<16xi32>], vector<16xf32>,
      %mul3A_2255 = arith.mulf %get3A_2253, %gather3A_2254 : vector<16xf32>
      %add3A_2256 = arith.addf %add3A_2247, %mul3A_2255 : vector<16xf32>
      %broadcast_in_dim3A_2257 = arith.constant 22 : i32
      %broadcast_in_dim3A_2258 = vector.broadcast %broadcast_in_dim3A_2257 : i32 to vector<16xi32>
      %get3A_2259 = arith.constant 22 : i32
      %get3A_2260 = arith.index_cast %get3A_2259 : i32 to index
      %get3A_2261 = arith.constant 0 : index
      %get3A_2262 = tpu.vector_load %arg13[%get3A_2260, %get3A_2261] {strides = array<i32>} : memref<32x16xf32, #tpu.memory_space<vmem>>, vector<16xf32>,
      %gather3A_2263 = tpu.vector_load_idx %arg12[%iota3A, %broadcast_in_dim3A_2258, %select_n3A_52] : memref<16x32x128xf32, #tpu.memory_space<vmem>>[vector<16xi32>, vector<16xi32>, vector<16xi32>], vector<16xf32>,
      %mul3A_2264 = arith.mulf %get3A_2262, %gather3A_2263 : vector<16xf32>
      %add3A_2265 = arith.addf %add3A_2256, %mul3A_2264 : vector<16xf32>
      %broadcast_in_dim3A_2266 = arith.constant 23 : i32
      %broadcast_in_dim3A_2267 = vector.broadcast %broadcast_in_dim3A_2266 : i32 to vector<16xi32>
      %get3A_2268 = arith.constant 23 : i32
      %get3A_2269 = arith.index_cast %get3A_2268 : i32 to index
      %get3A_2270 = arith.constant 0 : index
      %get3A_2271 = tpu.vector_load %arg13[%get3A_2269, %get3A_2270] {strides = array<i32>} : memref<32x16xf32, #tpu.memory_space<vmem>>, vector<16xf32>,
      %gather3A_2272 = tpu.vector_load_idx %arg12[%iota3A, %broadcast_in_dim3A_2267, %select_n3A_52] : memref<16x32x128xf32, #tpu.memory_space<vmem>>[vector<16xi32>, vector<16xi32>, vector<16xi32>], vector<16xf32>,
      %mul3A_2273 = arith.mulf %get3A_2271, %gather3A_2272 : vector<16xf32>
      %add3A_2274 = arith.addf %add3A_2265, %mul3A_2273 : vector<16xf32>
      %broadcast_in_dim3A_2275 = arith.constant 24 : i32
      %broadcast_in_dim3A_2276 = vector.broadcast %broadcast_in_dim3A_2275 : i32 to vector<16xi32>
      %get3A_2277 = arith.constant 24 : i32
      %get3A_2278 = arith.index_cast %get3A_2277 : i32 to index
      %get3A_2279 = arith.constant 0 : index
      %get3A_2280 = tpu.vector_load %arg13[%get3A_2278, %get3A_2279] {strides = array<i32>} : memref<32x16xf32, #tpu.memory_space<vmem>>, vector<16xf32>,
      %gather3A_2281 = tpu.vector_load_idx %arg12[%iota3A, %broadcast_in_dim3A_2276, %select_n3A_52] : memref<16x32x128xf32, #tpu.memory_space<vmem>>[vector<16xi32>, vector<16xi32>, vector<16xi32>], vector<16xf32>,
      %mul3A_2282 = arith.mulf %get3A_2280, %gather3A_2281 : vector<16xf32>
      %add3A_2283 = arith.addf %add3A_2274, %mul3A_2282 : vector<16xf32>
      %broadcast_in_dim3A_2284 = arith.constant 25 : i32
      %broadcast_in_dim3A_2285 = vector.broadcast %broadcast_in_dim3A_2284 : i32 to vector<16xi32>
      %get3A_2286 = arith.constant 25 : i32
      %get3A_2287 = arith.index_cast %get3A_2286 : i32 to index
      %get3A_2288 = arith.constant 0 : index
      %get3A_2289 = tpu.vector_load %arg13[%get3A_2287, %get3A_2288] {strides = array<i32>} : memref<32x16xf32, #tpu.memory_space<vmem>>, vector<16xf32>,
      %gather3A_2290 = tpu.vector_load_idx %arg12[%iota3A, %broadcast_in_dim3A_2285, %select_n3A_52] : memref<16x32x128xf32, #tpu.memory_space<vmem>>[vector<16xi32>, vector<16xi32>, vector<16xi32>], vector<16xf32>,
      %mul3A_2291 = arith.mulf %get3A_2289, %gather3A_2290 : vector<16xf32>
      %add3A_2292 = arith.addf %add3A_2283, %mul3A_2291 : vector<16xf32>
      %broadcast_in_dim3A_2293 = arith.constant 26 : i32
      %broadcast_in_dim3A_2294 = vector.broadcast %broadcast_in_dim3A_2293 : i32 to vector<16xi32>
      %get3A_2295 = arith.constant 26 : i32
      %get3A_2296 = arith.index_cast %get3A_2295 : i32 to index
      %get3A_2297 = arith.constant 0 : index
      %get3A_2298 = tpu.vector_load %arg13[%get3A_2296, %get3A_2297] {strides = array<i32>} : memref<32x16xf32, #tpu.memory_space<vmem>>, vector<16xf32>,
      %gather3A_2299 = tpu.vector_load_idx %arg12[%iota3A, %broadcast_in_dim3A_2294, %select_n3A_52] : memref<16x32x128xf32, #tpu.memory_space<vmem>>[vector<16xi32>, vector<16xi32>, vector<16xi32>], vector<16xf32>,
      %mul3A_2300 = arith.mulf %get3A_2298, %gather3A_2299 : vector<16xf32>
      %add3A_2301 = arith.addf %add3A_2292, %mul3A_2300 : vector<16xf32>
      %broadcast_in_dim3A_2302 = arith.constant 27 : i32
      %broadcast_in_dim3A_2303 = vector.broadcast %broadcast_in_dim3A_2302 : i32 to vector<16xi32>
      %get3A_2304 = arith.constant 27 : i32
      %get3A_2305 = arith.index_cast %get3A_2304 : i32 to index
      %get3A_2306 = arith.constant 0 : index
      %get3A_2307 = tpu.vector_load %arg13[%get3A_2305, %get3A_2306] {strides = array<i32>} : memref<32x16xf32, #tpu.memory_space<vmem>>, vector<16xf32>,
      %gather3A_2308 = tpu.vector_load_idx %arg12[%iota3A, %broadcast_in_dim3A_2303, %select_n3A_52] : memref<16x32x128xf32, #tpu.memory_space<vmem>>[vector<16xi32>, vector<16xi32>, vector<16xi32>], vector<16xf32>,
      %mul3A_2309 = arith.mulf %get3A_2307, %gather3A_2308 : vector<16xf32>
      %add3A_2310 = arith.addf %add3A_2301, %mul3A_2309 : vector<16xf32>
      %broadcast_in_dim3A_2311 = arith.constant 28 : i32
      %broadcast_in_dim3A_2312 = vector.broadcast %broadcast_in_dim3A_2311 : i32 to vector<16xi32>
      %get3A_2313 = arith.constant 28 : i32
      %get3A_2314 = arith.index_cast %get3A_2313 : i32 to index
      %get3A_2315 = arith.constant 0 : index
      %get3A_2316 = tpu.vector_load %arg13[%get3A_2314, %get3A_2315] {strides = array<i32>} : memref<32x16xf32, #tpu.memory_space<vmem>>, vector<16xf32>,
      %gather3A_2317 = tpu.vector_load_idx %arg12[%iota3A, %broadcast_in_dim3A_2312, %select_n3A_52] : memref<16x32x128xf32, #tpu.memory_space<vmem>>[vector<16xi32>, vector<16xi32>, vector<16xi32>], vector<16xf32>,
      %mul3A_2318 = arith.mulf %get3A_2316, %gather3A_2317 : vector<16xf32>
      %add3A_2319 = arith.addf %add3A_2310, %mul3A_2318 : vector<16xf32>
      %broadcast_in_dim3A_2320 = arith.constant 29 : i32
      %broadcast_in_dim3A_2321 = vector.broadcast %broadcast_in_dim3A_2320 : i32 to vector<16xi32>
      %get3A_2322 = arith.constant 29 : i32
      %get3A_2323 = arith.index_cast %get3A_2322 : i32 to index
      %get3A_2324 = arith.constant 0 : index
      %get3A_2325 = tpu.vector_load %arg13[%get3A_2323, %get3A_2324] {strides = array<i32>} : memref<32x16xf32, #tpu.memory_space<vmem>>, vector<16xf32>,
      %gather3A_2326 = tpu.vector_load_idx %arg12[%iota3A, %broadcast_in_dim3A_2321, %select_n3A_52] : memref<16x32x128xf32, #tpu.memory_space<vmem>>[vector<16xi32>, vector<16xi32>, vector<16xi32>], vector<16xf32>,
      %mul3A_2327 = arith.mulf %get3A_2325, %gather3A_2326 : vector<16xf32>
      %add3A_2328 = arith.addf %add3A_2319, %mul3A_2327 : vector<16xf32>
      %broadcast_in_dim3A_2329 = arith.constant 30 : i32
      %broadcast_in_dim3A_2330 = vector.broadcast %broadcast_in_dim3A_2329 : i32 to vector<16xi32>
      %get3A_2331 = arith.constant 30 : i32
      %get3A_2332 = arith.index_cast %get3A_2331 : i32 to index
      %get3A_2333 = arith.constant 0 : index
      %get3A_2334 = tpu.vector_load %arg13[%get3A_2332, %get3A_2333] {strides = array<i32>} : memref<32x16xf32, #tpu.memory_space<vmem>>, vector<16xf32>,
      %gather3A_2335 = tpu.vector_load_idx %arg12[%iota3A, %broadcast_in_dim3A_2330, %select_n3A_52] : memref<16x32x128xf32, #tpu.memory_space<vmem>>[vector<16xi32>, vector<16xi32>, vector<16xi32>], vector<16xf32>,
      %mul3A_2336 = arith.mulf %get3A_2334, %gather3A_2335 : vector<16xf32>
      %add3A_2337 = arith.addf %add3A_2328, %mul3A_2336 : vector<16xf32>
      %broadcast_in_dim3A_2338 = arith.constant 31 : i32
      %broadcast_in_dim3A_2339 = vector.broadcast %broadcast_in_dim3A_2338 : i32 to vector<16xi32>
      %get3A_2340 = arith.constant 31 : i32
      %get3A_2341 = arith.index_cast %get3A_2340 : i32 to index
      %get3A_2342 = arith.constant 0 : index
      %get3A_2343 = tpu.vector_load %arg13[%get3A_2341, %get3A_2342] {strides = array<i32>} : memref<32x16xf32, #tpu.memory_space<vmem>>, vector<16xf32>,
      %gather3A_2344 = tpu.vector_load_idx %arg12[%iota3A, %broadcast_in_dim3A_2339, %select_n3A_52] : memref<16x32x128xf32, #tpu.memory_space<vmem>>[vector<16xi32>, vector<16xi32>, vector<16xi32>], vector<16xf32>,
      %mul3A_2345 = arith.mulf %get3A_2343, %gather3A_2344 : vector<16xf32>
      %add3A_2346 = arith.addf %add3A_2337, %mul3A_2345 : vector<16xf32>
      %neg3A = arith.constant 0.000000e+00 : f32
      %neg3A_2347 = vector.broadcast %neg3A : f32 to vector<16xf32>
      %neg3A_2348 = arith.subf %neg3A_2347, %add3A_2346 : vector<16xf32>
      %exp3A = math.exp %neg3A_2348 : vector<16xf32>
      %add3A_2349 = arith.constant 1.000000e+00 : f32
      %add3A_2350 = vector.broadcast %add3A_2349 : f32 to vector<16xf32>
      %add3A_2351 = arith.addf %add3A_2350, %exp3A : vector<16xf32>
      %div3A_2352 = arith.constant 5.500000e+00 : f32
      %div3A_2353 = vector.broadcast %div3A_2352 : f32 to vector<16xf32>
      %div3A_2354 = arith.divf %div3A_2353, %add3A_2351 : vector<16xf32>
      %swap3A_2355 = arith.index_cast %mul3A_11 : i32 to index
      %swap3A_2356 = tpu.vector_load %arg15[%swap3A_2355] {strides = array<i32>} : memref<512xf32, #tpu.memory_space<vmem>>, vector<16xf32>,
      tpu.vector_store %arg15[%swap3A_2355], %div3A_2354 {strides = array<i32>} : memref<512xf32, #tpu.memory_space<vmem>>, vector<16xf32>,
    }
    %scan3A_8 = arith.constant 32 : i32
    "tpu.region"() ({
      %run_scoped3A = tpu.sem_alloc : memref<!tpu.dma_semaphore, #tpu.memory_space<semaphore_mem>>
      %dma_start3A = tpu.memref_slice %arg9[%mul3A_2] : memref<16384xf32, #tpu.memory_space<hbm>> -> memref<512xf32, #tpu.memory_space<hbm>>
      %dma_start3A_9 = tpu.memref_slice %arg9[%mul3A_2] : memref<16384xf32, #tpu.memory_space<hbm>> -> memref<512xf32, #tpu.memory_space<hbm>>
      tpu.enqueue_dma source(%arg15 : memref<512xf32, #tpu.memory_space<vmem>>) target(%dma_start3A_9 : memref<512xf32, #tpu.memory_space<hbm>>) target_semaphore(%run_scoped3A : memref<!tpu.dma_semaphore, #tpu.memory_space<semaphore_mem>>)
      %dma_wait3A = tpu.memref_slice %arg9[%mul3A_2] : memref<16384xf32, #tpu.memory_space<hbm>> -> memref<512xf32, #tpu.memory_space<hbm>>
      %dma_wait3A_10 = tpu.memref_slice %arg9[%mul3A_2] : memref<16384xf32, #tpu.memory_space<hbm>> -> memref<512xf32, #tpu.memory_space<hbm>>
      tpu.wait_dma2 semaphore(%run_scoped3A : memref<!tpu.dma_semaphore, #tpu.memory_space<semaphore_mem>>) src(%arg15 : memref<512xf32, #tpu.memory_space<vmem>>) dst(%dma_wait3A_10 : memref<512xf32, #tpu.memory_space<hbm>>)
      tpu.yield
    }) : () -> ()
    return
  }
}

</mosaic_0001>

<sc_bundles>
// kernel: kernel.3.cloned.1.call-start
scs
__scs_entry_jumppad:
0x0: {  	(pc) =	sbr.rel $0x88, $3  }
0x1: {  	(tag) =	ssettag $0x0;
	lr =	simm.s32 $0x1  }
0x2: {  	[smem:$0x3F9A] =	sst lr;
	_ =	strace $0xD0000000  }
0x3: {  	_ = 	snop  }
0x4: {  	_ = 	snop  }
0x5: {  	_ = 	snop  }
0x6: {  	_ = 	snop  }
0x7: {  	_ = 	snop  }
__scs_overlays_trampoline_lowered:
0x8: {  	[smem:$0x3FA9] =	sst s0  }
0x9: {  	[smem:$0x3FAA] =	sst s1  }
0xa: {  	[smem:$0x3FAB] =	sst s2  }
0xb: {  	[smem:$0x3FAC] =	sst s3  }
0xc: {  	[smem:$0x3FAD] =	sst s4  }
0xd: {  	[smem:$0x3FAE] =	sst s5  }
0xe: {  	[smem:$0x3FAF] =	sst s6  }
0xf: {  	[smem:$0x3FB0] =	sst s7  }
0x10: {  	[smem:$0x3FB1] =	sst s8  }
0x11: {  	[smem:$0x3FB2] =	sst s9;
	s0 =	simm.s32 @!p0 $0x0  }
0x12: {  	s1 =	sld [smem:$0x3F98];
	s0 =	simm.s32 @p0 $0x1  }
0x13: {  	[smem:$0x3FB3] =	sst s0;
	s0 =	simm.s32 @!p1 $0x0  }
0x14: {  	s2 =	sld [smem:$0x3F97];
	s0 =	simm.s32 @p1 $0x1  }
0x15: {  	[smem:$0x3FB4] =	sst s0;
	s0 =	simm.s32 @!p2 $0x0  }
0x16: {  	s3 =	sld [smem:$0x3FDB];
	s0 =	simm.s32 @p2 $0x1  }
0x17: {  	s4 =	simm.s32 $0x1BF5;
	[smem:$0x3FB6] =	sst s0  }
0x18: {  	s0 =	sld [smem:$0x3F99];
	_ =	swait.ge [sflag:s4], $0x0  }
0x19: {  	s7 =	sld [smem:$0x3F9A]  }
0x1a: {  	s8 =	sadd.s32 $0xFFFFE003, lr  }
0x1b: {  	s9 =	sadd.s32 $0xFFFFFEF7, lr;
	s5 =	simm.s32 $0xFFFFFFFF;
	p2 =	slt.u32 s8, $0xFFFFF086  }
0x1c: {  	p1 =	slt.u32 s9, $0xF7A;
	s5 =	simm.s32 @!p2 $0x0  }
0x1d: {  	s5 =	simm.s32 @p1 $0x1;
	p0 =	seq.s32 s7, s2  }
0x1e: {  	s7 =	smul.u32 @!p0 $0xF7A, s2;
	p2 =	seq.s32 @!p0 s5, $0x0  }
0x1f: {  	s9 =	smul.u32 $0xF7A, s1;
	s8 =	simm.s32 @!p0 $0x1BF5;
	p2 =	por !p2, p0  }
0x20: {  	[sflag:s8] =	ssyncset.s32 @!p0 $0xFFFFF086;
	s6 =	sadd.s32 @!p0 s3, s7;
	s7 =	simm.s32 @!p0 $0x108  }
0x21: {  	s3 =	sadd.s32 s3, s9;
	s6 =	sadd.s32 @!p0 $0x88, s6;
	s7 =	simm.s32 @p2 $0x1082  }
0x22: {  	[simem:s7], [sflag:s8] =	dma.local @!p0 [hbm:s6], $0xF7A  }
0x23: {  	s9 =	sor.u32 $0xD0000000, s2;
	s6 =	simm.s32 $0x108;
	_ =	swait.ge @!p0 [sflag:s8], $0x0  }
0x24: {  	s3 =	sadd.s32 $0x88, s3;
	s6 =	simm.s32 @!p1 $0x1082;
	[sflag:s4] =	ssyncset.s32 $0xFFFFF086  }
0x25: {  	[simem:s6], [sflag:s4] =	dma.local [hbm:s3], $0xF7A  }
0x26: {  	[smem:$0x3F9A] =	sst s1;
	(tag) =	ssettag s2;
	_ =	strace s9  }
0x27: {  	s1 =	sld [smem:$0x3FAA]  }
0x28: {  	s2 =	sld [smem:$0x3FAB]  }
0x29: {  	s4 =	sld [smem:$0x3FAD]  }
0x2a: {  	p0 =	seq.s32 s5, $0x0;
	s5 =	sld [smem:$0x3FAE]  }
0x2b: {  	s6 =	sld [smem:$0x3FAF]  }
0x2c: {  	s7 =	sld [smem:$0x3FB0]  }
0x2d: {  	s3 =	simm.s32 $0x108;
	s8 =	sld [smem:$0x3FB1]  }
0x2e: {  	s3 =	simm.s32 @!p0 $0x1082;
	s9 =	sld [smem:$0x3FB2]  }
0x2f: {  	lr =	sadd.s32 s0, s3;
	s0 =	sld [smem:$0x3FA9]  }
0x30: {  	s3 =	sld [smem:$0x3FAC]  }
0x31: {  	[smem:$0x3FB5] =	sst s10  }
0x32: {  	s10 =	sld [smem:$0x3FB3];
	_ =	sdelay $0x3  }
0x33: {  	p0 =	seq.s32 s10, $0x1;
	s10 =	sld [smem:$0x3FB5];
	_ =	sdelay $0x3  }
0x34: {  	[smem:$0x3FB5] =	sst s10  }
0x35: {  	s10 =	sld [smem:$0x3FB4];
	_ =	sdelay $0x3  }
0x36: {  	p1 =	seq.s32 s10, $0x1;
	s10 =	sld [smem:$0x3FB5];
	_ =	sdelay $0x3  }
0x37: {  	[smem:$0x3FB5] =	sst s10  }
0x38: {  	s10 =	sld [smem:$0x3FB6]  }
0x39: {  	_ = 	snop;
	(pc) =	sbr.ind lr, $3  }
0x3a: {  	_ = 	snop  }
0x3b: {  	_ = 	snop  }
0x3c: {  	p2 =	seq.s32 s10, $0x1;
	s10 =	sld [smem:$0x3FB5]  }
0x3d: {  	_ =	shalt  }
0x3e: {  	_ =	shalt  }
0x3f: {  	_ =	shalt  }
0x40: {  	_ =	shalt  }
0x41: {  	_ =	shalt  }
0x42: {  	_ =	shalt  }
0x43: {  	_ =	shalt  }
0x44: {  	_ =	shalt  }
0x45: {  	_ =	shalt  }
0x46: {  	_ =	shalt  }
0x47: {  	_ =	shalt  }
0x48: {  	_ =	shalt  }
0x49: {  	_ =	shalt  }
0x4a: {  	_ =	shalt  }
0x4b: {  	_ =	shalt  }
0x4c: {  	_ =	shalt  }
0x4d: {  	_ =	shalt  }
0x4e: {  	_ =	shalt  }
0x4f: {  	_ =	shalt  }
0x50: {  	_ =	shalt  }
0x51: {  	_ =	shalt  }
0x52: {  	_ =	shalt  }
0x53: {  	_ =	shalt  }
0x54: {  	_ =	shalt  }
0x55: {  	_ =	shalt  }
0x56: {  	_ =	shalt  }
0x57: {  	_ =	shalt  }
0x58: {  	_ =	shalt  }
0x59: {  	_ =	shalt  }
0x5a: {  	_ =	shalt  }
0x5b: {  	_ =	shalt  }
0x5c: {  	_ =	shalt  }
0x5d: {  	_ =	shalt  }
0x5e: {  	_ =	shalt  }
0x5f: {  	_ =	shalt  }
0x60: {  	_ =	shalt  }
0x61: {  	_ =	shalt  }
0x62: {  	_ =	shalt  }
0x63: {  	_ =	shalt  }
0x64: {  	_ =	shalt  }
0x65: {  	_ =	shalt  }
0x66: {  	_ =	shalt  }
0x67: {  	_ =	shalt  }
0x68: {  	_ =	shalt  }
0x69: {  	_ =	shalt  }
0x6a: {  	_ =	shalt  }
0x6b: {  	_ =	shalt  }
0x6c: {  	_ =	shalt  }
0x6d: {  	_ =	shalt  }
0x6e: {  	_ =	shalt  }
0x6f: {  	_ =	shalt  }
0x70: {  	_ =	shalt  }
0x71: {  	_ =	shalt  }
0x72: {  	_ =	shalt  }
0x73: {  	_ =	shalt  }
0x74: {  	_ =	shalt  }
0x75: {  	_ =	shalt  }
0x76: {  	_ =	shalt  }
0x77: {  	_ =	shalt  }
0x78: {  	_ =	shalt  }
0x79: {  	_ =	shalt  }
0x7a: {  	_ =	shalt  }
0x7b: {  	_ =	shalt  }
0x7c: {  	_ =	shalt  }
0x7d: {  	_ =	shalt  }
0x7e: {  	_ =	shalt  }
0x7f: {  	_ =	shalt  }
0x80: {  	_ =	shalt  }
0x81: {  	_ =	shalt  }
0x82: {  	_ =	shalt  }
0x83: {  	_ =	shalt  }
0x84: {  	_ =	shalt  }
0x85: {  	_ =	shalt  }
0x86: {  	_ =	shalt  }
0x87: {  	_ =	shalt  }
.Lfunc_end0:
.L_simem_size_0:
called_computation_lowered:
.L_overlay_start_0:
0x88: {  	s2 =	sld [smem:$0x3FD9]  }
0x89: {  	s3 =	sld [smem:$0x3FFE];
	_ =	sdelay $0x1  }
0x8a: {  	s1 =	srdreg.scid  }
0x8b: {  	s0 =	sand.u32 $0x1, s1  }
0x8c: {  	s18 =	sshll.u32 s0, $0xA;
	s2 =	sadd.s32 s3, s2  }
0x8d: {  	s2 =	sadd.s32 s2, s18  }
0x8e: {  	[smem:$0x3FC1] =	sst s2  }
0x8f: {  	_ = 	snop  }
0x90: {  	s2 =	sld [smem:$0x3FC9]  }
0x91: {  	s19 =	sld [smem:$0x3FC8]  }
0x92: {  	s4 =	sld [smem:$0x3FC7]  }
0x93: {  	s5 =	sld [smem:$0x3FC6]  }
0x94: {  	s6 =	sld [smem:$0x3FC5]  }
0x95: {  	s7 =	sld [smem:$0x3FC4]  }
0x96: {  	s8 =	sld [smem:$0x3FC3]  }
0x97: {  	s9 =	sld [smem:$0x3FD0];
	(tm) =	ssettm $0x1  }
0x98: {  	s10 =	sld [smem:$0x3FFB];
	_ =	sdelay $0x3  }
0x99: {  	_ =	strace s10  }
0x9a: {  	s10 =	sld [smem:$0x3FFC];
	_ =	sdelay $0x3  }
0x9b: {  	_ =	strace s10  }
0x9c: {  	s10 =	sld [smem:$0x3FFD];
	_ =	sdelay $0x3  }
0x9d: {  	_ =	strace s10  }
0x9e: {  	_ =	strace $0x8FFFFFFF  }
0x9f: {  	s20 =	sld [smem:$0x3FDB];
	_ =	sdelay $0x1  }
0xa0: {  	s11 =	simm.s32 $_scs_section_size  }
0xa1: {  	s12 =	simm.s32 $_size__tile_overlayer_lowered;
	s13 =	simm.s32 $_tile_overlayer_lowered  }
0xa2: {  	s23 =	simm.s32 $0x1BFF;
	s22 =	sshll.u32 s13, $0x1;
	s10 =	sadd.s32 s11, s20  }
0xa3: {  	s14 =	simm.s32 $0x0;
	s21 =	sshll.u32 s12, $0x1;
	s12 =	sadd.s32 s22, s10  }
0xa4: {  	[timem:s14], [sflag:s23] =	dma.local [hbm:s12], s21  }
0xa5: {  	_ =	swait.ge [sflag:s23], s21  }
0xa6: {  	s11 =	ssub.s32 $0x0, s21;
	[sflag:s23] =	ssyncset.done $0x0  }
0xa7: {  	[sflag:s23] =	ssyncadd.s32 s11;
	_ =	sdelay $0x1  }
0xa8: {  	s24 =	simm.s32 $0x1B8B  }
0xa9: {  	_ =	swait.ge [sflag:s24], $0x1  }
0xaa: {  	[sflag:s24] =	ssyncset.done $0x0  }
0xab: {  	s25 =	simm.s32 $0x1B8E;
	[sflag:s24] =	ssyncadd.s32 $0xFFFFFFFF  }
0xac: {  	s26 =	simm.s32 $execute0_lowered;
	[smem:$0x3FD2] =	sst s25  }
0xad: {  	s11 =	sshll.u32 s26, $0x1;
	_ =	strace $0x80000046;
	[dreg:$0x1] =	wrdreg $0xFFFFFFFF  }
0xae: {  	s28 =	simm.s32 $_size_execute0_lowered;
	s10 =	sadd.s32 s10, s11;
	[dreg:$0x0] =	wrdreg $0x0  }
0xaf: {  	s11 =	sshll.u32 s28, $0x1;
	[dreg:$0x2] =	wrdreg s10  }
0xb0: {  	[dreg:$0x3] =	wrdreg s11  }
0xb1: {  	[dreg:$0x4] =	wrdreg $0xC0  }
0xb2: {  	_ =	task [dreg:s14], $0x5FFFF  }
0xb3: {  	[dreg:$0x1] =	wrdreg $0xFFFFFFFF  }
0xb4: {  	[dreg:$0x0] =	wrdreg $0x60  }
0xb5: {  	[dreg:$0x2] =	wrdreg s2  }
0xb6: {  	[dreg:$0x3] =	wrdreg s19  }
0xb7: {  	[dreg:$0x4] =	wrdreg s4  }
0xb8: {  	[dreg:$0x5] =	wrdreg s5  }
0xb9: {  	[dreg:$0x6] =	wrdreg s6  }
0xba: {  	[dreg:$0x7] =	wrdreg s7  }
0xbb: {  	[dreg:$0x8] =	wrdreg s8  }
0xbc: {  	[dreg:$0x9] =	wrdreg s9  }
0xbd: {  	[dreg:$0xa] =	wrdreg $0x9  }
0xbe: {  	_ =	task.clear_ibuf [dreg:s14], $0xBFFFF;
	_ =	strace $0x90000046  }
0xbf: {  	s29 =	simm.s32 $0x9;
	_ =	strace $0x80000048  }
0xc0: {  	_ =	swait.ge [sflag:s29], $0x1  }
0xc1: {  	[sflag:s29] =	ssyncadd.s32 $0xFFFFFFFF  }
0xc2: {  	_ =	strace $0x90000048  }
0xc3: {  	_ =	sfence  }
0xc4: {  	s30 =	sld [smem:$0x0];
	_ =	sdelay $0x2  }
0xc5: {  	s31 =	sshll.u32 s1, $0xD;
	s1 =	sshrl.u32 s1, $0x2  }
0xc6: {  	s3 =	sand.u32 $0x4000, s31;
	s1 =	sadd.s32 s1, s30  }
0xc7: {  	s0 =	sor.u32 s3, s0;
	s1 =	sshll.u32 s1, $0x11  }
0xc8: {  	s0 =	sor.u32 s1, s0  }
0xc9: {  	s0 =	sadd.s32 $0x8F2B, s0  }
0xca: {  	[sflag:s0] =	ssyncadd.remote.s32 $0x1  }
0xcb: {  	_ =	sfence.sel $0xFFFF  }
0xcc: {  	[dreg:$0x0] =	wrdreg $0xFFFFFFFF;
	(pc) =	sbr.abs _section_cstart, $3  }
0xcd: {  	[dreg:$0x1] =	wrdreg $0xFFFFFFFF  }
0xce: {  	_ =	task.clear_ibuf [dreg:s14], $0x2FFFF;
	_ =	strace $0x9FFFFFFF  }
0xcf: {  	(tm) =	ssettm $0x7FFFFFFF  }
tec
execute0_lowered:
.L_overlay_start_1:
0x0: {  	(tag) =	ssettag $0x1  }
0x1: {  	s2 =	rddreg [dreg:$0x0]  }
0x2: {  	s3 =	rddreg [dreg:$0x1]  }
0x3: {  	s0 =	rddreg [dreg:$0x2]  }
0x4: {  	s1 =	rddreg [dreg:$0x3]  }
0x5: {  	s4 =	rddreg [dreg:$0x4]  }
0x6: {  	s21 =	rddreg [dreg:$0x5]  }
0x7: {  	s22 =	rddreg [dreg:$0x7];
	s5 =	simm.s32 $0x0  }
0x8: {  	s6 =	srdreg.scid;
	s8 =	stileid.u32;
	s10 =	simm.s32 $0x2  }
0x9: {  	v0 =	vlaneseq.u32;
	s13 =	simm.s32 $0x1;
	s14 =	simm.s32 $0x7A1400;
	s15 =	simm.s32 $0x400  }
0xa: {  	s16 =	simm.s32 $0x1400;
	s17 =	simm.s32 $0x2400;
	s18 =	simm.s32 $0x3400;
	v0 =	vmul.u32 $0x1000, v0  }
0xb: {  	s19 =	simm.s32 $0x4400;
	s20 =	simm.s32 $0x5400;
	s25 =	simm.s32 $0x11400  }
0xc: {  	s26 =	simm.s32 $0x11410;
	s28 =	simm.s32 $0xC400;
	[dreg:$0x9] =	wrdreg s4;
	v1 =	vor.u32 $0x80, v0  }
0xd: {  	s29 =	simm.s32 $0xD400;
	s30 =	simm.s32 $0xE400;
	[dreg:$0xa] =	wrdreg s21;
	v2 =	vor.u32 $0x100, v0;
	v3 =	vor.u32 $0x180, v0;
	v4 =	vor.u32 $0x200, v0  }
0xe: {  	s31 =	simm.s32 $0xF400;
	[smem:$0x7FF] =	sst s5;
	s6 =	sand.u32 $0x1, s6;
	v5 =	vor.u32 $0x280, v0;
	v6 =	vor.u32 $0x300, v0;
	v7 =	vor.u32 $0x380, v0  }
0xf: {  	s8 =	sshll.u32 s8, $0x7;
	s21 =	simm.s32 $0x6400;
	s7 =	ssub.s32 $0x2, s6;
	v8 =	vor.u32 $0x400, v0;
	v9 =	vor.u32 $0x480, v0;
	v10 =	vor.u32 $0x500, v0  }
0x10: {  	s6 =	sshll.u32 s6, $0x6;
	_ =	strace $0x80000047;
	[dreg:$0xb] =	wrdreg s25;
	v11 =	vor.u32 $0x580, v0;
	v12 =	vor.u32 $0x600, v0;
	v13 =	vor.u32 $0x680, v0  }
0x11: {  	[dreg:$0xc] =	wrdreg s26;
	s25 =	simm.s32 $0xA400;
	s8 =	sor.u32 s6, s8;
	v14 =	vor.u32 $0x700, v0;
	v15 =	vor.u32 $0x780, v0;
	v16 =	vor.u32 $0x800, v0  }
0x12: {  	s26 =	simm.s32 $0xB400;
	s9 =	sshrl.u32 s7, $0x1;
	v17 =	vor.u32 $0x880, v0;
	v18 =	vor.u32 $0x900, v0;
	v19 =	vor.u32 $0x980, v0;
	s2 =	sadd.s32 s2, s8  }
0x13: {  	v20 =	vor.u32 $0xA00, v0;
	v21 =	vor.u32 $0xA80, v0;
	v22 =	vor.u32 $0xB00, v0;
	s9 =	ssub.s32 s7, s9;
	s23 =	sadd.s32 s3, s8;
	[dreg:$0xd] =	wrdreg s2  }
0x14: {  	v23 =	vor.u32 $0xB80, v0;
	v24 =	vor.u32 $0xC00, v0;
	v25 =	vor.u32 $0xC80, v0;
	s24 =	sadd.s32 s22, s8;
	s22 =	simm.s32 $0x7400;
	[dreg:$0xe] =	wrdreg s23  }
0x15: {  	v26 =	vor.u32 $0xD00, v0;
	v27 =	vor.u32 $0xD80, v0;
	v28 =	vor.u32 $0xE00, v0;
	s3 =	simm.s32 $0x0;
	[dreg:$0xf] =	wrdreg s24;
	s9 =	smax.u32 s9, $0x1  }
0x16: {  	v29 =	vor.u32 $0xE80, v0;
	v30 =	vor.u32 $0xF00, v0;
	v31 =	vor.u32 $0xF80, v0;
	s23 =	simm.s32 $0x8400;
	s24 =	simm.s32 $0x9400;
	s2 =	simm.s32 $0x10  }
.LBB2_1:
0x17: {  	s4 =	rddreg [dreg:$0xd]  }
0x18: {  	[tilespmem:s5], [sflag:$0x2] =	stream.linear.gather [hbm4b:s4+s5], $0x200, $0x38;
	[tilespmem:$0x11700] =	vst v63  }
0x19: {  	_ =	swait.ge [sflag:s10], $0x200  }
0x1a: {  	[sflag:s10] =	ssyncset.done $0x0  }
0x1b: {  	s6 =	simm.s32 $0x200;
	s8 =	rddreg [dreg:$0xe];
	[sflag:s10] =	ssyncadd.s32 $0xFFFFFE00  }
0x1c: {  	[tilespmem:s6], [sflag:$0x2] =	stream.linear.gather [hbm4b:s8+s5], $0x200, $0x38;
	[tilespmem:$0x11700] =	vst v63  }
0x1d: {  	_ =	swait.ge [sflag:s10], $0x200  }
0x1e: {  	[sflag:s10] =	ssyncset.done $0x0  }
0x1f: {  	[sflag:s10] =	ssyncadd.s32 $0xFFFFFE00  }
0x20: {  	s12 =	simm.s32 $0x11680;
	s11 =	rddreg [dreg:$0x6]  }
0x21: {  	[tilespmem:s12], [sflag:$0x2] =	stream.linear.gather [hbm4b:s11+s5], $0x1, $0x38;
	[tilespmem:$0x11700] =	vst v63  }
0x22: {  	_ =	swait.ge [sflag:s10], $0x1  }
0x23: {  	[sflag:s10] =	ssyncset.done $0x0  }
0x24: {  	[sflag:s10] =	ssyncadd.s32 $0xFFFFFFFF  }
0x25: {  	s11 =	simm.s32 $0x0;
	v32 =	vld.msk [tilespmem:$0x11680 ss:$0x0], $0xffff  }
.LBB2_2:
0x26: {  	s12 =	sshra.s32 s11, $0x2  }
0x27: {  	v34 =	vld [tilespmem:s12+$0x0];
	_ =	sdelay $0x4  }
0x28: {  	(v2sf) =	vpush v34, $0x0;
	_ =	sdelay $0xa  }
0x29: {  	(v2sf) =	vpush v34, $0x1;
	_ =	sdelay $0x3  }
0x2a: {  	s4 =	spop (v2sf)  }
0x2b: {  	s6 =	sand.u32 $0x7F, s4  }
0x2c: {  	s7 =	sshra.s32 s4, $0x1F;
	p0 =	slt.s32 s4, $0x1;
	p1 =	sne.s32 s6, $0x0  }
0x2d: {  	s8 =	sshrl.u32 s7, $0x19;
	p0 =	por !p0, !p1  }
0x2e: {  	s6 =	simm.s32 $0x1;
	s4 =	sadd.s32 s8, s4;
	p0 =	por !p0, !p0  }
0x2f: {  	s4 =	sshrl.u32 s4, $0x7;
	s6 =	simm.s32 @!p0 $0x0  }
0x30: {  	s4 =	ssub.s32 s4, s6  }
0x31: {  	(v2sf) =	vpush v34, $0x2;
	s4 =	sshll.u32 s4, $0x7  }
0x32: {  	s4 =	sand.u32 $0x1FFFFF80, s4  }
0x33: {  	s4 =	sadd.s32 s0, s4  }
0x34: {  	v33 =	vld [tilespmem:s12+$0x200];
	[tilespmem:s15], [sflag:$0x1] =	stream.strided.gather [hbm4b:s4+s15], $0x1000, s14, s15, $0x38  }
0x35: {  	s4 =	spop (v2sf)  }
0x36: {  	s7 =	sand.u32 $0x7F, s4  }
0x37: {  	s8 =	sshra.s32 s4, $0x1F;
	p5 =	slt.s32 s4, $0x1;
	p6 =	sne.s32 s7, $0x0  }
0x38: {  	s8 =	sshrl.u32 s8, $0x19;
	p0 =	por !p5, !p6  }
0x39: {  	s6 =	simm.s32 $0x1;
	s4 =	sadd.s32 s8, s4;
	p0 =	por !p0, !p0  }
0x3a: {  	s4 =	sshrl.u32 s4, $0x7;
	s6 =	simm.s32 @!p0 $0x0  }
0x3b: {  	s4 =	ssub.s32 s4, s6  }
0x3c: {  	(v2sf) =	vpush v34, $0x3;
	s4 =	sshll.u32 s4, $0x7  }
0x3d: {  	s4 =	sand.u32 $0x1FFFFF80, s4  }
0x3e: {  	s4 =	sadd.s32 s0, s4  }
0x3f: {  	[tilespmem:s16], [sflag:$0x1] =	stream.strided.gather [hbm4b:s4+s15], $0x1000, s14, s15, $0x38;
	[tilespmem:$0x11700] =	vst v63  }
0x40: {  	s4 =	spop (v2sf)  }
0x41: {  	s7 =	sand.u32 $0x7F, s4  }
0x42: {  	s8 =	sshra.s32 s4, $0x1F;
	p1 =	slt.s32 s4, $0x1;
	p2 =	sne.s32 s7, $0x0  }
0x43: {  	s8 =	sshrl.u32 s8, $0x19;
	p0 =	por !p1, !p2  }
0x44: {  	s6 =	simm.s32 $0x1;
	s4 =	sadd.s32 s8, s4;
	p0 =	por !p0, !p0  }
0x45: {  	s4 =	sshrl.u32 s4, $0x7;
	s6 =	simm.s32 @!p0 $0x0  }
0x46: {  	s4 =	ssub.s32 s4, s6  }
0x47: {  	(v2sf) =	vpush v34, $0x4;
	s4 =	sshll.u32 s4, $0x7  }
0x48: {  	s4 =	sand.u32 $0x1FFFFF80, s4  }
0x49: {  	s4 =	sadd.s32 s0, s4  }
0x4a: {  	[tilespmem:s17], [sflag:$0x1] =	stream.strided.gather [hbm4b:s4+s15], $0x1000, s14, s15, $0x38;
	[tilespmem:$0x11700] =	vst v63  }
0x4b: {  	s4 =	spop (v2sf)  }
0x4c: {  	s7 =	sand.u32 $0x7F, s4  }
0x4d: {  	s8 =	sshra.s32 s4, $0x1F;
	p3 =	slt.s32 s4, $0x1;
	p4 =	sne.s32 s7, $0x0  }
0x4e: {  	s8 =	sshrl.u32 s8, $0x19;
	p0 =	por !p3, !p4  }
0x4f: {  	s6 =	simm.s32 $0x1;
	s4 =	sadd.s32 s8, s4;
	p0 =	por !p0, !p0  }
0x50: {  	s4 =	sshrl.u32 s4, $0x7;
	s6 =	simm.s32 @!p0 $0x0  }
0x51: {  	s4 =	ssub.s32 s4, s6  }
0x52: {  	(v2sf) =	vpush v34, $0x5;
	s4 =	sshll.u32 s4, $0x7  }
0x53: {  	s4 =	sand.u32 $0x1FFFFF80, s4  }
0x54: {  	s4 =	sadd.s32 s0, s4  }
0x55: {  	[tilespmem:s18], [sflag:$0x1] =	stream.strided.gather [hbm4b:s4+s15], $0x1000, s14, s15, $0x38;
	[tilespmem:$0x11700] =	vst v63  }
0x56: {  	s4 =	spop (v2sf)  }
0x57: {  	s7 =	sand.u32 $0x7F, s4  }
0x58: {  	s8 =	sshra.s32 s4, $0x1F;
	p5 =	slt.s32 s4, $0x1;
	p6 =	sne.s32 s7, $0x0  }
0x59: {  	s8 =	sshrl.u32 s8, $0x19;
	p0 =	por !p5, !p6  }
0x5a: {  	s6 =	simm.s32 $0x1;
	s4 =	sadd.s32 s8, s4;
	p0 =	por !p0, !p0  }
0x5b: {  	s4 =	sshrl.u32 s4, $0x7;
	s6 =	simm.s32 @!p0 $0x0  }
0x5c: {  	s4 =	ssub.s32 s4, s6  }
0x5d: {  	(v2sf) =	vpush v34, $0x6;
	s4 =	sshll.u32 s4, $0x7  }
0x5e: {  	s4 =	sand.u32 $0x1FFFFF80, s4  }
0x5f: {  	s4 =	sadd.s32 s0, s4  }
0x60: {  	[tilespmem:s19], [sflag:$0x1] =	stream.strided.gather [hbm4b:s4+s15], $0x1000, s14, s15, $0x38;
	[tilespmem:$0x11700] =	vst v63  }
0x61: {  	s4 =	spop (v2sf)  }
0x62: {  	s7 =	sand.u32 $0x7F, s4  }
0x63: {  	s8 =	sshra.s32 s4, $0x1F;
	p1 =	slt.s32 s4, $0x1;
	p2 =	sne.s32 s7, $0x0  }
0x64: {  	s8 =	sshrl.u32 s8, $0x19;
	p0 =	por !p1, !p2  }
0x65: {  	s6 =	simm.s32 $0x1;
	s4 =	sadd.s32 s8, s4;
	p0 =	por !p0, !p0  }
0x66: {  	s4 =	sshrl.u32 s4, $0x7;
	s6 =	simm.s32 @!p0 $0x0  }
0x67: {  	s4 =	ssub.s32 s4, s6  }
0x68: {  	(v2sf) =	vpush v34, $0x7;
	s4 =	sshll.u32 s4, $0x7  }
0x69: {  	s4 =	sand.u32 $0x1FFFFF80, s4  }
0x6a: {  	s4 =	sadd.s32 s0, s4  }
0x6b: {  	[tilespmem:s20], [sflag:$0x1] =	stream.strided.gather [hbm4b:s4+s15], $0x1000, s14, s15, $0x38;
	[tilespmem:$0x11700] =	vst v63  }
0x6c: {  	s4 =	spop (v2sf)  }
0x6d: {  	s7 =	sand.u32 $0x7F, s4  }
0x6e: {  	s8 =	sshra.s32 s4, $0x1F;
	p3 =	slt.s32 s4, $0x1;
	p4 =	sne.s32 s7, $0x0  }
0x6f: {  	s8 =	sshrl.u32 s8, $0x19;
	p0 =	por !p3, !p4  }
0x70: {  	s6 =	simm.s32 $0x1;
	s4 =	sadd.s32 s8, s4;
	p0 =	por !p0, !p0  }
0x71: {  	s4 =	sshrl.u32 s4, $0x7;
	s6 =	simm.s32 @!p0 $0x0  }
0x72: {  	s4 =	ssub.s32 s4, s6  }
0x73: {  	(v2sf) =	vpush v34, $0x8;
	s4 =	sshll.u32 s4, $0x7  }
0x74: {  	s4 =	sand.u32 $0x1FFFFF80, s4  }
0x75: {  	s4 =	sadd.s32 s0, s4  }
0x76: {  	[tilespmem:s21], [sflag:$0x1] =	stream.strided.gather [hbm4b:s4+s15], $0x1000, s14, s15, $0x38;
	[tilespmem:$0x11700] =	vst v63  }
0x77: {  	s4 =	spop (v2sf)  }
0x78: {  	s7 =	sand.u32 $0x7F, s4  }
0x79: {  	s8 =	sshra.s32 s4, $0x1F;
	p5 =	slt.s32 s4, $0x1;
	p6 =	sne.s32 s7, $0x0  }
0x7a: {  	s8 =	sshrl.u32 s8, $0x19;
	p0 =	por !p5, !p6  }
0x7b: {  	s6 =	simm.s32 $0x1;
	s4 =	sadd.s32 s8, s4;
	p0 =	por !p0, !p0  }
0x7c: {  	s4 =	sshrl.u32 s4, $0x7;
	s6 =	simm.s32 @!p0 $0x0  }
0x7d: {  	s4 =	ssub.s32 s4, s6  }
0x7e: {  	(v2sf) =	vpush v34, $0x9;
	s4 =	sshll.u32 s4, $0x7  }
0x7f: {  	s4 =	sand.u32 $0x1FFFFF80, s4  }
0x80: {  	s4 =	sadd.s32 s0, s4  }
0x81: {  	[tilespmem:s22], [sflag:$0x1] =	stream.strided.gather [hbm4b:s4+s15], $0x1000, s14, s15, $0x38;
	[tilespmem:$0x11700] =	vst v63  }
0x82: {  	s4 =	spop (v2sf)  }
0x83: {  	s7 =	sand.u32 $0x7F, s4  }
0x84: {  	s8 =	sshra.s32 s4, $0x1F;
	p1 =	slt.s32 s4, $0x1;
	p2 =	sne.s32 s7, $0x0  }
0x85: {  	s8 =	sshrl.u32 s8, $0x19;
	p0 =	por !p1, !p2  }
0x86: {  	s6 =	simm.s32 $0x1;
	s4 =	sadd.s32 s8, s4;
	p0 =	por !p0, !p0  }
0x87: {  	s4 =	sshrl.u32 s4, $0x7;
	s6 =	simm.s32 @!p0 $0x0  }
0x88: {  	s4 =	ssub.s32 s4, s6  }
0x89: {  	(v2sf) =	vpush v34, $0xA;
	s4 =	sshll.u32 s4, $0x7  }
0x8a: {  	s4 =	sand.u32 $0x1FFFFF80, s4  }
0x8b: {  	s4 =	sadd.s32 s0, s4  }
0x8c: {  	[tilespmem:s23], [sflag:$0x1] =	stream.strided.gather [hbm4b:s4+s15], $0x1000, s14, s15, $0x38;
	[tilespmem:$0x11700] =	vst v63  }
0x8d: {  	s4 =	spop (v2sf)  }
0x8e: {  	s7 =	sand.u32 $0x7F, s4  }
0x8f: {  	s8 =	sshra.s32 s4, $0x1F;
	p3 =	slt.s32 s4, $0x1;
	p4 =	sne.s32 s7, $0x0  }
0x90: {  	s8 =	sshrl.u32 s8, $0x19;
	p0 =	por !p3, !p4  }
0x91: {  	s6 =	simm.s32 $0x1;
	s4 =	sadd.s32 s8, s4;
	p0 =	por !p0, !p0  }
0x92: {  	s4 =	sshrl.u32 s4, $0x7;
	s6 =	simm.s32 @!p0 $0x0  }
0x93: {  	s4 =	ssub.s32 s4, s6  }
0x94: {  	(v2sf) =	vpush v34, $0xB;
	s4 =	sshll.u32 s4, $0x7  }
0x95: {  	s4 =	sand.u32 $0x1FFFFF80, s4  }
0x96: {  	s4 =	sadd.s32 s0, s4  }
0x97: {  	[tilespmem:s24], [sflag:$0x1] =	stream.strided.gather [hbm4b:s4+s15], $0x1000, s14, s15, $0x38;
	[tilespmem:$0x11700] =	vst v63  }
0x98: {  	s4 =	spop (v2sf)  }
0x99: {  	s7 =	sand.u32 $0x7F, s4  }
0x9a: {  	s8 =	sshra.s32 s4, $0x1F;
	p5 =	slt.s32 s4, $0x1;
	p6 =	sne.s32 s7, $0x0  }
0x9b: {  	s8 =	sshrl.u32 s8, $0x19;
	p0 =	por !p5, !p6  }
0x9c: {  	s6 =	simm.s32 $0x1;
	s4 =	sadd.s32 s8, s4;
	p0 =	por !p0, !p0  }
0x9d: {  	s4 =	sshrl.u32 s4, $0x7;
	s6 =	simm.s32 @!p0 $0x0  }
0x9e: {  	s4 =	ssub.s32 s4, s6  }
0x9f: {  	(v2sf) =	vpush v34, $0xC;
	s4 =	sshll.u32 s4, $0x7  }
0xa0: {  	s4 =	sand.u32 $0x1FFFFF80, s4  }
0xa1: {  	s4 =	sadd.s32 s0, s4  }
0xa2: {  	[tilespmem:s25], [sflag:$0x1] =	stream.strided.gather [hbm4b:s4+s15], $0x1000, s14, s15, $0x38;
	[tilespmem:$0x11700] =	vst v63  }
0xa3: {  	s4 =	spop (v2sf)  }
0xa4: {  	s7 =	sand.u32 $0x7F, s4  }
0xa5: {  	s8 =	sshra.s32 s4, $0x1F;
	p1 =	slt.s32 s4, $0x1;
	p2 =	sne.s32 s7, $0x0  }
0xa6: {  	s8 =	sshrl.u32 s8, $0x19;
	p0 =	por !p1, !p2  }
0xa7: {  	s6 =	simm.s32 $0x1;
	s4 =	sadd.s32 s8, s4;
	p0 =	por !p0, !p0  }
0xa8: {  	s4 =	sshrl.u32 s4, $0x7;
	s6 =	simm.s32 @!p0 $0x0  }
0xa9: {  	s4 =	ssub.s32 s4, s6  }
0xaa: {  	(v2sf) =	vpush v34, $0xD;
	s4 =	sshll.u32 s4, $0x7  }
0xab: {  	s4 =	sand.u32 $0x1FFFFF80, s4  }
0xac: {  	s4 =	sadd.s32 s0, s4  }
0xad: {  	[tilespmem:s26], [sflag:$0x1] =	stream.strided.gather [hbm4b:s4+s15], $0x1000, s14, s15, $0x38;
	[tilespmem:$0x11700] =	vst v63  }
0xae: {  	s4 =	spop (v2sf)  }
0xaf: {  	s7 =	sand.u32 $0x7F, s4  }
0xb0: {  	s8 =	sshra.s32 s4, $0x1F;
	p3 =	slt.s32 s4, $0x1;
	p4 =	sne.s32 s7, $0x0  }
0xb1: {  	s8 =	sshrl.u32 s8, $0x19;
	p0 =	por !p3, !p4  }
0xb2: {  	s6 =	simm.s32 $0x1;
	s4 =	sadd.s32 s8, s4;
	p0 =	por !p0, !p0  }
0xb3: {  	s4 =	sshrl.u32 s4, $0x7;
	s6 =	simm.s32 @!p0 $0x0  }
0xb4: {  	s4 =	ssub.s32 s4, s6  }
0xb5: {  	(v2sf) =	vpush v34, $0xE;
	s4 =	sshll.u32 s4, $0x7  }
0xb6: {  	s4 =	sand.u32 $0x1FFFFF80, s4  }
0xb7: {  	s4 =	sadd.s32 s0, s4  }
0xb8: {  	[tilespmem:s28], [sflag:$0x1] =	stream.strided.gather [hbm4b:s4+s15], $0x1000, s14, s15, $0x38;
	[tilespmem:$0x11700] =	vst v63  }
0xb9: {  	s4 =	spop (v2sf)  }
0xba: {  	s7 =	sand.u32 $0x7F, s4  }
0xbb: {  	s8 =	sshra.s32 s4, $0x1F;
	p5 =	slt.s32 s4, $0x1;
	p6 =	sne.s32 s7, $0x0  }
0xbc: {  	s8 =	sshrl.u32 s8, $0x19;
	p0 =	por !p5, !p6  }
0xbd: {  	s6 =	simm.s32 $0x1;
	s4 =	sadd.s32 s8, s4;
	p0 =	por !p0, !p0  }
0xbe: {  	s4 =	sshrl.u32 s4, $0x7;
	s6 =	simm.s32 @!p0 $0x0  }
0xbf: {  	s4 =	ssub.s32 s4, s6  }
0xc0: {  	(v2sf) =	vpush v34, $0xF;
	s4 =	sshll.u32 s4, $0x7  }
0xc1: {  	s4 =	sand.u32 $0x1FFFFF80, s4  }
0xc2: {  	s4 =	sadd.s32 s0, s4  }
0xc3: {  	[tilespmem:s29], [sflag:$0x1] =	stream.strided.gather [hbm4b:s4+s15], $0x1000, s14, s15, $0x38;
	[tilespmem:$0x11700] =	vst v63  }
0xc4: {  	s4 =	spop (v2sf)  }
0xc5: {  	s7 =	sand.u32 $0x7F, s4  }
0xc6: {  	s8 =	sshra.s32 s4, $0x1F;
	p1 =	slt.s32 s4, $0x1;
	p2 =	sne.s32 s7, $0x0  }
0xc7: {  	s8 =	sshrl.u32 s8, $0x19;
	p0 =	por !p1, !p2  }
0xc8: {  	s6 =	simm.s32 $0x1;
	s4 =	sadd.s32 s8, s4;
	p0 =	por !p0, !p0  }
0xc9: {  	s4 =	sshrl.u32 s4, $0x7;
	s6 =	simm.s32 @!p0 $0x0  }
0xca: {  	s4 =	ssub.s32 s4, s6  }
0xcb: {  	s4 =	sshll.u32 s4, $0x7  }
0xcc: {  	s4 =	sand.u32 $0x1FFFFF80, s4  }
0xcd: {  	s4 =	sadd.s32 s0, s4  }
0xce: {  	[tilespmem:s30], [sflag:$0x1] =	stream.strided.gather [hbm4b:s4+s15], $0x1000, s14, s15, $0x38;
	[tilespmem:$0x11700] =	vst v63  }
0xcf: {  	s4 =	spop (v2sf)  }
0xd0: {  	s7 =	sand.u32 $0x7F, s4  }
0xd1: {  	s8 =	sshra.s32 s4, $0x1F;
	p3 =	slt.s32 s4, $0x1;
	p4 =	sne.s32 s7, $0x0  }
0xd2: {  	s8 =	sshrl.u32 s8, $0x19;
	p0 =	por !p3, !p4  }
0xd3: {  	s6 =	simm.s32 $0x1;
	s4 =	sadd.s32 s8, s4;
	p0 =	por !p0, !p0  }
0xd4: {  	s4 =	sshrl.u32 s4, $0x7;
	s6 =	simm.s32 @!p0 $0x0  }
0xd5: {  	s4 =	ssub.s32 s4, s6  }
0xd6: {  	s4 =	sshll.u32 s4, $0x7  }
0xd7: {  	s7 =	rddreg [dreg:$0xa];
	s4 =	sand.u32 $0x1FFFFF80, s4  }
0xd8: {  	s6 =	rddreg [dreg:$0xb];
	s4 =	sadd.s32 s0, s4  }
0xd9: {  	[tilespmem:s31], [sflag:$0x1] =	stream.strided.gather [hbm4b:s4+s15], $0x1000, s14, s15, $0x38;
	[tilespmem:$0x11700] =	vst v63  }
0xda: {  	s4 =	rddreg [dreg:$0x9]  }
0xdb: {  	[tilespmem:s6], [sflag:$0x1] =	stream.indirect.gather [hbm4b:s4+s2], $0x1, s12, s2, $0xb8;
	[tilespmem:$0x11700] =	vst v63  }
0xdc: {  	s8 =	rddreg [dreg:$0xc];
	s6 =	sadd.s32 $0x200, s12  }
0xdd: {  	[tilespmem:s8], [sflag:$0x1] =	stream.indirect.gather [hbm4b:s7+s2], $0x1, s6, s2, $0xb8;
	[tilespmem:$0x11700] =	vst v63  }
0xde: {  	_ =	swait.ge [sflag:s13], $0x1000  }
0xdf: {  	[sflag:s13] =	ssyncset.done $0x0  }
0xe0: {  	[sflag:s13] =	ssyncadd.s32 $0xFFFFF000  }
0xe1: {  	_ =	swait.ge [sflag:s13], $0x1000  }
0xe2: {  	[sflag:s13] =	ssyncset.done $0x0  }
0xe3: {  	[sflag:s13] =	ssyncadd.s32 $0xFFFFF000  }
0xe4: {  	_ =	swait.ge [sflag:s13], $0x1000  }
0xe5: {  	[sflag:s13] =	ssyncset.done $0x0  }
0xe6: {  	[sflag:s13] =	ssyncadd.s32 $0xFFFFF000  }
0xe7: {  	_ =	swait.ge [sflag:s13], $0x1000  }
0xe8: {  	[sflag:s13] =	ssyncset.done $0x0  }
0xe9: {  	[sflag:s13] =	ssyncadd.s32 $0xFFFFF000  }
0xea: {  	_ =	swait.ge [sflag:s13], $0x1000  }
0xeb: {  	[sflag:s13] =	ssyncset.done $0x0  }
0xec: {  	[sflag:s13] =	ssyncadd.s32 $0xFFFFF000  }
0xed: {  	_ =	swait.ge [sflag:s13], $0x1000  }
0xee: {  	[sflag:s13] =	ssyncset.done $0x0  }
0xef: {  	[sflag:s13] =	ssyncadd.s32 $0xFFFFF000  }
0xf0: {  	_ =	swait.ge [sflag:s13], $0x1000  }
0xf1: {  	[sflag:s13] =	ssyncset.done $0x0  }
0xf2: {  	[sflag:s13] =	ssyncadd.s32 $0xFFFFF000  }
0xf3: {  	_ =	swait.ge [sflag:s13], $0x1000  }
0xf4: {  	[sflag:s13] =	ssyncset.done $0x0  }
0xf5: {  	[sflag:s13] =	ssyncadd.s32 $0xFFFFF000  }
0xf6: {  	_ =	swait.ge [sflag:s13], $0x1000  }
0xf7: {  	[sflag:s13] =	ssyncset.done $0x0  }
0xf8: {  	[sflag:s13] =	ssyncadd.s32 $0xFFFFF000  }
0xf9: {  	_ =	swait.ge [sflag:s13], $0x1000  }
0xfa: {  	[sflag:s13] =	ssyncset.done $0x0  }
0xfb: {  	[sflag:s13] =	ssyncadd.s32 $0xFFFFF000  }
0xfc: {  	_ =	swait.ge [sflag:s13], $0x1000  }
0xfd: {  	[sflag:s13] =	ssyncset.done $0x0  }
0xfe: {  	[sflag:s13] =	ssyncadd.s32 $0xFFFFF000  }
0xff: {  	_ =	swait.ge [sflag:s13], $0x1000  }
0x100: {  	[sflag:s13] =	ssyncset.done $0x0  }
0x101: {  	[sflag:s13] =	ssyncadd.s32 $0xFFFFF000  }
0x102: {  	_ =	swait.ge [sflag:s13], $0x1000  }
0x103: {  	[sflag:s13] =	ssyncset.done $0x0  }
0x104: {  	[sflag:s13] =	ssyncadd.s32 $0xFFFFF000  }
0x105: {  	_ =	swait.ge [sflag:s13], $0x1000  }
0x106: {  	[sflag:s13] =	ssyncset.done $0x0  }
0x107: {  	[sflag:s13] =	ssyncadd.s32 $0xFFFFF000  }
0x108: {  	_ =	swait.ge [sflag:s13], $0x1000  }
0x109: {  	[sflag:s13] =	ssyncset.done $0x0  }
0x10a: {  	[sflag:s13] =	ssyncadd.s32 $0xFFFFF000  }
0x10b: {  	_ =	swait.ge [sflag:s13], $0x1000  }
0x10c: {  	[sflag:s13] =	ssyncset.done $0x0  }
0x10d: {  	[sflag:s13] =	ssyncadd.s32 $0xFFFFF000  }
0x10e: {  	v34 =	vand.u32 $0x7F, v34;
	_ =	swait.ge [sflag:s13], $0x10  }
0x10f: {  	v35 =	vor.u32 v0, v34;
	[sflag:s13] =	ssyncset.done $0x0  }
0x110: {  	[sflag:s13] =	ssyncadd.s32 $0xFFFFFFF0  }
0x111: {  	_ =	swait.ge [sflag:s13], $0x10  }
0x112: {  	[sflag:s13] =	ssyncset.done $0x0  }
0x113: {  	[sflag:s13] =	ssyncadd.s32 $0xFFFFFFF0  }
0x114: {  	v35 =	vld.idx.msk [tilespmem:v35+s15+$0x0], $0xffff  }
0x115: {  	v36 =	vor.u32 v1, v34;
	_ =	sdelay $0x3  }
0x116: {  	[tilespmem:$0x10400] =	vst v35  }
0x117: {  	v35 =	vld.idx.msk [tilespmem:v36+s15+$0x0], $0xffff  }
0x118: {  	v46 =	vor.u32 v2, v34;
	_ =	sdelay $0x3  }
0x119: {  	[tilespmem:$0x10480] =	vst v35  }
0x11a: {  	v35 =	vld.idx.msk [tilespmem:v46+s15+$0x0], $0xffff  }
0x11b: {  	v47 =	vor.u32 v3, v34;
	_ =	sdelay $0x3  }
0x11c: {  	[tilespmem:$0x10500] =	vst v35  }
0x11d: {  	v35 =	vld.idx.msk [tilespmem:v47+s15+$0x0], $0xffff  }
0x11e: {  	v48 =	vor.u32 v4, v34;
	_ =	sdelay $0x3  }
0x11f: {  	[tilespmem:$0x10580] =	vst v35  }
0x120: {  	v35 =	vld.idx.msk [tilespmem:v48+s15+$0x0], $0xffff  }
0x121: {  	v49 =	vor.u32 v5, v34;
	_ =	sdelay $0x3  }
0x122: {  	[tilespmem:$0x10600] =	vst v35  }
0x123: {  	v35 =	vld.idx.msk [tilespmem:v49+s15+$0x0], $0xffff  }
0x124: {  	v50 =	vor.u32 v6, v34;
	_ =	sdelay $0x3  }
0x125: {  	[tilespmem:$0x10680] =	vst v35  }
0x126: {  	v35 =	vld.idx.msk [tilespmem:v50+s15+$0x0], $0xffff  }
0x127: {  	v51 =	vor.u32 v7, v34;
	_ =	sdelay $0x3  }
0x128: {  	[tilespmem:$0x10700] =	vst v35  }
0x129: {  	v35 =	vld.idx.msk [tilespmem:v51+s15+$0x0], $0xffff  }
0x12a: {  	v52 =	vor.u32 v8, v34;
	_ =	sdelay $0x3  }
0x12b: {  	[tilespmem:$0x10780] =	vst v35  }
0x12c: {  	v35 =	vld.idx.msk [tilespmem:v52+s15+$0x0], $0xffff  }
0x12d: {  	v53 =	vor.u32 v9, v34;
	_ =	sdelay $0x3  }
0x12e: {  	[tilespmem:$0x10800] =	vst v35  }
0x12f: {  	v35 =	vld.idx.msk [tilespmem:v53+s15+$0x0], $0xffff  }
0x130: {  	v54 =	vor.u32 v10, v34;
	_ =	sdelay $0x3  }
0x131: {  	[tilespmem:$0x10880] =	vst v35  }
0x132: {  	v35 =	vld.idx.msk [tilespmem:v54+s15+$0x0], $0xffff  }
0x133: {  	v55 =	vor.u32 v11, v34;
	_ =	sdelay $0x3  }
0x134: {  	[tilespmem:$0x10900] =	vst v35  }
0x135: {  	v35 =	vld.idx.msk [tilespmem:v55+s15+$0x0], $0xffff  }
0x136: {  	v56 =	vor.u32 v12, v34;
	_ =	sdelay $0x3  }
0x137: {  	[tilespmem:$0x10980] =	vst v35  }
0x138: {  	v35 =	vld.idx.msk [tilespmem:v56+s15+$0x0], $0xffff  }
0x139: {  	v57 =	vor.u32 v13, v34;
	_ =	sdelay $0x3  }
0x13a: {  	[tilespmem:$0x10A00] =	vst v35  }
0x13b: {  	v35 =	vld.idx.msk [tilespmem:v57+s15+$0x0], $0xffff  }
0x13c: {  	v58 =	vor.u32 v14, v34;
	_ =	sdelay $0x3  }
0x13d: {  	[tilespmem:$0x10A80] =	vst v35  }
0x13e: {  	v35 =	vld.idx.msk [tilespmem:v58+s15+$0x0], $0xffff  }
0x13f: {  	v59 =	vor.u32 v15, v34;
	_ =	sdelay $0x3  }
0x140: {  	[tilespmem:$0x10B00] =	vst v35  }
0x141: {  	v35 =	vld.idx.msk [tilespmem:v59+s15+$0x0], $0xffff  }
0x142: {  	v60 =	vor.u32 v16, v34;
	_ =	sdelay $0x3  }
0x143: {  	[tilespmem:$0x10B80] =	vst v35  }
0x144: {  	v35 =	vld.idx.msk [tilespmem:v60+s15+$0x0], $0xffff  }
0x145: {  	v61 =	vor.u32 v17, v34;
	_ =	sdelay $0x3  }
0x146: {  	[tilespmem:$0x10C00] =	vst v35  }
0x147: {  	v35 =	vld.idx.msk [tilespmem:v61+s15+$0x0], $0xffff  }
0x148: {  	v62 =	vor.u32 v18, v34;
	_ =	sdelay $0x3  }
0x149: {  	[tilespmem:$0x10C80] =	vst v35  }
0x14a: {  	v35 =	vld.idx.msk [tilespmem:v62+s15+$0x0], $0xffff  }
0x14b: {  	v63 =	vor.u32 v19, v34;
	_ =	sdelay $0x3  }
0x14c: {  	[tilespmem:$0x10D00] =	vst v35  }
0x14d: {  	v35 =	vld.idx.msk [tilespmem:v63+s15+$0x0], $0xffff  }
0x14e: {  	v40 =	vor.u32 v20, v34;
	_ =	sdelay $0x3  }
0x14f: {  	[tilespmem:$0x10D80] =	vst v35  }
0x150: {  	v35 =	vld.idx.msk [tilespmem:v40+s15+$0x0], $0xffff  }
0x151: {  	v41 =	vor.u32 v21, v34;
	_ =	sdelay $0x3  }
0x152: {  	[tilespmem:$0x10E00] =	vst v35  }
0x153: {  	v35 =	vld.idx.msk [tilespmem:v41+s15+$0x0], $0xffff  }
0x154: {  	v42 =	vor.u32 v22, v34;
	_ =	sdelay $0x3  }
0x155: {  	[tilespmem:$0x10E80] =	vst v35  }
0x156: {  	v35 =	vld.idx.msk [tilespmem:v42+s15+$0x0], $0xffff  }
0x157: {  	v43 =	vor.u32 v23, v34;
	_ =	sdelay $0x3  }
0x158: {  	[tilespmem:$0x10F00] =	vst v35  }
0x159: {  	v35 =	vld.idx.msk [tilespmem:v43+s15+$0x0], $0xffff  }
0x15a: {  	v44 =	vor.u32 v24, v34;
	_ =	sdelay $0x3  }
0x15b: {  	[tilespmem:$0x10F80] =	vst v35  }
0x15c: {  	v35 =	vld.idx.msk [tilespmem:v44+s15+$0x0], $0xffff  }
0x15d: {  	v45 =	vor.u32 v25, v34;
	_ =	sdelay $0x3  }
0x15e: {  	[tilespmem:$0x11000] =	vst v35  }
0x15f: {  	v35 =	vld.idx.msk [tilespmem:v45+s15+$0x0], $0xffff  }
0x160: {  	v46 =	vor.u32 v26, v34;
	_ =	sdelay $0x3  }
0x161: {  	[tilespmem:$0x11080] =	vst v35  }
0x162: {  	v35 =	vld.idx.msk [tilespmem:v46+s15+$0x0], $0xffff  }
0x163: {  	v47 =	vor.u32 v27, v34;
	_ =	sdelay $0x3  }
0x164: {  	[tilespmem:$0x11100] =	vst v35  }
0x165: {  	v35 =	vld.idx.msk [tilespmem:v47+s15+$0x0], $0xffff  }
0x166: {  	v48 =	vor.u32 v28, v34;
	_ =	sdelay $0x3  }
0x167: {  	(v2sf) =	vpush v33, $0x0;
	[tilespmem:$0x11180] =	vst v35  }
0x168: {  	v35 =	vld.idx.msk [tilespmem:v48+s15+$0x0], $0xffff  }
0x169: {  	v49 =	vor.u32 v29, v34;
	_ =	sdelay $0x3  }
0x16a: {  	[tilespmem:$0x11200] =	vst v35  }
0x16b: {  	v35 =	vld.idx.msk [tilespmem:v49+s15+$0x0], $0xffff  }
0x16c: {  	v50 =	vor.u32 v30, v34;
	_ =	sdelay $0x2  }
0x16d: {  	(v2sf) =	vpush v33, $0x1  }
0x16e: {  	[tilespmem:$0x11280] =	vst v35  }
0x16f: {  	v35 =	vld.idx.msk [tilespmem:v50+s15+$0x0], $0xffff  }
0x170: {  	v34 =	vor.u32 v31, v34  }
0x171: {  	s4 =	spop (v2sf)  }
0x172: {  	s7 =	sand.u32 $0x7F, s4  }
0x173: {  	s8 =	sshra.s32 s4, $0x1F;
	p5 =	slt.s32 s4, $0x1;
	p6 =	sne.s32 s7, $0x0  }
0x174: {  	s8 =	sshrl.u32 s8, $0x19;
	p0 =	por !p5, !p6;
	[tilespmem:$0x11300] =	vst v35  }
0x175: {  	s6 =	simm.s32 $0x1;
	s4 =	sadd.s32 s8, s4;
	p0 =	por !p0, !p0;
	v35 =	vld.idx.msk [tilespmem:v34+s15+$0x0], $0xffff  }
0x176: {  	s4 =	sshrl.u32 s4, $0x7;
	s6 =	simm.s32 @!p0 $0x0  }
0x177: {  	s4 =	ssub.s32 s4, s6  }
0x178: {  	(v2sf) =	vpush v33, $0x2;
	s4 =	sshll.u32 s4, $0x7  }
0x179: {  	s4 =	sand.u32 $0x1FFFFF80, s4  }
0x17a: {  	s4 =	sadd.s32 s1, s4;
	v51 =	vld [tilespmem:$0x11400];
	[tilespmem:$0x11380] =	vst v35  }
0x17b: {  	v52 =	vld [tilespmem:$0x11410];
	[tilespmem:s15], [sflag:$0x1] =	stream.strided.gather [hbm4b:s4+s15], $0x1000, s14, s15, $0x38  }
0x17c: {  	s4 =	spop (v2sf)  }
0x17d: {  	s7 =	sand.u32 $0x7F, s4  }
0x17e: {  	s8 =	sshra.s32 s4, $0x1F;
	p1 =	slt.s32 s4, $0x1;
	p2 =	sne.s32 s7, $0x0  }
0x17f: {  	s8 =	sshrl.u32 s8, $0x19;
	p0 =	por !p1, !p2  }
0x180: {  	s6 =	simm.s32 $0x1;
	s4 =	sadd.s32 s8, s4;
	p0 =	por !p0, !p0  }
0x181: {  	s4 =	sshrl.u32 s4, $0x7;
	s6 =	simm.s32 @!p0 $0x0  }
0x182: {  	s4 =	ssub.s32 s4, s6  }
0x183: {  	(v2sf) =	vpush v33, $0x3;
	s4 =	sshll.u32 s4, $0x7  }
0x184: {  	s4 =	sand.u32 $0x1FFFFF80, s4  }
0x185: {  	s4 =	sadd.s32 s1, s4  }
0x186: {  	[tilespmem:s16], [sflag:$0x1] =	stream.strided.gather [hbm4b:s4+s15], $0x1000, s14, s15, $0x38;
	[tilespmem:$0x11700] =	vst v63  }
0x187: {  	s4 =	spop (v2sf)  }
0x188: {  	s7 =	sand.u32 $0x7F, s4  }
0x189: {  	s8 =	sshra.s32 s4, $0x1F;
	p3 =	slt.s32 s4, $0x1;
	p4 =	sne.s32 s7, $0x0  }
0x18a: {  	s8 =	sshrl.u32 s8, $0x19;
	p0 =	por !p3, !p4  }
0x18b: {  	s6 =	simm.s32 $0x1;
	s4 =	sadd.s32 s8, s4;
	p0 =	por !p0, !p0  }
0x18c: {  	s4 =	sshrl.u32 s4, $0x7;
	s6 =	simm.s32 @!p0 $0x0  }
0x18d: {  	s4 =	ssub.s32 s4, s6  }
0x18e: {  	(v2sf) =	vpush v33, $0x4;
	s4 =	sshll.u32 s4, $0x7  }
0x18f: {  	s4 =	sand.u32 $0x1FFFFF80, s4  }
0x190: {  	s4 =	sadd.s32 s1, s4  }
0x191: {  	[tilespmem:s17], [sflag:$0x1] =	stream.strided.gather [hbm4b:s4+s15], $0x1000, s14, s15, $0x38;
	[tilespmem:$0x11700] =	vst v63  }
0x192: {  	s4 =	spop (v2sf)  }
0x193: {  	s7 =	sand.u32 $0x7F, s4  }
0x194: {  	s8 =	sshra.s32 s4, $0x1F;
	p5 =	slt.s32 s4, $0x1;
	p6 =	sne.s32 s7, $0x0  }
0x195: {  	s8 =	sshrl.u32 s8, $0x19;
	p0 =	por !p5, !p6  }
0x196: {  	s6 =	simm.s32 $0x1;
	s4 =	sadd.s32 s8, s4;
	p0 =	por !p0, !p0  }
0x197: {  	s4 =	sshrl.u32 s4, $0x7;
	s6 =	simm.s32 @!p0 $0x0  }
0x198: {  	s4 =	ssub.s32 s4, s6  }
0x199: {  	(v2sf) =	vpush v33, $0x5;
	s4 =	sshll.u32 s4, $0x7  }
0x19a: {  	s4 =	sand.u32 $0x1FFFFF80, s4  }
0x19b: {  	s4 =	sadd.s32 s1, s4  }
0x19c: {  	[tilespmem:s18], [sflag:$0x1] =	stream.strided.gather [hbm4b:s4+s15], $0x1000, s14, s15, $0x38;
	[tilespmem:$0x11700] =	vst v63  }
0x19d: {  	s4 =	spop (v2sf)  }
0x19e: {  	s7 =	sand.u32 $0x7F, s4  }
0x19f: {  	s8 =	sshra.s32 s4, $0x1F;
	p1 =	slt.s32 s4, $0x1;
	p2 =	sne.s32 s7, $0x0  }
0x1a0: {  	s8 =	sshrl.u32 s8, $0x19;
	p0 =	por !p1, !p2  }
0x1a1: {  	s6 =	simm.s32 $0x1;
	s4 =	sadd.s32 s8, s4;
	p0 =	por !p0, !p0  }
0x1a2: {  	s4 =	sshrl.u32 s4, $0x7;
	s6 =	simm.s32 @!p0 $0x0  }
0x1a3: {  	s4 =	ssub.s32 s4, s6  }
0x1a4: {  	(v2sf) =	vpush v33, $0x6;
	s4 =	sshll.u32 s4, $0x7  }
0x1a5: {  	s4 =	sand.u32 $0x1FFFFF80, s4  }
0x1a6: {  	s4 =	sadd.s32 s1, s4  }
0x1a7: {  	[tilespmem:s19], [sflag:$0x1] =	stream.strided.gather [hbm4b:s4+s15], $0x1000, s14, s15, $0x38;
	[tilespmem:$0x11700] =	vst v63  }
0x1a8: {  	s4 =	spop (v2sf)  }
0x1a9: {  	s7 =	sand.u32 $0x7F, s4  }
0x1aa: {  	s8 =	sshra.s32 s4, $0x1F;
	p3 =	slt.s32 s4, $0x1;
	p4 =	sne.s32 s7, $0x0  }
0x1ab: {  	s8 =	sshrl.u32 s8, $0x19;
	p0 =	por !p3, !p4  }
0x1ac: {  	s6 =	simm.s32 $0x1;
	s4 =	sadd.s32 s8, s4;
	p0 =	por !p0, !p0  }
0x1ad: {  	s4 =	sshrl.u32 s4, $0x7;
	s6 =	simm.s32 @!p0 $0x0  }
0x1ae: {  	s4 =	ssub.s32 s4, s6  }
0x1af: {  	(v2sf) =	vpush v33, $0x7;
	s4 =	sshll.u32 s4, $0x7  }
0x1b0: {  	s4 =	sand.u32 $0x1FFFFF80, s4  }
0x1b1: {  	s4 =	sadd.s32 s1, s4  }
0x1b2: {  	[tilespmem:s20], [sflag:$0x1] =	stream.strided.gather [hbm4b:s4+s15], $0x1000, s14, s15, $0x38;
	[tilespmem:$0x11700] =	vst v63  }
0x1b3: {  	s4 =	spop (v2sf)  }
0x1b4: {  	s7 =	sand.u32 $0x7F, s4  }
0x1b5: {  	s8 =	sshra.s32 s4, $0x1F;
	p5 =	slt.s32 s4, $0x1;
	p6 =	sne.s32 s7, $0x0  }
0x1b6: {  	s8 =	sshrl.u32 s8, $0x19;
	p0 =	por !p5, !p6  }
0x1b7: {  	s6 =	simm.s32 $0x1;
	s4 =	sadd.s32 s8, s4;
	p0 =	por !p0, !p0  }
0x1b8: {  	s4 =	sshrl.u32 s4, $0x7;
	s6 =	simm.s32 @!p0 $0x0  }
0x1b9: {  	s4 =	ssub.s32 s4, s6  }
0x1ba: {  	(v2sf) =	vpush v33, $0x8;
	s4 =	sshll.u32 s4, $0x7  }
0x1bb: {  	s4 =	sand.u32 $0x1FFFFF80, s4  }
0x1bc: {  	s4 =	sadd.s32 s1, s4  }
0x1bd: {  	[tilespmem:s21], [sflag:$0x1] =	stream.strided.gather [hbm4b:s4+s15], $0x1000, s14, s15, $0x38;
	[tilespmem:$0x11700] =	vst v63  }
0x1be: {  	s4 =	spop (v2sf)  }
0x1bf: {  	s7 =	sand.u32 $0x7F, s4  }
0x1c0: {  	s8 =	sshra.s32 s4, $0x1F;
	p1 =	slt.s32 s4, $0x1;
	p2 =	sne.s32 s7, $0x0  }
0x1c1: {  	s8 =	sshrl.u32 s8, $0x19;
	p0 =	por !p1, !p2  }
0x1c2: {  	s6 =	simm.s32 $0x1;
	s4 =	sadd.s32 s8, s4;
	p0 =	por !p0, !p0  }
0x1c3: {  	s4 =	sshrl.u32 s4, $0x7;
	s6 =	simm.s32 @!p0 $0x0  }
0x1c4: {  	s4 =	ssub.s32 s4, s6  }
0x1c5: {  	(v2sf) =	vpush v33, $0x9;
	s4 =	sshll.u32 s4, $0x7  }
0x1c6: {  	s4 =	sand.u32 $0x1FFFFF80, s4  }
0x1c7: {  	s4 =	sadd.s32 s1, s4  }
0x1c8: {  	[tilespmem:s22], [sflag:$0x1] =	stream.strided.gather [hbm4b:s4+s15], $0x1000, s14, s15, $0x38;
	[tilespmem:$0x11700] =	vst v63  }
0x1c9: {  	s4 =	spop (v2sf)  }
0x1ca: {  	s7 =	sand.u32 $0x7F, s4  }
0x1cb: {  	s8 =	sshra.s32 s4, $0x1F;
	p3 =	slt.s32 s4, $0x1;
	p4 =	sne.s32 s7, $0x0  }
0x1cc: {  	s8 =	sshrl.u32 s8, $0x19;
	p0 =	por !p3, !p4  }
0x1cd: {  	s6 =	simm.s32 $0x1;
	s4 =	sadd.s32 s8, s4;
	p0 =	por !p0, !p0  }
0x1ce: {  	s4 =	sshrl.u32 s4, $0x7;
	s6 =	simm.s32 @!p0 $0x0  }
0x1cf: {  	s4 =	ssub.s32 s4, s6  }
0x1d0: {  	(v2sf) =	vpush v33, $0xA;
	s4 =	sshll.u32 s4, $0x7  }
0x1d1: {  	s4 =	sand.u32 $0x1FFFFF80, s4  }
0x1d2: {  	s4 =	sadd.s32 s1, s4  }
0x1d3: {  	[tilespmem:s23], [sflag:$0x1] =	stream.strided.gather [hbm4b:s4+s15], $0x1000, s14, s15, $0x38;
	[tilespmem:$0x11700] =	vst v63  }
0x1d4: {  	s4 =	spop (v2sf)  }
0x1d5: {  	s7 =	sand.u32 $0x7F, s4  }
0x1d6: {  	s8 =	sshra.s32 s4, $0x1F;
	p5 =	slt.s32 s4, $0x1;
	p6 =	sne.s32 s7, $0x0  }
0x1d7: {  	s8 =	sshrl.u32 s8, $0x19;
	p0 =	por !p5, !p6  }
0x1d8: {  	s6 =	simm.s32 $0x1;
	s4 =	sadd.s32 s8, s4;
	p0 =	por !p0, !p0  }
0x1d9: {  	s4 =	sshrl.u32 s4, $0x7;
	s6 =	simm.s32 @!p0 $0x0  }
0x1da: {  	s4 =	ssub.s32 s4, s6  }
0x1db: {  	(v2sf) =	vpush v33, $0xB;
	s4 =	sshll.u32 s4, $0x7  }
0x1dc: {  	s4 =	sand.u32 $0x1FFFFF80, s4  }
0x1dd: {  	s4 =	sadd.s32 s1, s4  }
0x1de: {  	[tilespmem:s24], [sflag:$0x1] =	stream.strided.gather [hbm4b:s4+s15], $0x1000, s14, s15, $0x38;
	[tilespmem:$0x11700] =	vst v63  }
0x1df: {  	s4 =	spop (v2sf)  }
0x1e0: {  	s7 =	sand.u32 $0x7F, s4  }
0x1e1: {  	s8 =	sshra.s32 s4, $0x1F;
	p1 =	slt.s32 s4, $0x1;
	p2 =	sne.s32 s7, $0x0  }
0x1e2: {  	s8 =	sshrl.u32 s8, $0x19;
	p0 =	por !p1, !p2  }
0x1e3: {  	s6 =	simm.s32 $0x1;
	s4 =	sadd.s32 s8, s4;
	p0 =	por !p0, !p0  }
0x1e4: {  	s4 =	sshrl.u32 s4, $0x7;
	s6 =	simm.s32 @!p0 $0x0  }
0x1e5: {  	s4 =	ssub.s32 s4, s6  }
0x1e6: {  	(v2sf) =	vpush v33, $0xC;
	s4 =	sshll.u32 s4, $0x7  }
0x1e7: {  	s4 =	sand.u32 $0x1FFFFF80, s4  }
0x1e8: {  	s4 =	sadd.s32 s1, s4  }
0x1e9: {  	[tilespmem:s25], [sflag:$0x1] =	stream.strided.gather [hbm4b:s4+s15], $0x1000, s14, s15, $0x38;
	[tilespmem:$0x11700] =	vst v63  }
0x1ea: {  	s4 =	spop (v2sf)  }
0x1eb: {  	s7 =	sand.u32 $0x7F, s4  }
0x1ec: {  	s8 =	sshra.s32 s4, $0x1F;
	p3 =	slt.s32 s4, $0x1;
	p4 =	sne.s32 s7, $0x0  }
0x1ed: {  	s8 =	sshrl.u32 s8, $0x19;
	p0 =	por !p3, !p4  }
0x1ee: {  	s6 =	simm.s32 $0x1;
	s4 =	sadd.s32 s8, s4;
	p0 =	por !p0, !p0  }
0x1ef: {  	s4 =	sshrl.u32 s4, $0x7;
	s6 =	simm.s32 @!p0 $0x0  }
0x1f0: {  	s4 =	ssub.s32 s4, s6  }
0x1f1: {  	(v2sf) =	vpush v33, $0xD;
	s4 =	sshll.u32 s4, $0x7  }
0x1f2: {  	s4 =	sand.u32 $0x1FFFFF80, s4  }
0x1f3: {  	s4 =	sadd.s32 s1, s4  }
0x1f4: {  	[tilespmem:s26], [sflag:$0x1] =	stream.strided.gather [hbm4b:s4+s15], $0x1000, s14, s15, $0x38;
	[tilespmem:$0x11700] =	vst v63  }
0x1f5: {  	s4 =	spop (v2sf)  }
0x1f6: {  	s7 =	sand.u32 $0x7F, s4  }
0x1f7: {  	(v2sf) =	vpush v33, $0xE;
	s8 =	sshra.s32 s4, $0x1F;
	p5 =	slt.s32 s4, $0x1;
	p6 =	sne.s32 s7, $0x0  }
0x1f8: {  	s8 =	sshrl.u32 s8, $0x19;
	p0 =	por !p5, !p6  }
0x1f9: {  	s6 =	simm.s32 $0x1;
	s4 =	sadd.s32 s8, s4;
	p0 =	por !p0, !p0  }
0x1fa: {  	s4 =	sshrl.u32 s4, $0x7;
	s6 =	simm.s32 @!p0 $0x0  }
0x1fb: {  	s4 =	ssub.s32 s4, s6  }
0x1fc: {  	s4 =	sshll.u32 s4, $0x7  }
0x1fd: {  	s4 =	sand.u32 $0x1FFFFF80, s4  }
0x1fe: {  	s4 =	sadd.s32 s1, s4  }
0x1ff: {  	[tilespmem:s28], [sflag:$0x1] =	stream.strided.gather [hbm4b:s4+s15], $0x1000, s14, s15, $0x38;
	[tilespmem:$0x11700] =	vst v63  }
0x200: {  	s4 =	spop (v2sf)  }
0x201: {  	s7 =	sand.u32 $0x7F, s4  }
0x202: {  	s8 =	sshra.s32 s4, $0x1F;
	p1 =	slt.s32 s4, $0x1;
	p2 =	sne.s32 s7, $0x0  }
0x203: {  	(v2sf) =	vpush v33, $0xF;
	s8 =	sshrl.u32 s8, $0x19;
	p0 =	por !p1, !p2  }
0x204: {  	s6 =	simm.s32 $0x1;
	s4 =	sadd.s32 s8, s4;
	p0 =	por !p0, !p0  }
0x205: {  	s4 =	sshrl.u32 s4, $0x7;
	s6 =	simm.s32 @!p0 $0x0  }
0x206: {  	s4 =	ssub.s32 s4, s6;
	s6 =	spop (v2sf)  }
0x207: {  	s4 =	sshll.u32 s4, $0x7;
	s7 =	sand.u32 $0x7F, s6;
	s8 =	sshra.s32 s6, $0x1F  }
0x208: {  	p3 =	slt.s32 s6, $0x1;
	s4 =	sand.u32 $0x1FFFFF80, s4;
	p4 =	sne.s32 s7, $0x0  }
0x209: {  	s8 =	sshrl.u32 s8, $0x19;
	s4 =	sadd.s32 s1, s4;
	p0 =	por !p3, !p4  }
0x20a: {  	[tilespmem:s29], [sflag:$0x1] =	stream.strided.gather [hbm4b:s4+s15], $0x1000, s14, s15, $0x38;
	[tilespmem:$0x11700] =	vst v63  }
0x20b: {  	s4 =	sadd.s32 s8, s6;
	p0 =	por !p0, !p0;
	s6 =	simm.s32 $0x1  }
0x20c: {  	s4 =	sshrl.u32 s4, $0x7;
	s6 =	simm.s32 @!p0 $0x0  }
0x20d: {  	s4 =	ssub.s32 s4, s6  }
0x20e: {  	s4 =	sshll.u32 s4, $0x7  }
0x20f: {  	s4 =	sand.u32 $0x1FFFFF80, s4  }
0x210: {  	s4 =	sadd.s32 s1, s4  }
0x211: {  	[tilespmem:s30], [sflag:$0x1] =	stream.strided.gather [hbm4b:s4+s15], $0x1000, s14, s15, $0x38;
	[tilespmem:$0x11700] =	vst v63  }
0x212: {  	s4 =	spop (v2sf)  }
0x213: {  	s7 =	sand.u32 $0x7F, s4  }
0x214: {  	s8 =	sshra.s32 s4, $0x1F;
	p5 =	slt.s32 s4, $0x1;
	p6 =	sne.s32 s7, $0x0  }
0x215: {  	s8 =	sshrl.u32 s8, $0x19;
	p0 =	por !p5, !p6  }
0x216: {  	s6 =	simm.s32 $0x1;
	s4 =	sadd.s32 s8, s4;
	p0 =	por !p0, !p0  }
0x217: {  	s4 =	sshrl.u32 s4, $0x7;
	s6 =	simm.s32 @!p0 $0x0  }
0x218: {  	s4 =	ssub.s32 s4, s6  }
0x219: {  	s4 =	sshll.u32 s4, $0x7  }
0x21a: {  	s4 =	sand.u32 $0x1FFFFF80, s4  }
0x21b: {  	s4 =	sadd.s32 s1, s4  }
0x21c: {  	[tilespmem:s31], [sflag:$0x1] =	stream.strided.gather [hbm4b:s4+s15], $0x1000, s14, s15, $0x38;
	[tilespmem:$0x11700] =	vst v63  }
0x21d: {  	_ =	swait.ge [sflag:s13], $0x1000  }
0x21e: {  	[sflag:s13] =	ssyncset.done $0x0  }
0x21f: {  	[sflag:s13] =	ssyncadd.s32 $0xFFFFF000  }
0x220: {  	_ =	swait.ge [sflag:s13], $0x1000  }
0x221: {  	[sflag:s13] =	ssyncset.done $0x0  }
0x222: {  	[sflag:s13] =	ssyncadd.s32 $0xFFFFF000  }
0x223: {  	_ =	swait.ge [sflag:s13], $0x1000  }
0x224: {  	[sflag:s13] =	ssyncset.done $0x0  }
0x225: {  	[sflag:s13] =	ssyncadd.s32 $0xFFFFF000  }
0x226: {  	_ =	swait.ge [sflag:s13], $0x1000  }
0x227: {  	[sflag:s13] =	ssyncset.done $0x0  }
0x228: {  	[sflag:s13] =	ssyncadd.s32 $0xFFFFF000  }
0x229: {  	_ =	swait.ge [sflag:s13], $0x1000  }
0x22a: {  	[sflag:s13] =	ssyncset.done $0x0  }
0x22b: {  	[sflag:s13] =	ssyncadd.s32 $0xFFFFF000  }
0x22c: {  	_ =	swait.ge [sflag:s13], $0x1000  }
0x22d: {  	[sflag:s13] =	ssyncset.done $0x0  }
0x22e: {  	[sflag:s13] =	ssyncadd.s32 $0xFFFFF000  }
0x22f: {  	_ =	swait.ge [sflag:s13], $0x1000  }
0x230: {  	[sflag:s13] =	ssyncset.done $0x0  }
0x231: {  	[sflag:s13] =	ssyncadd.s32 $0xFFFFF000  }
0x232: {  	_ =	swait.ge [sflag:s13], $0x1000  }
0x233: {  	[sflag:s13] =	ssyncset.done $0x0  }
0x234: {  	[sflag:s13] =	ssyncadd.s32 $0xFFFFF000  }
0x235: {  	_ =	swait.ge [sflag:s13], $0x1000  }
0x236: {  	[sflag:s13] =	ssyncset.done $0x0  }
0x237: {  	[sflag:s13] =	ssyncadd.s32 $0xFFFFF000  }
0x238: {  	_ =	swait.ge [sflag:s13], $0x1000  }
0x239: {  	[sflag:s13] =	ssyncset.done $0x0  }
0x23a: {  	[sflag:s13] =	ssyncadd.s32 $0xFFFFF000  }
0x23b: {  	_ =	swait.ge [sflag:s13], $0x1000  }
0x23c: {  	[sflag:s13] =	ssyncset.done $0x0  }
0x23d: {  	[sflag:s13] =	ssyncadd.s32 $0xFFFFF000  }
0x23e: {  	_ =	swait.ge [sflag:s13], $0x1000  }
0x23f: {  	[sflag:s13] =	ssyncset.done $0x0  }
0x240: {  	[sflag:s13] =	ssyncadd.s32 $0xFFFFF000  }
0x241: {  	_ =	swait.ge [sflag:s13], $0x1000  }
0x242: {  	[sflag:s13] =	ssyncset.done $0x0  }
0x243: {  	[sflag:s13] =	ssyncadd.s32 $0xFFFFF000  }
0x244: {  	_ =	swait.ge [sflag:s13], $0x1000  }
0x245: {  	[sflag:s13] =	ssyncset.done $0x0  }
0x246: {  	[sflag:s13] =	ssyncadd.s32 $0xFFFFF000  }
0x247: {  	_ =	swait.ge [sflag:s13], $0x1000  }
0x248: {  	v33 =	vand.u32 $0x7F, v33;
	[sflag:s13] =	ssyncset.done $0x0  }
0x249: {  	v53 =	vor.u32 v0, v33;
	[sflag:s13] =	ssyncadd.s32 $0xFFFFF000  }
0x24a: {  	_ =	swait.ge [sflag:s13], $0x1000  }
0x24b: {  	v37 =	vor.u32 v1, v33;
	[sflag:s13] =	ssyncset.done $0x0  }
0x24c: {  	[sflag:s13] =	ssyncadd.s32 $0xFFFFF000  }
0x24d: {  	v39 =	vor.u32 v2, v33;
	v38 =	vld [tilespmem:$0x10400]  }
0x24e: {  	v36 =	vld.idx.msk [tilespmem:v53+s15+$0x0], $0xffff  }
0x24f: {  	v41 =	vor.u32 v3, v33;
	v40 =	vld [tilespmem:$0x10480]  }
0x250: {  	v37 =	vld.idx.msk [tilespmem:v37+s15+$0x0], $0xffff  }
0x251: {  	v34 =	vadd.f32 v52, v51;
	v42 =	vor.u32 v4, v33;
	v54 =	vld [tilespmem:$0x10500]  }
0x252: {  	v39 =	vld.idx.msk [tilespmem:v39+s15+$0x0], $0xffff  }
0x253: {  	v34 =	vadd.f32 v34, v32;
	v43 =	vor.u32 v5, v33;
	v55 =	vld [tilespmem:$0x10580];
	v36 =	vmul.f32 v36, v38  }
0x254: {  	v41 =	vld.idx.msk [tilespmem:v41+s15+$0x0], $0xffff  }
0x255: {  	v58 =	vor.u32 v6, v33;
	v57 =	vld [tilespmem:$0x10600];
	v56 =	vmul.f32 v37, v40;
	v34 =	vadd.f32 v36, v34  }
0x256: {  	v42 =	vld.idx.msk [tilespmem:v42+s15+$0x0], $0xffff  }
0x257: {  	v60 =	vor.u32 v7, v33;
	v59 =	vld [tilespmem:$0x10680];
	v35 =	vmul.f32 v39, v54;
	v34 =	vadd.f32 v56, v34  }
0x258: {  	v43 =	vld.idx.msk [tilespmem:v43+s15+$0x0], $0xffff  }
0x259: {  	v63 =	vor.u32 v8, v33;
	v62 =	vld [tilespmem:$0x10700];
	v61 =	vmul.f32 v41, v55;
	v34 =	vadd.f32 v35, v34  }
0x25a: {  	v40 =	vld.idx.msk [tilespmem:v58+s15+$0x0], $0xffff  }
0x25b: {  	v47 =	vor.u32 v9, v33;
	v46 =	vld [tilespmem:$0x10780];
	v45 =	vmul.f32 v42, v57;
	v34 =	vadd.f32 v61, v34  }
0x25c: {  	v39 =	vld.idx.msk [tilespmem:v60+s15+$0x0], $0xffff  }
0x25d: {  	v50 =	vor.u32 v10, v33;
	v49 =	vld [tilespmem:$0x10800];
	v48 =	vmul.f32 v43, v59;
	v34 =	vadd.f32 v45, v34  }
0x25e: {  	v41 =	vld.idx.msk [tilespmem:v63+s15+$0x0], $0xffff  }
0x25f: {  	v52 =	vld [tilespmem:$0x10880];
	v53 =	vor.u32 v11, v33;
	v51 =	vmul.f32 v40, v62;
	v34 =	vadd.f32 v48, v34  }
0x260: {  	v42 =	vld.idx.msk [tilespmem:v47+s15+$0x0], $0xffff  }
0x261: {  	v55 =	vld [tilespmem:$0x10900];
	v56 =	vor.u32 v12, v33;
	v54 =	vmul.f32 v39, v46;
	v34 =	vadd.f32 v51, v34  }
0x262: {  	v43 =	vld.idx.msk [tilespmem:v50+s15+$0x0], $0xffff;
	v59 =	vor.u32 v13, v33  }
0x263: {  	v58 =	vld [tilespmem:$0x10980];
	v57 =	vmul.f32 v41, v49;
	v34 =	vadd.f32 v54, v34  }
0x264: {  	v40 =	vld.idx.msk [tilespmem:v53+s15+$0x0], $0xffff;
	v62 =	vor.u32 v14, v33  }
0x265: {  	v60 =	vmul.f32 v42, v52;
	v61 =	vld [tilespmem:$0x10A00];
	v34 =	vadd.f32 v57, v34  }
0x266: {  	v46 =	vor.u32 v15, v33;
	v39 =	vld.idx.msk [tilespmem:v56+s15+$0x0], $0xffff  }
0x267: {  	v63 =	vmul.f32 v43, v55;
	v41 =	vld.idx.msk [tilespmem:v59+s15+$0x0], $0xffff;
	v34 =	vadd.f32 v60, v34  }
0x268: {  	v49 =	vor.u32 v16, v33;
	v45 =	vld [tilespmem:$0x10A80]  }
0x269: {  	v47 =	vmul.f32 v40, v58;
	v42 =	vld.idx.msk [tilespmem:v62+s15+$0x0], $0xffff;
	v34 =	vadd.f32 v63, v34  }
0x26a: {  	v52 =	vor.u32 v17, v33;
	v48 =	vld [tilespmem:$0x10B00]  }
0x26b: {  	v43 =	vld.idx.msk [tilespmem:v46+s15+$0x0], $0xffff;
	v50 =	vmul.f32 v39, v61;
	v34 =	vadd.f32 v47, v34  }
0x26c: {  	v55 =	vor.u32 v18, v33;
	v51 =	vld [tilespmem:$0x10B80]  }
0x26d: {  	v40 =	vld.idx.msk [tilespmem:v49+s15+$0x0], $0xffff;
	v53 =	vmul.f32 v41, v45;
	v34 =	vadd.f32 v50, v34  }
0x26e: {  	v58 =	vor.u32 v19, v33;
	v54 =	vld [tilespmem:$0x10C00]  }
0x26f: {  	v39 =	vld.idx.msk [tilespmem:v52+s15+$0x0], $0xffff;
	v56 =	vmul.f32 v42, v48;
	v34 =	vadd.f32 v53, v34  }
0x270: {  	v61 =	vor.u32 v20, v33;
	v57 =	vld [tilespmem:$0x10C80]  }
0x271: {  	v41 =	vld.idx.msk [tilespmem:v55+s15+$0x0], $0xffff;
	v59 =	vmul.f32 v43, v51;
	v34 =	vadd.f32 v56, v34  }
0x272: {  	v45 =	vor.u32 v21, v33;
	v60 =	vld [tilespmem:$0x10D00]  }
0x273: {  	v42 =	vld.idx.msk [tilespmem:v58+s15+$0x0], $0xffff;
	v62 =	vmul.f32 v40, v54;
	v34 =	vadd.f32 v59, v34  }
0x274: {  	v48 =	vor.u32 v22, v33;
	v63 =	vld [tilespmem:$0x10D80]  }
0x275: {  	v43 =	vld.idx.msk [tilespmem:v61+s15+$0x0], $0xffff;
	v46 =	vmul.f32 v39, v57;
	v34 =	vadd.f32 v62, v34  }
0x276: {  	v51 =	vor.u32 v23, v33;
	v47 =	vld [tilespmem:$0x10E00]  }
0x277: {  	v40 =	vld.idx.msk [tilespmem:v45+s15+$0x0], $0xffff;
	v49 =	vmul.f32 v41, v60;
	v34 =	vadd.f32 v46, v34  }
0x278: {  	v54 =	vor.u32 v24, v33;
	v50 =	vld [tilespmem:$0x10E80]  }
0x279: {  	v39 =	vld.idx.msk [tilespmem:v48+s15+$0x0], $0xffff;
	v52 =	vmul.f32 v42, v63;
	v34 =	vadd.f32 v49, v34  }
0x27a: {  	v57 =	vor.u32 v25, v33;
	v53 =	vld [tilespmem:$0x10F00]  }
0x27b: {  	v41 =	vld.idx.msk [tilespmem:v51+s15+$0x0], $0xffff;
	v55 =	vmul.f32 v43, v47;
	v34 =	vadd.f32 v52, v34  }
0x27c: {  	v60 =	vor.u32 v26, v33;
	v56 =	vld [tilespmem:$0x10F80]  }
0x27d: {  	v42 =	vld.idx.msk [tilespmem:v54+s15+$0x0], $0xffff;
	v58 =	vmul.f32 v40, v50;
	v34 =	vadd.f32 v55, v34  }
0x27e: {  	v63 =	vor.u32 v27, v33;
	v59 =	vld [tilespmem:$0x11000]  }
0x27f: {  	v43 =	vld.idx.msk [tilespmem:v57+s15+$0x0], $0xffff;
	v61 =	vmul.f32 v39, v53;
	v34 =	vadd.f32 v58, v34  }
0x280: {  	v47 =	vor.u32 v28, v33;
	v62 =	vld [tilespmem:$0x11080]  }
0x281: {  	v40 =	vld.idx.msk [tilespmem:v60+s15+$0x0], $0xffff;
	v45 =	vmul.f32 v41, v56;
	v34 =	vadd.f32 v61, v34  }
0x282: {  	v50 =	vor.u32 v29, v33;
	v46 =	vld [tilespmem:$0x11100]  }
0x283: {  	v39 =	vld.idx.msk [tilespmem:v63+s15+$0x0], $0xffff;
	v48 =	vmul.f32 v42, v59;
	v34 =	vadd.f32 v45, v34  }
0x284: {  	v53 =	vor.u32 v30, v33;
	v49 =	vld [tilespmem:$0x11180]  }
0x285: {  	v41 =	vld.idx.msk [tilespmem:v47+s15+$0x0], $0xffff;
	v51 =	vmul.f32 v43, v62;
	v34 =	vadd.f32 v48, v34  }
0x286: {  	v33 =	vor.u32 v31, v33;
	v52 =	vld [tilespmem:$0x11200]  }
0x287: {  	v56 =	vld.idx.msk [tilespmem:v50+s15+$0x0], $0xffff;
	v54 =	vmul.f32 v40, v46;
	v34 =	vadd.f32 v51, v34  }
0x288: {  	v55 =	vld [tilespmem:$0x11280]  }
0x289: {  	v59 =	vld.idx.msk [tilespmem:v53+s15+$0x0], $0xffff;
	v57 =	vmul.f32 v39, v49;
	v34 =	vadd.f32 v54, v34  }
0x28a: {  	v58 =	vld [tilespmem:$0x11300]  }
0x28b: {  	v33 =	vld.idx.msk [tilespmem:v33+s15+$0x0], $0xffff;
	v60 =	vmul.f32 v41, v52;
	v34 =	vadd.f32 v57, v34  }
0x28c: {  	v61 =	vld [tilespmem:$0x11380]  }
0x28d: {  	v62 =	vmul.f32 v56, v55;
	v34 =	vadd.f32 v60, v34;
	_ =	sdelay $0x1  }
0x28e: {  	v63 =	vmul.f32 v59, v58;
	v34 =	vadd.f32 v62, v34;
	_ =	sdelay $0x1  }
0x28f: {  	v33 =	vmul.f32 v33, v61;
	v34 =	vadd.f32 v63, v34;
	_ =	sdelay $0x1  }
0x290: {  	v33 =	vadd.f32 v33, v34;
	_ =	sdelay $0x1  }
0x291: {  	v33 =	vsub.f32 $0.0e+00, v33;
	_ =	sdelay $0x1  }
0x292: {  	v33 =	vmul.f32 $1.442695020e+00, v33;
	_ =	sdelay $0x1  }
0x293: {  	(erf) = vpow2.f32 v33;
	_ =	sdelay $0x8  }
0x294: {  	v33 =	vpop (erf)  }
0x295: {  	v33 =	vadd.f32 $1.000000000e+00, v33;
	_ =	sdelay $0x1  }
0x296: {  	(erf) = vrcp.f32 v33;
	_ =	sdelay $0x6  }
0x297: {  	p0 =	sne.s32 s11, $0x7C0  }
.Ltmp0:
0x298: {  	_ = 	snop;
	(pc) =	sbr.rel @p0 .LBB2_2-.Ltmp0, $3  }
0x299: {  	v33 =	vpop (erf)  }
0x29a: {  	v33 =	vmul.f32 $5.500000000e+00, v33;
	_ =	sdelay $0x1  }
0x29b: {  	s11 =	sadd.s32 $0x40, s11;
	[tilespmem:s12+$0x11480] =	vst v33  }
0x29c: {  	s3 =	sadd.s32 $0x1, s3  }
0x29d: {  	p0 =	sne.s32 s3, s9  }
.Ltmp1:
0x29e: {  	s4 =	rddreg [dreg:$0xf];
	s6 =	simm.s32 $0x11480;
	(pc) =	sbr.rel @p0 .LBB2_1-.Ltmp1, $4  }
0x29f: {  	[hbm4b:s4+s5] =	stream.linear.scatter [tilespmem:s6], [sflag:$0x2], $0x200, $0x38;
	[tilespmem:$0x11700] =	vst v63  }
0x2a0: {  	_ =	swait.ge [sflag:s10], $0x200  }
0x2a1: {  	[sflag:s10] =	ssyncset.done $0x0  }
0x2a2: {  	[sflag:s10] =	ssyncadd.s32 $0xFFFFFE00  }
0x2a3: {  	_ =	sfence.sel $0x180000  }
0x2a4: {  	[bflag:$0x0] =	sbarrier.arrive $0xFFFF  }
0x2a5: {  	_ =	strace $0x90000047  }
0x2a6: {  	s0 =	stileid.u32;
	[bflag:$0x2] =	sbarrier.arrive $0xFFFF  }
0x2a7: {  	p0 =	sne.s32 s0, $0x0;
	s0 =	rddreg [dreg:$0x8]  }
0x2a8: {  	s0 =	sadd.s32 @!p0 $0x100000, s0  }
0x2a9: {  	[sflag:s0] =	ssyncadd.tile.s32 @!p0 $0x1;
	_ =	shalt  }
.Lfunc_end2:
_tile_overlayer_lowered:
.L_overlay_start_2:
0x2aa: {  	(tag) =	ssettag $0x2  }
0x2ab: {  	s0 =	rddreg [dreg:$0x0];
	s2 =	stileid.u32  }
0x2ac: {  	s1 =	rddreg [dreg:$0x1];
	p0 =	sne.s32 s2, $0x0  }
0x2ad: {  	s3 =	rddreg [dreg:$0x2];
	[bflag:$0x3] =	sbarrier.arrive $0xFFFF;
	s2 =	simm.s32 @!p0 $0x1C02  }
0x2ae: {  	[timem:s3], [sflag:s2] =	dma.local @!p0 [hbm:s0], s1  }
0x2af: {  	s0 =	simm.s32 @!p0 $0x2  }
0x2b0: {  	_ =	swait.ge @!p0 [sflag:s0], s1  }
0x2b1: {  	s1 =	ssub.s32 @!p0 $0x0, s1;
	[sflag:s0] =	ssyncset.done @!p0 $0x0  }
0x2b2: {  	[sflag:s0] =	ssyncadd.s32 @!p0 s1  }
0x2b3: {  	[bflag:$0x3] =	sbarrier.arrive $0xFFFF  }
0x2b4: {  	_ =	shalt  }

</sc_bundles>
